<compile_context>
chip_gen: v7x
topology: tpu7x:2x2x1
jax: 0.10.2.dev20260603
libtpu: 0.0.44.dev20260713+nightly
codegen_flags: <defaults>
</compile_context>

<pallas_src>
import functools

import jax
import jax.numpy as jnp
from jax import lax
from jax.experimental import pallas as pl
from jax.experimental.pallas import tpu as pltpu
from jax.experimental.pallas import tpu_sc as plsc

_N = 8192
_D = 64
_TOPK = 16
_ROWS = 512
_LANES = 128
_LAYERS = _N // _LANES
_DEPTH = 8
_NEG = -2.0


def _ce(a, b):
    av, aj = a
    bv, bj = b
    c = av >= bv
    hi = (jnp.where(c, av, bv), jnp.where(c, aj, bj))
    lo = (jnp.where(c, bv, av), jnp.where(c, bj, aj))
    return hi, lo


_BATCHER8 = [
    (0, 1), (2, 3), (4, 5), (6, 7),
    (0, 2), (1, 3), (4, 6), (5, 7),
    (1, 2), (5, 6),
    (0, 4), (1, 5), (2, 6), (3, 7),
    (2, 4), (3, 5),
    (1, 2), (3, 4), (5, 6),
]


def _sort8(a):
    for i, j in _BATCHER8:
        a[i], a[j] = _ce(a[i], a[j])


def _bmerge(a, lo, n, desc):
    if n > 1:
        m = n // 2
        for i in range(lo, lo + m):
            if desc:
                a[i], a[i + m] = _ce(a[i], a[i + m])
            else:
                a[i + m], a[i] = _ce(a[i + m], a[i])
        _bmerge(a, lo, m, desc)
        _bmerge(a, lo + m, m, desc)


def _merge_trunc(A, B):
    C = []
    for i in range(_DEPTH):
        av, aj = A[i]
        bv, bj = B[_DEPTH - 1 - i]
        c = av >= bv
        C.append((jnp.where(c, av, bv), jnp.where(c, aj, bj)))
    _bmerge(C, 0, _DEPTH, True)
    return C


def _norm_body(x_ref, xn_ref):
    x = x_ref[...]
    n2 = jnp.sum(x * x, axis=1, keepdims=True)
    xn_ref[...] = x / jnp.maximum(jnp.sqrt(n2), 1e-12)


def _topk_body(xr_ref, xa_ref, vals_ref, idx_ref):
    s = jax.lax.dot_general(
        xr_ref[...], xa_ref[...], (((1,), (1,)), ((), ())),
        preferred_element_type=jnp.float32,
    )

    pairs = [
        (s[:, _LANES * j:_LANES * (j + 1)],
         jnp.full((_ROWS, _LANES), j, jnp.int32))
        for j in range(_LAYERS)
    ]
    groups = []
    for g in range(_LAYERS // _DEPTH):
        grp = pairs[_DEPTH * g:_DEPTH * (g + 1)]
        _sort8(grp)
        groups.append(grp)
    while len(groups) > 1:
        groups = [
            _merge_trunc(groups[2 * m], groups[2 * m + 1])
            for m in range(len(groups) // 2)
        ]

    lane = jax.lax.broadcasted_iota(jnp.int32, (_ROWS, _LANES), 1)
    T = [(tv, tj * _LANES + lane) for (tv, tj) in groups[0]]
    big = jnp.int32(2**30)
    vals_l, idx_l = [], []
    for _ in range(_TOPK + 1):
        hv, hc = T[0]
        m = jnp.max(hv, axis=1, keepdims=True)
        eq = hv == m
        ix = jnp.min(jnp.where(eq, hc, big), axis=1, keepdims=True)
        vals_l.append(m)
        idx_l.append(ix)
        pop = hc == ix
        for d in range(_DEPTH - 1):
            T[d] = (
                jnp.where(pop, T[d + 1][0], T[d][0]),
                jnp.where(pop, T[d + 1][1], T[d][1]),
            )
        T[_DEPTH - 1] = (
            jnp.where(pop, _NEG, T[_DEPTH - 1][0]),
            T[_DEPTH - 1][1],
        )
    vals_ref[...] = jnp.concatenate(vals_l[1:], axis=1)
    idx_ref[...] = jnp.concatenate(idx_l[1:], axis=1)


def _knn_topk(x):
    xn = pl.pallas_call(
        _norm_body,
        out_shape=jax.ShapeDtypeStruct((_N, _D), jnp.float32),
    )(x)
    return pl.pallas_call(
        _topk_body,
        grid=(_N // _ROWS,),
        in_specs=[
            pl.BlockSpec((_ROWS, _D), lambda i: (i, 0)),
            pl.BlockSpec((_N, _D), lambda i: (0, 0)),
        ],
        out_specs=[
            pl.BlockSpec((_ROWS, _TOPK), lambda i: (i, 0)),
            pl.BlockSpec((_ROWS, _TOPK), lambda i: (i, 0)),
        ],
        out_shape=[
            jax.ShapeDtypeStruct((_N, _TOPK), jnp.float32),
            jax.ShapeDtypeStruct((_N, _TOPK), jnp.int32),
        ],
    )(xn, xn)


_E = 131072
_TOTAL = 4 * _E + _N


def _sc_assemble(ei0, ei1, nbr_flat, kres16):
    info = plsc.get_sparse_core_info()
    NC, NS = info.num_cores, info.num_subcores
    NW = NC * NS
    CH = _E // NW
    CHL = _N // NW
    mesh = plsc.VectorSubcoreMesh(core_axis_name="c", subcore_axis_name="s")

    @functools.partial(
        pl.kernel,
        mesh=mesh,
        out_type=[
            jax.ShapeDtypeStruct((_TOTAL,), jnp.int32),
            jax.ShapeDtypeStruct((_TOTAL,), jnp.int32),
        ],
        scratch_types=[
            pltpu.VMEM((CH,), jnp.int32),
            pltpu.VMEM((CH,), jnp.int32),
            pltpu.VMEM((16,), jnp.int32),
            pltpu.VMEM((CHL,), jnp.int32),
        ],
    )
    def k(ei0_h, ei1_h, nbr_h, kres_h, out0_h, out1_h, buf, gen, kv, lpb):
        wid = lax.axis_index("s") * NC + lax.axis_index("c")
        base = wid * CH
        pltpu.sync_copy(kres_h, kv)
        kvv = kv[...]
        pltpu.sync_copy(ei0_h.at[pl.ds(base, CH)], buf)
        pltpu.sync_copy(buf, out0_h.at[pl.ds(base, CH)])
        pltpu.sync_copy(buf, out1_h.at[pl.ds(2 * _E + base, CH)])
        pltpu.sync_copy(ei1_h.at[pl.ds(base, CH)], buf)
        pltpu.sync_copy(buf, out1_h.at[pl.ds(base, CH)])
        pltpu.sync_copy(buf, out0_h.at[pl.ds(2 * _E + base, CH)])
        pltpu.sync_copy(nbr_h.at[pl.ds(base, CH)], buf)
        pltpu.sync_copy(buf, out0_h.at[pl.ds(3 * _E + base, CH)])
        pltpu.sync_copy(buf, out1_h.at[pl.ds(_E + base, CH)])

        def gen_body(j, carry):
            vec = ((jnp.arange(16, dtype=jnp.int32) + (base + 16 * j)) >> 4) + kvv
            gen[pl.ds(16 * j, 16)] = vec
            return carry

        lax.fori_loop(0, CH // 16, gen_body, 0)
        pltpu.sync_copy(gen, out0_h.at[pl.ds(_E + base, CH)])
        pltpu.sync_copy(gen, out1_h.at[pl.ds(3 * _E + base, CH)])

        lbase = wid * CHL

        def lp_body(j, carry):
            lpb[pl.ds(16 * j, 16)] = jnp.arange(16, dtype=jnp.int32) + (
                lbase + 16 * j
            )
            return carry

        lax.fori_loop(0, CHL // 16, lp_body, 0)
        pltpu.sync_copy(lpb, out0_h.at[pl.ds(4 * _E + lbase, CHL)])
        pltpu.sync_copy(lpb, out1_h.at[pl.ds(4 * _E + lbase, CHL)])

    r0, r1 = k(ei0, ei1, nbr_flat, kres16)
    return jnp.stack([r0, r1], axis=0)


def kernel(x, edge_index, k, feature_weight, geographic_weight, global_weight):
    num_nodes = x.shape[0]
    nbr_vals, nbr_idx = _knn_topk(x)
    adaptive_k = (
        min(_TOPK, num_nodes // 4) if num_nodes > 20 else min(_TOPK, num_nodes - 1)
    )
    k_residual = (jnp.asarray(k) - adaptive_k).astype(edge_index.dtype)
    kres16 = jnp.full((16,), k_residual, dtype=jnp.int32)
    final_edge_index = _sc_assemble(
        edge_index[0], edge_index[1], nbr_idx.reshape(-1), kres16
    )
    edge_weights = feature_weight * nbr_vals
    return final_edge_index, edge_weights

# --- scband reference (transcript-rebuilt; emitter-appended) ---
"""Pipeline reference for scband-dynamic-graph-builder-78546361909463 (READ-ONLY COPY).

The authoritative reference and input builder live on the scoring server;
editing this copy changes nothing except your own understanding.
"""

import jax, jax.numpy as jnp
import numpy as np

N = 8192
D = 64
K = 16
E_EXIST = 131072

def setup_inputs(seed: int = 0) -> dict:
    key = jax.random.key(seed)
    k1, k2 = jax.random.split(key)
    x = jax.random.normal(k1, (N, D), dtype=jnp.float32)
    edge_index = jax.random.randint(k2, (2, E_EXIST), 0, N, dtype=jnp.int32)
    feature_weight = jnp.asarray(0.7, dtype=jnp.float32)
    geographic_weight = jnp.asarray(0.3, dtype=jnp.float32)
    global_weight = jnp.asarray(0.1, dtype=jnp.float32)
    return {
        "x": x,
        "edge_index": edge_index,
        "k": K,
        "feature_weight": feature_weight,
        "geographic_weight": geographic_weight,
        "global_weight": global_weight,
    }

def reference(x, edge_index, k, feature_weight, geographic_weight, global_weight):
    num_nodes = x.shape[0]
    # F.normalize(x, p=2, dim=1)
    x_norm = x / jnp.maximum(jnp.linalg.norm(x, axis=1, keepdims=True), 1e-12)
    # dense cosine similarity [N, N]
    similarity = x_norm @ x_norm.T
    # adaptive_k logic from the module
    adaptive_k = min(K, num_nodes // 4) if num_nodes > 20 else min(K, num_nodes - 1)
    k_residual = (jnp.asarray(k) - adaptive_k).astype(edge_index.dtype)
    # top-(k+1) then drop self (column 0)
    vals, indices = jax.lax.top_k(similarity, adaptive_k + 1)
    nbr_vals = vals[:, 1:]
    nbr_idx = indices[:, 1:]
    # candidate new knn edges (deterministic: feature_weight acceptance taken as keep-all)
    src = jnp.repeat(jnp.arange(num_nodes, dtype=edge_index.dtype), adaptive_k) + k_residual
    dst = nbr_idx.reshape(-1).astype(edge_index.dtype)
    new_edge_index = jnp.stack([src, dst], axis=0)
    updated = jnp.concatenate([edge_index, new_edge_index], axis=1)
    # to_undirected: append reversed edges
    undirected = jnp.concatenate([updated, updated[::-1, :]], axis=1)
    # add_self_loops
    loops = jnp.arange(num_nodes, dtype=edge_index.dtype)
    final_edge_index = jnp.concatenate([undirected, jnp.stack([loops, loops], axis=0)], axis=1)
    # edge weights along the _create_edge_weights path (feature-similarity based)
    edge_weights = feature_weight * nbr_vals
    return final_edge_index, edge_weights

if __name__ == "__main__":
    import jax
    _d = setup_inputs()
    print(jax.jit(kernel)(*tuple(_d.values())))

</pallas_src>

<mosaic_0001>
#map = affine_map<(d0, d1) -> (0)>
module attributes {stable_mosaic.version = 14 : i64} {
  func.func @k(%arg0: i32, %arg1: i32, %arg2: memref<131072xi32, #tpu.memory_space<hbm>>, %arg3: memref<131072xi32, #tpu.memory_space<hbm>>, %arg4: memref<131072xi32, #tpu.memory_space<hbm>>, %arg5: memref<16xi32, #tpu.memory_space<hbm>>, %arg6: memref<532480xi32, #tpu.memory_space<hbm>>, %arg7: memref<532480xi32, #tpu.memory_space<hbm>>, %arg8: memref<4096xi32, #tpu.memory_space<vmem>>, %arg9: memref<4096xi32, #tpu.memory_space<vmem>>, %arg10: memref<16xi32, #tpu.memory_space<vmem>>, %arg11: memref<256xi32, #tpu.memory_space<vmem>>) attributes {dimension_semantics = [#tpu.dimension_semantics<core_parallel>, #tpu.dimension_semantics<subcore_parallel>], iteration_bounds = array<i64: 2, 16>, scalar_prefetch = 0 : i64, scratch_operands = 4 : i64, tpu.core_type = #tpu.core_type<sc_vector_subcore>, window_params = [{transform_indices = #map}, {transform_indices = #map}, {transform_indices = #map}, {transform_indices = #map}, {transform_indices = #map}, {transform_indices = #map}]} {
    %mul3A = arith.constant 2 : i32
    %mul3A_0 = arith.muli %arg1, %mul3A : i32
    %add3A = arith.addi %mul3A_0, %arg0 : i32
    %mul3A_1 = arith.constant 4096 : i32
    %mul3A_2 = arith.muli %add3A, %mul3A_1 : i32
    "tpu.region"() ({
      %run_scoped3A = tpu.sem_alloc : memref<!tpu.dma_semaphore, #tpu.memory_space<semaphore_mem>>
      tpu.enqueue_dma source(%arg5 : memref<16xi32, #tpu.memory_space<hbm>>) target(%arg10 : memref<16xi32, #tpu.memory_space<vmem>>) target_semaphore(%run_scoped3A : memref<!tpu.dma_semaphore, #tpu.memory_space<semaphore_mem>>)
      tpu.wait_dma2 semaphore(%run_scoped3A : memref<!tpu.dma_semaphore, #tpu.memory_space<semaphore_mem>>) src(%arg5 : memref<16xi32, #tpu.memory_space<hbm>>) dst(%arg10 : memref<16xi32, #tpu.memory_space<vmem>>)
      tpu.yield
    }) : () -> ()
    %get3A = arith.constant 0 : index
    %get3A_3 = tpu.vector_load %arg10[%get3A] {strides = array<i32>} : memref<16xi32, #tpu.memory_space<vmem>>, vector<16xi32>,
    %get3A_4 = vector.shape_cast %get3A_3 : vector<16xi32> to vector<16xi32>
    "tpu.region"() ({
      %run_scoped3A = tpu.sem_alloc : memref<!tpu.dma_semaphore, #tpu.memory_space<semaphore_mem>>
      %dma_start3A = tpu.memref_slice %arg2[%mul3A_2] : memref<131072xi32, #tpu.memory_space<hbm>> -> memref<4096xi32, #tpu.memory_space<hbm>>
      %dma_start3A_34 = tpu.memref_slice %arg2[%mul3A_2] : memref<131072xi32, #tpu.memory_space<hbm>> -> memref<4096xi32, #tpu.memory_space<hbm>>
      tpu.enqueue_dma source(%dma_start3A_34 : memref<4096xi32, #tpu.memory_space<hbm>>) target(%arg8 : memref<4096xi32, #tpu.memory_space<vmem>>) target_semaphore(%run_scoped3A : memref<!tpu.dma_semaphore, #tpu.memory_space<semaphore_mem>>)
      %dma_wait3A = tpu.memref_slice %arg2[%mul3A_2] : memref<131072xi32, #tpu.memory_space<hbm>> -> memref<4096xi32, #tpu.memory_space<hbm>>
      %dma_wait3A_35 = tpu.memref_slice %arg2[%mul3A_2] : memref<131072xi32, #tpu.memory_space<hbm>> -> memref<4096xi32, #tpu.memory_space<hbm>>
      tpu.wait_dma2 semaphore(%run_scoped3A : memref<!tpu.dma_semaphore, #tpu.memory_space<semaphore_mem>>) src(%dma_wait3A_35 : memref<4096xi32, #tpu.memory_space<hbm>>) dst(%arg8 : memref<4096xi32, #tpu.memory_space<vmem>>)
      tpu.yield
    }) : () -> ()
    "tpu.region"() ({
      %run_scoped3A = tpu.sem_alloc : memref<!tpu.dma_semaphore, #tpu.memory_space<semaphore_mem>>
      %dma_start3A = tpu.memref_slice %arg6[%mul3A_2] : memref<532480xi32, #tpu.memory_space<hbm>> -> memref<4096xi32, #tpu.memory_space<hbm>>
      %dma_start3A_34 = tpu.memref_slice %arg6[%mul3A_2] : memref<532480xi32, #tpu.memory_space<hbm>> -> memref<4096xi32, #tpu.memory_space<hbm>>
      tpu.enqueue_dma source(%arg8 : memref<4096xi32, #tpu.memory_space<vmem>>) target(%dma_start3A_34 : memref<4096xi32, #tpu.memory_space<hbm>>) target_semaphore(%run_scoped3A : memref<!tpu.dma_semaphore, #tpu.memory_space<semaphore_mem>>)
      %dma_wait3A = tpu.memref_slice %arg6[%mul3A_2] : memref<532480xi32, #tpu.memory_space<hbm>> -> memref<4096xi32, #tpu.memory_space<hbm>>
      %dma_wait3A_35 = tpu.memref_slice %arg6[%mul3A_2] : memref<532480xi32, #tpu.memory_space<hbm>> -> memref<4096xi32, #tpu.memory_space<hbm>>
      tpu.wait_dma2 semaphore(%run_scoped3A : memref<!tpu.dma_semaphore, #tpu.memory_space<semaphore_mem>>) src(%arg8 : memref<4096xi32, #tpu.memory_space<vmem>>) dst(%dma_wait3A_35 : memref<4096xi32, #tpu.memory_space<hbm>>)
      tpu.yield
    }) : () -> ()
    %add3A_5 = arith.constant 262144 : i32
    %add3A_6 = arith.addi %add3A_5, %mul3A_2 : i32
    "tpu.region"() ({
      %run_scoped3A = tpu.sem_alloc : memref<!tpu.dma_semaphore, #tpu.memory_space<semaphore_mem>>
      %dma_start3A = tpu.memref_slice %arg7[%add3A_6] : memref<532480xi32, #tpu.memory_space<hbm>> -> memref<4096xi32, #tpu.memory_space<hbm>>
      %dma_start3A_34 = tpu.memref_slice %arg7[%add3A_6] : memref<532480xi32, #tpu.memory_space<hbm>> -> memref<4096xi32, #tpu.memory_space<hbm>>
      tpu.enqueue_dma source(%arg8 : memref<4096xi32, #tpu.memory_space<vmem>>) target(%dma_start3A_34 : memref<4096xi32, #tpu.memory_space<hbm>>) target_semaphore(%run_scoped3A : memref<!tpu.dma_semaphore, #tpu.memory_space<semaphore_mem>>)
      %dma_wait3A = tpu.memref_slice %arg7[%add3A_6] : memref<532480xi32, #tpu.memory_space<hbm>> -> memref<4096xi32, #tpu.memory_space<hbm>>
      %dma_wait3A_35 = tpu.memref_slice %arg7[%add3A_6] : memref<532480xi32, #tpu.memory_space<hbm>> -> memref<4096xi32, #tpu.memory_space<hbm>>
      tpu.wait_dma2 semaphore(%run_scoped3A : memref<!tpu.dma_semaphore, #tpu.memory_space<semaphore_mem>>) src(%arg8 : memref<4096xi32, #tpu.memory_space<vmem>>) dst(%dma_wait3A_35 : memref<4096xi32, #tpu.memory_space<hbm>>)
      tpu.yield
    }) : () -> ()
    "tpu.region"() ({
      %run_scoped3A = tpu.sem_alloc : memref<!tpu.dma_semaphore, #tpu.memory_space<semaphore_mem>>
      %dma_start3A = tpu.memref_slice %arg3[%mul3A_2] : memref<131072xi32, #tpu.memory_space<hbm>> -> memref<4096xi32, #tpu.memory_space<hbm>>
      %dma_start3A_34 = tpu.memref_slice %arg3[%mul3A_2] : memref<131072xi32, #tpu.memory_space<hbm>> -> memref<4096xi32, #tpu.memory_space<hbm>>
      tpu.enqueue_dma source(%dma_start3A_34 : memref<4096xi32, #tpu.memory_space<hbm>>) target(%arg8 : memref<4096xi32, #tpu.memory_space<vmem>>) target_semaphore(%run_scoped3A : memref<!tpu.dma_semaphore, #tpu.memory_space<semaphore_mem>>)
      %dma_wait3A = tpu.memref_slice %arg3[%mul3A_2] : memref<131072xi32, #tpu.memory_space<hbm>> -> memref<4096xi32, #tpu.memory_space<hbm>>
      %dma_wait3A_35 = tpu.memref_slice %arg3[%mul3A_2] : memref<131072xi32, #tpu.memory_space<hbm>> -> memref<4096xi32, #tpu.memory_space<hbm>>
      tpu.wait_dma2 semaphore(%run_scoped3A : memref<!tpu.dma_semaphore, #tpu.memory_space<semaphore_mem>>) src(%dma_wait3A_35 : memref<4096xi32, #tpu.memory_space<hbm>>) dst(%arg8 : memref<4096xi32, #tpu.memory_space<vmem>>)
      tpu.yield
    }) : () -> ()
    "tpu.region"() ({
      %run_scoped3A = tpu.sem_alloc : memref<!tpu.dma_semaphore, #tpu.memory_space<semaphore_mem>>
      %dma_start3A = tpu.memref_slice %arg7[%mul3A_2] : memref<532480xi32, #tpu.memory_space<hbm>> -> memref<4096xi32, #tpu.memory_space<hbm>>
      %dma_start3A_34 = tpu.memref_slice %arg7[%mul3A_2] : memref<532480xi32, #tpu.memory_space<hbm>> -> memref<4096xi32, #tpu.memory_space<hbm>>
      tpu.enqueue_dma source(%arg8 : memref<4096xi32, #tpu.memory_space<vmem>>) target(%dma_start3A_34 : memref<4096xi32, #tpu.memory_space<hbm>>) target_semaphore(%run_scoped3A : memref<!tpu.dma_semaphore, #tpu.memory_space<semaphore_mem>>)
      %dma_wait3A = tpu.memref_slice %arg7[%mul3A_2] : memref<532480xi32, #tpu.memory_space<hbm>> -> memref<4096xi32, #tpu.memory_space<hbm>>
      %dma_wait3A_35 = tpu.memref_slice %arg7[%mul3A_2] : memref<532480xi32, #tpu.memory_space<hbm>> -> memref<4096xi32, #tpu.memory_space<hbm>>
      tpu.wait_dma2 semaphore(%run_scoped3A : memref<!tpu.dma_semaphore, #tpu.memory_space<semaphore_mem>>) src(%arg8 : memref<4096xi32, #tpu.memory_space<vmem>>) dst(%dma_wait3A_35 : memref<4096xi32, #tpu.memory_space<hbm>>)
      tpu.yield
    }) : () -> ()
    %add3A_7 = arith.constant 262144 : i32
    %add3A_8 = arith.addi %add3A_7, %mul3A_2 : i32
    "tpu.region"() ({
      %run_scoped3A = tpu.sem_alloc : memref<!tpu.dma_semaphore, #tpu.memory_space<semaphore_mem>>
      %dma_start3A = tpu.memref_slice %arg6[%add3A_8] : memref<532480xi32, #tpu.memory_space<hbm>> -> memref<4096xi32, #tpu.memory_space<hbm>>
      %dma_start3A_34 = tpu.memref_slice %arg6[%add3A_8] : memref<532480xi32, #tpu.memory_space<hbm>> -> memref<4096xi32, #tpu.memory_space<hbm>>
      tpu.enqueue_dma source(%arg8 : memref<4096xi32, #tpu.memory_space<vmem>>) target(%dma_start3A_34 : memref<4096xi32, #tpu.memory_space<hbm>>) target_semaphore(%run_scoped3A : memref<!tpu.dma_semaphore, #tpu.memory_space<semaphore_mem>>)
      %dma_wait3A = tpu.memref_slice %arg6[%add3A_8] : memref<532480xi32, #tpu.memory_space<hbm>> -> memref<4096xi32, #tpu.memory_space<hbm>>
      %dma_wait3A_35 = tpu.memref_slice %arg6[%add3A_8] : memref<532480xi32, #tpu.memory_space<hbm>> -> memref<4096xi32, #tpu.memory_space<hbm>>
      tpu.wait_dma2 semaphore(%run_scoped3A : memref<!tpu.dma_semaphore, #tpu.memory_space<semaphore_mem>>) src(%arg8 : memref<4096xi32, #tpu.memory_space<vmem>>) dst(%dma_wait3A_35 : memref<4096xi32, #tpu.memory_space<hbm>>)
      tpu.yield
    }) : () -> ()
    "tpu.region"() ({
      %run_scoped3A = tpu.sem_alloc : memref<!tpu.dma_semaphore, #tpu.memory_space<semaphore_mem>>
      %dma_start3A = tpu.memref_slice %arg4[%mul3A_2] : memref<131072xi32, #tpu.memory_space<hbm>> -> memref<4096xi32, #tpu.memory_space<hbm>>
      %dma_start3A_34 = tpu.memref_slice %arg4[%mul3A_2] : memref<131072xi32, #tpu.memory_space<hbm>> -> memref<4096xi32, #tpu.memory_space<hbm>>
      tpu.enqueue_dma source(%dma_start3A_34 : memref<4096xi32, #tpu.memory_space<hbm>>) target(%arg8 : memref<4096xi32, #tpu.memory_space<vmem>>) target_semaphore(%run_scoped3A : memref<!tpu.dma_semaphore, #tpu.memory_space<semaphore_mem>>)
      %dma_wait3A = tpu.memref_slice %arg4[%mul3A_2] : memref<131072xi32, #tpu.memory_space<hbm>> -> memref<4096xi32, #tpu.memory_space<hbm>>
      %dma_wait3A_35 = tpu.memref_slice %arg4[%mul3A_2] : memref<131072xi32, #tpu.memory_space<hbm>> -> memref<4096xi32, #tpu.memory_space<hbm>>
      tpu.wait_dma2 semaphore(%run_scoped3A : memref<!tpu.dma_semaphore, #tpu.memory_space<semaphore_mem>>) src(%dma_wait3A_35 : memref<4096xi32, #tpu.memory_space<hbm>>) dst(%arg8 : memref<4096xi32, #tpu.memory_space<vmem>>)
      tpu.yield
    }) : () -> ()
    %add3A_9 = arith.constant 393216 : i32
    %add3A_10 = arith.addi %add3A_9, %mul3A_2 : i32
    "tpu.region"() ({
      %run_scoped3A = tpu.sem_alloc : memref<!tpu.dma_semaphore, #tpu.memory_space<semaphore_mem>>
      %dma_start3A = tpu.memref_slice %arg6[%add3A_10] : memref<532480xi32, #tpu.memory_space<hbm>> -> memref<4096xi32, #tpu.memory_space<hbm>>
      %dma_start3A_34 = tpu.memref_slice %arg6[%add3A_10] : memref<532480xi32, #tpu.memory_space<hbm>> -> memref<4096xi32, #tpu.memory_space<hbm>>
      tpu.enqueue_dma source(%arg8 : memref<4096xi32, #tpu.memory_space<vmem>>) target(%dma_start3A_34 : memref<4096xi32, #tpu.memory_space<hbm>>) target_semaphore(%run_scoped3A : memref<!tpu.dma_semaphore, #tpu.memory_space<semaphore_mem>>)
      %dma_wait3A = tpu.memref_slice %arg6[%add3A_10] : memref<532480xi32, #tpu.memory_space<hbm>> -> memref<4096xi32, #tpu.memory_space<hbm>>
      %dma_wait3A_35 = tpu.memref_slice %arg6[%add3A_10] : memref<532480xi32, #tpu.memory_space<hbm>> -> memref<4096xi32, #tpu.memory_space<hbm>>
      tpu.wait_dma2 semaphore(%run_scoped3A : memref<!tpu.dma_semaphore, #tpu.memory_space<semaphore_mem>>) src(%arg8 : memref<4096xi32, #tpu.memory_space<vmem>>) dst(%dma_wait3A_35 : memref<4096xi32, #tpu.memory_space<hbm>>)
      tpu.yield
    }) : () -> ()
    %add3A_11 = arith.constant 131072 : i32
    %add3A_12 = arith.addi %add3A_11, %mul3A_2 : i32
    "tpu.region"() ({
      %run_scoped3A = tpu.sem_alloc : memref<!tpu.dma_semaphore, #tpu.memory_space<semaphore_mem>>
      %dma_start3A = tpu.memref_slice %arg7[%add3A_12] : memref<532480xi32, #tpu.memory_space<hbm>> -> memref<4096xi32, #tpu.memory_space<hbm>>
      %dma_start3A_34 = tpu.memref_slice %arg7[%add3A_12] : memref<532480xi32, #tpu.memory_space<hbm>> -> memref<4096xi32, #tpu.memory_space<hbm>>
      tpu.enqueue_dma source(%arg8 : memref<4096xi32, #tpu.memory_space<vmem>>) target(%dma_start3A_34 : memref<4096xi32, #tpu.memory_space<hbm>>) target_semaphore(%run_scoped3A : memref<!tpu.dma_semaphore, #tpu.memory_space<semaphore_mem>>)
      %dma_wait3A = tpu.memref_slice %arg7[%add3A_12] : memref<532480xi32, #tpu.memory_space<hbm>> -> memref<4096xi32, #tpu.memory_space<hbm>>
      %dma_wait3A_35 = tpu.memref_slice %arg7[%add3A_12] : memref<532480xi32, #tpu.memory_space<hbm>> -> memref<4096xi32, #tpu.memory_space<hbm>>
      tpu.wait_dma2 semaphore(%run_scoped3A : memref<!tpu.dma_semaphore, #tpu.memory_space<semaphore_mem>>) src(%arg8 : memref<4096xi32, #tpu.memory_space<vmem>>) dst(%dma_wait3A_35 : memref<4096xi32, #tpu.memory_space<hbm>>)
      tpu.yield
    }) : () -> ()
    %scan3A = arith.constant 0 : i32
    %scan3A_13 = arith.constant 0 : i32
    %scan3A_14 = arith.constant 256 : i32
    %scan3A_15 = arith.addi %scan3A_13, %scan3A_14 : i32
    %scan3A_16 = arith.constant 1 : i32
    scf.for %scan3A_34 = %scan3A_13 to %scan3A_15 step %scan3A_16  : i32 {
      %iota3A = tpu.iota {dimensions = array<i32: 0>} : vector<16xi32>
      %mul3A_35 = arith.constant 16 : i32
      %mul3A_36 = arith.muli %mul3A_35, %scan3A_34 : i32
      %add3A_37 = arith.addi %mul3A_2, %mul3A_36 : i32
      %add3A_38 = vector.broadcast %add3A_37 : i32 to vector<16xi32>
      %add3A_39 = arith.addi %iota3A, %add3A_38 : vector<16xi32>
      %shift_right_arithmetic3A = arith.constant 4 : i32
      %shift_right_arithmetic3A_40 = vector.broadcast %shift_right_arithmetic3A : i32 to vector<16xi32>
      %shift_right_arithmetic3A_41 = arith.shrsi %add3A_39, %shift_right_arithmetic3A_40 : vector<16xi32>
      %add3A_42 = arith.addi %shift_right_arithmetic3A_41, %get3A_4 : vector<16xi32>
      %mul3A_43 = arith.constant 16 : i32
      %mul3A_44 = arith.muli %mul3A_43, %scan3A_34 : i32
      %swap3A = arith.index_cast %mul3A_44 : i32 to index
      %swap3A_45 = tpu.vector_load %arg9[%swap3A] {strides = array<i32>} : memref<4096xi32, #tpu.memory_space<vmem>>, vector<16xi32>,
      %swap3A_46 = vector.shape_cast %swap3A_45 : vector<16xi32> to vector<16xi32>
      %swap3A_47 = vector.shape_cast %add3A_42 : vector<16xi32> to vector<16xi32>
      tpu.vector_store %arg9[%swap3A], %swap3A_47 {strides = array<i32>} : memref<4096xi32, #tpu.memory_space<vmem>>, vector<16xi32>,
    }
    %scan3A_17 = arith.constant 256 : i32
    %add3A_18 = arith.constant 131072 : i32
    %add3A_19 = arith.addi %add3A_18, %mul3A_2 : i32
    "tpu.region"() ({
      %run_scoped3A = tpu.sem_alloc : memref<!tpu.dma_semaphore, #tpu.memory_space<semaphore_mem>>
      %dma_start3A = tpu.memref_slice %arg6[%add3A_19] : memref<532480xi32, #tpu.memory_space<hbm>> -> memref<4096xi32, #tpu.memory_space<hbm>>
      %dma_start3A_34 = tpu.memref_slice %arg6[%add3A_19] : memref<532480xi32, #tpu.memory_space<hbm>> -> memref<4096xi32, #tpu.memory_space<hbm>>
      tpu.enqueue_dma source(%arg9 : memref<4096xi32, #tpu.memory_space<vmem>>) target(%dma_start3A_34 : memref<4096xi32, #tpu.memory_space<hbm>>) target_semaphore(%run_scoped3A : memref<!tpu.dma_semaphore, #tpu.memory_space<semaphore_mem>>)
      %dma_wait3A = tpu.memref_slice %arg6[%add3A_19] : memref<532480xi32, #tpu.memory_space<hbm>> -> memref<4096xi32, #tpu.memory_space<hbm>>
      %dma_wait3A_35 = tpu.memref_slice %arg6[%add3A_19] : memref<532480xi32, #tpu.memory_space<hbm>> -> memref<4096xi32, #tpu.memory_space<hbm>>
      tpu.wait_dma2 semaphore(%run_scoped3A : memref<!tpu.dma_semaphore, #tpu.memory_space<semaphore_mem>>) src(%arg9 : memref<4096xi32, #tpu.memory_space<vmem>>) dst(%dma_wait3A_35 : memref<4096xi32, #tpu.memory_space<hbm>>)
      tpu.yield
    }) : () -> ()
    %add3A_20 = arith.constant 393216 : i32
    %add3A_21 = arith.addi %add3A_20, %mul3A_2 : i32
    "tpu.region"() ({
      %run_scoped3A = tpu.sem_alloc : memref<!tpu.dma_semaphore, #tpu.memory_space<semaphore_mem>>
      %dma_start3A = tpu.memref_slice %arg7[%add3A_21] : memref<532480xi32, #tpu.memory_space<hbm>> -> memref<4096xi32, #tpu.memory_space<hbm>>
      %dma_start3A_34 = tpu.memref_slice %arg7[%add3A_21] : memref<532480xi32, #tpu.memory_space<hbm>> -> memref<4096xi32, #tpu.memory_space<hbm>>
      tpu.enqueue_dma source(%arg9 : memref<4096xi32, #tpu.memory_space<vmem>>) target(%dma_start3A_34 : memref<4096xi32, #tpu.memory_space<hbm>>) target_semaphore(%run_scoped3A : memref<!tpu.dma_semaphore, #tpu.memory_space<semaphore_mem>>)
      %dma_wait3A = tpu.memref_slice %arg7[%add3A_21] : memref<532480xi32, #tpu.memory_space<hbm>> -> memref<4096xi32, #tpu.memory_space<hbm>>
      %dma_wait3A_35 = tpu.memref_slice %arg7[%add3A_21] : memref<532480xi32, #tpu.memory_space<hbm>> -> memref<4096xi32, #tpu.memory_space<hbm>>
      tpu.wait_dma2 semaphore(%run_scoped3A : memref<!tpu.dma_semaphore, #tpu.memory_space<semaphore_mem>>) src(%arg9 : memref<4096xi32, #tpu.memory_space<vmem>>) dst(%dma_wait3A_35 : memref<4096xi32, #tpu.memory_space<hbm>>)
      tpu.yield
    }) : () -> ()
    %mul3A_22 = arith.constant 256 : i32
    %mul3A_23 = arith.muli %add3A, %mul3A_22 : i32
    %scan3A_24 = arith.constant 0 : i32
    %scan3A_25 = arith.constant 0 : i32
    %scan3A_26 = arith.constant 16 : i32
    %scan3A_27 = arith.addi %scan3A_25, %scan3A_26 : i32
    %scan3A_28 = arith.constant 1 : i32
    scf.for %scan3A_34 = %scan3A_25 to %scan3A_27 step %scan3A_28  : i32 {
      %iota3A = tpu.iota {dimensions = array<i32: 0>} : vector<16xi32>
      %mul3A_35 = arith.constant 16 : i32
      %mul3A_36 = arith.muli %mul3A_35, %scan3A_34 : i32
      %add3A_37 = arith.addi %mul3A_23, %mul3A_36 : i32
      %add3A_38 = vector.broadcast %add3A_37 : i32 to vector<16xi32>
      %add3A_39 = arith.addi %iota3A, %add3A_38 : vector<16xi32>
      %mul3A_40 = arith.constant 16 : i32
      %mul3A_41 = arith.muli %mul3A_40, %scan3A_34 : i32
      %swap3A = arith.index_cast %mul3A_41 : i32 to index
      %swap3A_42 = tpu.vector_load %arg11[%swap3A] {strides = array<i32>} : memref<256xi32, #tpu.memory_space<vmem>>, vector<16xi32>,
      %swap3A_43 = vector.shape_cast %swap3A_42 : vector<16xi32> to vector<16xi32>
      %swap3A_44 = vector.shape_cast %add3A_39 : vector<16xi32> to vector<16xi32>
      tpu.vector_store %arg11[%swap3A], %swap3A_44 {strides = array<i32>} : memref<256xi32, #tpu.memory_space<vmem>>, vector<16xi32>,
    }
    %scan3A_29 = arith.constant 16 : i32
    %add3A_30 = arith.constant 524288 : i32
    %add3A_31 = arith.addi %add3A_30, %mul3A_23 : i32
    "tpu.region"() ({
      %run_scoped3A = tpu.sem_alloc : memref<!tpu.dma_semaphore, #tpu.memory_space<semaphore_mem>>
      %dma_start3A = tpu.memref_slice %arg6[%add3A_31] : memref<532480xi32, #tpu.memory_space<hbm>> -> memref<256xi32, #tpu.memory_space<hbm>>
      %dma_start3A_34 = tpu.memref_slice %arg6[%add3A_31] : memref<532480xi32, #tpu.memory_space<hbm>> -> memref<256xi32, #tpu.memory_space<hbm>>
      tpu.enqueue_dma source(%arg11 : memref<256xi32, #tpu.memory_space<vmem>>) target(%dma_start3A_34 : memref<256xi32, #tpu.memory_space<hbm>>) target_semaphore(%run_scoped3A : memref<!tpu.dma_semaphore, #tpu.memory_space<semaphore_mem>>)
      %dma_wait3A = tpu.memref_slice %arg6[%add3A_31] : memref<532480xi32, #tpu.memory_space<hbm>> -> memref<256xi32, #tpu.memory_space<hbm>>
      %dma_wait3A_35 = tpu.memref_slice %arg6[%add3A_31] : memref<532480xi32, #tpu.memory_space<hbm>> -> memref<256xi32, #tpu.memory_space<hbm>>
      tpu.wait_dma2 semaphore(%run_scoped3A : memref<!tpu.dma_semaphore, #tpu.memory_space<semaphore_mem>>) src(%arg11 : memref<256xi32, #tpu.memory_space<vmem>>) dst(%dma_wait3A_35 : memref<256xi32, #tpu.memory_space<hbm>>)
      tpu.yield
    }) : () -> ()
    %add3A_32 = arith.constant 524288 : i32
    %add3A_33 = arith.addi %add3A_32, %mul3A_23 : i32
    "tpu.region"() ({
      %run_scoped3A = tpu.sem_alloc : memref<!tpu.dma_semaphore, #tpu.memory_space<semaphore_mem>>
      %dma_start3A = tpu.memref_slice %arg7[%add3A_33] : memref<532480xi32, #tpu.memory_space<hbm>> -> memref<256xi32, #tpu.memory_space<hbm>>
      %dma_start3A_34 = tpu.memref_slice %arg7[%add3A_33] : memref<532480xi32, #tpu.memory_space<hbm>> -> memref<256xi32, #tpu.memory_space<hbm>>
      tpu.enqueue_dma source(%arg11 : memref<256xi32, #tpu.memory_space<vmem>>) target(%dma_start3A_34 : memref<256xi32, #tpu.memory_space<hbm>>) target_semaphore(%run_scoped3A : memref<!tpu.dma_semaphore, #tpu.memory_space<semaphore_mem>>)
      %dma_wait3A = tpu.memref_slice %arg7[%add3A_33] : memref<532480xi32, #tpu.memory_space<hbm>> -> memref<256xi32, #tpu.memory_space<hbm>>
      %dma_wait3A_35 = tpu.memref_slice %arg7[%add3A_33] : memref<532480xi32, #tpu.memory_space<hbm>> -> memref<256xi32, #tpu.memory_space<hbm>>
      tpu.wait_dma2 semaphore(%run_scoped3A : memref<!tpu.dma_semaphore, #tpu.memory_space<semaphore_mem>>) src(%arg11 : memref<256xi32, #tpu.memory_space<vmem>>) dst(%dma_wait3A_35 : memref<256xi32, #tpu.memory_space<hbm>>)
      tpu.yield
    }) : () -> ()
    return
  }
}

module attributes {stable_mosaic.version = 14 : i64} {
  func.func @_norm_body(%arg0: memref<8192x64xf32, #tpu.memory_space<vmem>>, %arg1: memref<8192x64xf32, #tpu.memory_space<vmem>>) attributes {dimension_semantics = [], scalar_prefetch = 0 : i64, scratch_operands = 0 : i64, tpu.core_type = #tpu.core_type<tc>} {
    %get3A = arith.constant 0 : index
    %get3A_0 = arith.constant 0 : index
    %get3A_1 = vector.load %arg0[%get3A, %get3A_0] : memref<8192x64xf32, #tpu.memory_space<vmem>>, vector<8192x64xf32>
    %mul3A = arith.mulf %get3A_1, %get3A_1 : vector<8192x64xf32>
    %reduce_sum3A = arith.constant dense<0.000000e+00> : vector<8192xf32>
    %reduce_sum3A_2 = vector.multi_reduction <add>, %mul3A, %reduce_sum3A [1] : vector<8192x64xf32> to vector<8192xf32>
    %broadcast_in_dim3A = vector.shape_cast %reduce_sum3A_2 : vector<8192xf32> to vector<8192x1xf32>
    %sqrt3A = math.sqrt %broadcast_in_dim3A : vector<8192x1xf32>
    %max3A = arith.constant 9.99999996E-13 : f32
    %max3A_3 = vector.broadcast %max3A : f32 to vector<8192x1xf32>
    %max3A_4 = arith.maximumf %sqrt3A, %max3A_3 : vector<8192x1xf32>
    %div3A = vector.broadcast %max3A_4 : vector<8192x1xf32> to vector<8192x64xf32>
    %div3A_5 = arith.divf %get3A_1, %div3A : vector<8192x64xf32>
    %swap3A = arith.constant 0 : index
    %swap3A_6 = arith.constant 0 : index
    %swap3A_7 = vector.load %arg1[%swap3A, %swap3A_6] : memref<8192x64xf32, #tpu.memory_space<vmem>>, vector<8192x64xf32>
    tpu.vector_store %arg1[%swap3A, %swap3A_6], %div3A_5 {strides = array<i32>} : memref<8192x64xf32, #tpu.memory_space<vmem>>, vector<8192x64xf32>,
    return
  }
}

module attributes {stable_mosaic.version = 14 : i64} {
  func.func @_topk_body(%arg0: i32, %arg1: memref<512x64xf32, #tpu.memory_space<vmem>>, %arg2: memref<8192x64xf32, #tpu.memory_space<vmem>>, %arg3: memref<512x16xf32, #tpu.memory_space<vmem>>, %arg4: memref<512x16xi32, #tpu.memory_space<vmem>>) attributes {dimension_semantics = [#tpu.dimension_semantics<arbitrary>], iteration_bounds = array<i64: 16>, scalar_prefetch = 0 : i64, scratch_operands = 0 : i64, tpu.core_type = #tpu.core_type<tc>, window_params = [{transform_indices = @transform_0, window_bounds = array<i64: 512, 64>}, {pipeline_mode = #tpu.pipeline_mode<synchronous>, transform_indices = @transform_1, window_bounds = array<i64: 8192, 64>}, {transform_indices = @transform_2, window_bounds = array<i64: 512, 16>}, {transform_indices = @transform_3, window_bounds = array<i64: 512, 16>}]} {
    %get3A = arith.constant 0 : index
    %get3A_0 = arith.constant 0 : index
    %get3A_1 = vector.load %arg1[%get3A, %get3A_0] : memref<512x64xf32, #tpu.memory_space<vmem>>, vector<512x64xf32>
    %get3A_2 = arith.constant 0 : index
    %get3A_3 = arith.constant 0 : index
    %get3A_4 = vector.load %arg2[%get3A_2, %get3A_3] : memref<8192x64xf32, #tpu.memory_space<vmem>>, vector<8192x64xf32>
    %dot_general3A = arith.constant dense<0.000000e+00> : vector<512x8192xf32>
    %dot_general3A_5 = tpu.matmul %get3A_1, %get3A_4, %dot_general3A {dimension_numbers = #tpu.dot_dimension_numbers<[1], [1], [0], [0], [0, 0, 1, 0], [], []>, transpose_lhs_hint = false} : vector<512x64xf32>, vector<8192x64xf32>, vector<512x8192xf32> -> vector<512x8192xf32>
    %slice3A = vector.extract_strided_slice %dot_general3A_5 {offsets = [0, 0], sizes = [512, 128], strides = [1, 1]} : vector<512x8192xf32> to vector<512x128xf32>
    %broadcast_in_dim3A = arith.constant 0 : i32
    %broadcast_in_dim3A_6 = vector.broadcast %broadcast_in_dim3A : i32 to vector<512x128xi32>
    %slice3A_7 = vector.extract_strided_slice %dot_general3A_5 {offsets = [0, 128], sizes = [512, 128], strides = [1, 1]} : vector<512x8192xf32> to vector<512x128xf32>
    %broadcast_in_dim3A_8 = arith.constant 1 : i32
    %broadcast_in_dim3A_9 = vector.broadcast %broadcast_in_dim3A_8 : i32 to vector<512x128xi32>
    %slice3A_10 = vector.extract_strided_slice %dot_general3A_5 {offsets = [0, 256], sizes = [512, 128], strides = [1, 1]} : vector<512x8192xf32> to vector<512x128xf32>
    %broadcast_in_dim3A_11 = arith.constant 2 : i32
    %broadcast_in_dim3A_12 = vector.broadcast %broadcast_in_dim3A_11 : i32 to vector<512x128xi32>
    %slice3A_13 = vector.extract_strided_slice %dot_general3A_5 {offsets = [0, 384], sizes = [512, 128], strides = [1, 1]} : vector<512x8192xf32> to vector<512x128xf32>
    %broadcast_in_dim3A_14 = arith.constant 3 : i32
    %broadcast_in_dim3A_15 = vector.broadcast %broadcast_in_dim3A_14 : i32 to vector<512x128xi32>
    %slice3A_16 = vector.extract_strided_slice %dot_general3A_5 {offsets = [0, 512], sizes = [512, 128], strides = [1, 1]} : vector<512x8192xf32> to vector<512x128xf32>
    %broadcast_in_dim3A_17 = arith.constant 4 : i32
    %broadcast_in_dim3A_18 = vector.broadcast %broadcast_in_dim3A_17 : i32 to vector<512x128xi32>
    %slice3A_19 = vector.extract_strided_slice %dot_general3A_5 {offsets = [0, 640], sizes = [512, 128], strides = [1, 1]} : vector<512x8192xf32> to vector<512x128xf32>
    %broadcast_in_dim3A_20 = arith.constant 5 : i32
    %broadcast_in_dim3A_21 = vector.broadcast %broadcast_in_dim3A_20 : i32 to vector<512x128xi32>
    %slice3A_22 = vector.extract_strided_slice %dot_general3A_5 {offsets = [0, 768], sizes = [512, 128], strides = [1, 1]} : vector<512x8192xf32> to vector<512x128xf32>
    %broadcast_in_dim3A_23 = arith.constant 6 : i32
    %broadcast_in_dim3A_24 = vector.broadcast %broadcast_in_dim3A_23 : i32 to vector<512x128xi32>
    %slice3A_25 = vector.extract_strided_slice %dot_general3A_5 {offsets = [0, 896], sizes = [512, 128], strides = [1, 1]} : vector<512x8192xf32> to vector<512x128xf32>
    %broadcast_in_dim3A_26 = arith.constant 7 : i32
    %broadcast_in_dim3A_27 = vector.broadcast %broadcast_in_dim3A_26 : i32 to vector<512x128xi32>
    %slice3A_28 = vector.extract_strided_slice %dot_general3A_5 {offsets = [0, 1024], sizes = [512, 128], strides = [1, 1]} : vector<512x8192xf32> to vector<512x128xf32>
    %broadcast_in_dim3A_29 = arith.constant 8 : i32
    %broadcast_in_dim3A_30 = vector.broadcast %broadcast_in_dim3A_29 : i32 to vector<512x128xi32>
    %slice3A_31 = vector.extract_strided_slice %dot_general3A_5 {offsets = [0, 1152], sizes = [512, 128], strides = [1, 1]} : vector<512x8192xf32> to vector<512x128xf32>
    %broadcast_in_dim3A_32 = arith.constant 9 : i32
    %broadcast_in_dim3A_33 = vector.broadcast %broadcast_in_dim3A_32 : i32 to vector<512x128xi32>
    %slice3A_34 = vector.extract_strided_slice %dot_general3A_5 {offsets = [0, 1280], sizes = [512, 128], strides = [1, 1]} : vector<512x8192xf32> to vector<512x128xf32>
    %broadcast_in_dim3A_35 = arith.constant 10 : i32
    %broadcast_in_dim3A_36 = vector.broadcast %broadcast_in_dim3A_35 : i32 to vector<512x128xi32>
    %slice3A_37 = vector.extract_strided_slice %dot_general3A_5 {offsets = [0, 1408], sizes = [512, 128], strides = [1, 1]} : vector<512x8192xf32> to vector<512x128xf32>
    %broadcast_in_dim3A_38 = arith.constant 11 : i32
    %broadcast_in_dim3A_39 = vector.broadcast %broadcast_in_dim3A_38 : i32 to vector<512x128xi32>
    %slice3A_40 = vector.extract_strided_slice %dot_general3A_5 {offsets = [0, 1536], sizes = [512, 128], strides = [1, 1]} : vector<512x8192xf32> to vector<512x128xf32>
    %broadcast_in_dim3A_41 = arith.constant 12 : i32
    %broadcast_in_dim3A_42 = vector.broadcast %broadcast_in_dim3A_41 : i32 to vector<512x128xi32>
    %slice3A_43 = vector.extract_strided_slice %dot_general3A_5 {offsets = [0, 1664], sizes = [512, 128], strides = [1, 1]} : vector<512x8192xf32> to vector<512x128xf32>
    %broadcast_in_dim3A_44 = arith.constant 13 : i32
    %broadcast_in_dim3A_45 = vector.broadcast %broadcast_in_dim3A_44 : i32 to vector<512x128xi32>
    %slice3A_46 = vector.extract_strided_slice %dot_general3A_5 {offsets = [0, 1792], sizes = [512, 128], strides = [1, 1]} : vector<512x8192xf32> to vector<512x128xf32>
    %broadcast_in_dim3A_47 = arith.constant 14 : i32
    %broadcast_in_dim3A_48 = vector.broadcast %broadcast_in_dim3A_47 : i32 to vector<512x128xi32>
    %slice3A_49 = vector.extract_strided_slice %dot_general3A_5 {offsets = [0, 1920], sizes = [512, 128], strides = [1, 1]} : vector<512x8192xf32> to vector<512x128xf32>
    %broadcast_in_dim3A_50 = arith.constant 15 : i32
    %broadcast_in_dim3A_51 = vector.broadcast %broadcast_in_dim3A_50 : i32 to vector<512x128xi32>
    %slice3A_52 = vector.extract_strided_slice %dot_general3A_5 {offsets = [0, 2048], sizes = [512, 128], strides = [1, 1]} : vector<512x8192xf32> to vector<512x128xf32>
    %broadcast_in_dim3A_53 = arith.constant 16 : i32
    %broadcast_in_dim3A_54 = vector.broadcast %broadcast_in_dim3A_53 : i32 to vector<512x128xi32>
    %slice3A_55 = vector.extract_strided_slice %dot_general3A_5 {offsets = [0, 2176], sizes = [512, 128], strides = [1, 1]} : vector<512x8192xf32> to vector<512x128xf32>
    %broadcast_in_dim3A_56 = arith.constant 17 : i32
    %broadcast_in_dim3A_57 = vector.broadcast %broadcast_in_dim3A_56 : i32 to vector<512x128xi32>
    %slice3A_58 = vector.extract_strided_slice %dot_general3A_5 {offsets = [0, 2304], sizes = [512, 128], strides = [1, 1]} : vector<512x8192xf32> to vector<512x128xf32>
    %broadcast_in_dim3A_59 = arith.constant 18 : i32
    %broadcast_in_dim3A_60 = vector.broadcast %broadcast_in_dim3A_59 : i32 to vector<512x128xi32>
    %slice3A_61 = vector.extract_strided_slice %dot_general3A_5 {offsets = [0, 2432], sizes = [512, 128], strides = [1, 1]} : vector<512x8192xf32> to vector<512x128xf32>
    %broadcast_in_dim3A_62 = arith.constant 19 : i32
    %broadcast_in_dim3A_63 = vector.broadcast %broadcast_in_dim3A_62 : i32 to vector<512x128xi32>
    %slice3A_64 = vector.extract_strided_slice %dot_general3A_5 {offsets = [0, 2560], sizes = [512, 128], strides = [1, 1]} : vector<512x8192xf32> to vector<512x128xf32>
    %broadcast_in_dim3A_65 = arith.constant 20 : i32
    %broadcast_in_dim3A_66 = vector.broadcast %broadcast_in_dim3A_65 : i32 to vector<512x128xi32>
    %slice3A_67 = vector.extract_strided_slice %dot_general3A_5 {offsets = [0, 2688], sizes = [512, 128], strides = [1, 1]} : vector<512x8192xf32> to vector<512x128xf32>
    %broadcast_in_dim3A_68 = arith.constant 21 : i32
    %broadcast_in_dim3A_69 = vector.broadcast %broadcast_in_dim3A_68 : i32 to vector<512x128xi32>
    %slice3A_70 = vector.extract_strided_slice %dot_general3A_5 {offsets = [0, 2816], sizes = [512, 128], strides = [1, 1]} : vector<512x8192xf32> to vector<512x128xf32>
    %broadcast_in_dim3A_71 = arith.constant 22 : i32
    %broadcast_in_dim3A_72 = vector.broadcast %broadcast_in_dim3A_71 : i32 to vector<512x128xi32>
    %slice3A_73 = vector.extract_strided_slice %dot_general3A_5 {offsets = [0, 2944], sizes = [512, 128], strides = [1, 1]} : vector<512x8192xf32> to vector<512x128xf32>
    %broadcast_in_dim3A_74 = arith.constant 23 : i32
    %broadcast_in_dim3A_75 = vector.broadcast %broadcast_in_dim3A_74 : i32 to vector<512x128xi32>
    %slice3A_76 = vector.extract_strided_slice %dot_general3A_5 {offsets = [0, 3072], sizes = [512, 128], strides = [1, 1]} : vector<512x8192xf32> to vector<512x128xf32>
    %broadcast_in_dim3A_77 = arith.constant 24 : i32
    %broadcast_in_dim3A_78 = vector.broadcast %broadcast_in_dim3A_77 : i32 to vector<512x128xi32>
    %slice3A_79 = vector.extract_strided_slice %dot_general3A_5 {offsets = [0, 3200], sizes = [512, 128], strides = [1, 1]} : vector<512x8192xf32> to vector<512x128xf32>
    %broadcast_in_dim3A_80 = arith.constant 25 : i32
    %broadcast_in_dim3A_81 = vector.broadcast %broadcast_in_dim3A_80 : i32 to vector<512x128xi32>
    %slice3A_82 = vector.extract_strided_slice %dot_general3A_5 {offsets = [0, 3328], sizes = [512, 128], strides = [1, 1]} : vector<512x8192xf32> to vector<512x128xf32>
    %broadcast_in_dim3A_83 = arith.constant 26 : i32
    %broadcast_in_dim3A_84 = vector.broadcast %broadcast_in_dim3A_83 : i32 to vector<512x128xi32>
    %slice3A_85 = vector.extract_strided_slice %dot_general3A_5 {offsets = [0, 3456], sizes = [512, 128], strides = [1, 1]} : vector<512x8192xf32> to vector<512x128xf32>
    %broadcast_in_dim3A_86 = arith.constant 27 : i32
    %broadcast_in_dim3A_87 = vector.broadcast %broadcast_in_dim3A_86 : i32 to vector<512x128xi32>
    %slice3A_88 = vector.extract_strided_slice %dot_general3A_5 {offsets = [0, 3584], sizes = [512, 128], strides = [1, 1]} : vector<512x8192xf32> to vector<512x128xf32>
    %broadcast_in_dim3A_89 = arith.constant 28 : i32
    %broadcast_in_dim3A_90 = vector.broadcast %broadcast_in_dim3A_89 : i32 to vector<512x128xi32>
    %slice3A_91 = vector.extract_strided_slice %dot_general3A_5 {offsets = [0, 3712], sizes = [512, 128], strides = [1, 1]} : vector<512x8192xf32> to vector<512x128xf32>
    %broadcast_in_dim3A_92 = arith.constant 29 : i32
    %broadcast_in_dim3A_93 = vector.broadcast %broadcast_in_dim3A_92 : i32 to vector<512x128xi32>
    %slice3A_94 = vector.extract_strided_slice %dot_general3A_5 {offsets = [0, 3840], sizes = [512, 128], strides = [1, 1]} : vector<512x8192xf32> to vector<512x128xf32>
    %broadcast_in_dim3A_95 = arith.constant 30 : i32
    %broadcast_in_dim3A_96 = vector.broadcast %broadcast_in_dim3A_95 : i32 to vector<512x128xi32>
    %slice3A_97 = vector.extract_strided_slice %dot_general3A_5 {offsets = [0, 3968], sizes = [512, 128], strides = [1, 1]} : vector<512x8192xf32> to vector<512x128xf32>
    %broadcast_in_dim3A_98 = arith.constant 31 : i32
    %broadcast_in_dim3A_99 = vector.broadcast %broadcast_in_dim3A_98 : i32 to vector<512x128xi32>
    %slice3A_100 = vector.extract_strided_slice %dot_general3A_5 {offsets = [0, 4096], sizes = [512, 128], strides = [1, 1]} : vector<512x8192xf32> to vector<512x128xf32>
    %broadcast_in_dim3A_101 = arith.constant 32 : i32
    %broadcast_in_dim3A_102 = vector.broadcast %broadcast_in_dim3A_101 : i32 to vector<512x128xi32>
    %slice3A_103 = vector.extract_strided_slice %dot_general3A_5 {offsets = [0, 4224], sizes = [512, 128], strides = [1, 1]} : vector<512x8192xf32> to vector<512x128xf32>
    %broadcast_in_dim3A_104 = arith.constant 33 : i32
    %broadcast_in_dim3A_105 = vector.broadcast %broadcast_in_dim3A_104 : i32 to vector<512x128xi32>
    %slice3A_106 = vector.extract_strided_slice %dot_general3A_5 {offsets = [0, 4352], sizes = [512, 128], strides = [1, 1]} : vector<512x8192xf32> to vector<512x128xf32>
    %broadcast_in_dim3A_107 = arith.constant 34 : i32
    %broadcast_in_dim3A_108 = vector.broadcast %broadcast_in_dim3A_107 : i32 to vector<512x128xi32>
    %slice3A_109 = vector.extract_strided_slice %dot_general3A_5 {offsets = [0, 4480], sizes = [512, 128], strides = [1, 1]} : vector<512x8192xf32> to vector<512x128xf32>
    %broadcast_in_dim3A_110 = arith.constant 35 : i32
    %broadcast_in_dim3A_111 = vector.broadcast %broadcast_in_dim3A_110 : i32 to vector<512x128xi32>
    %slice3A_112 = vector.extract_strided_slice %dot_general3A_5 {offsets = [0, 4608], sizes = [512, 128], strides = [1, 1]} : vector<512x8192xf32> to vector<512x128xf32>
    %broadcast_in_dim3A_113 = arith.constant 36 : i32
    %broadcast_in_dim3A_114 = vector.broadcast %broadcast_in_dim3A_113 : i32 to vector<512x128xi32>
    %slice3A_115 = vector.extract_strided_slice %dot_general3A_5 {offsets = [0, 4736], sizes = [512, 128], strides = [1, 1]} : vector<512x8192xf32> to vector<512x128xf32>
    %broadcast_in_dim3A_116 = arith.constant 37 : i32
    %broadcast_in_dim3A_117 = vector.broadcast %broadcast_in_dim3A_116 : i32 to vector<512x128xi32>
    %slice3A_118 = vector.extract_strided_slice %dot_general3A_5 {offsets = [0, 4864], sizes = [512, 128], strides = [1, 1]} : vector<512x8192xf32> to vector<512x128xf32>
    %broadcast_in_dim3A_119 = arith.constant 38 : i32
    %broadcast_in_dim3A_120 = vector.broadcast %broadcast_in_dim3A_119 : i32 to vector<512x128xi32>
    %slice3A_121 = vector.extract_strided_slice %dot_general3A_5 {offsets = [0, 4992], sizes = [512, 128], strides = [1, 1]} : vector<512x8192xf32> to vector<512x128xf32>
    %broadcast_in_dim3A_122 = arith.constant 39 : i32
    %broadcast_in_dim3A_123 = vector.broadcast %broadcast_in_dim3A_122 : i32 to vector<512x128xi32>
    %slice3A_124 = vector.extract_strided_slice %dot_general3A_5 {offsets = [0, 5120], sizes = [512, 128], strides = [1, 1]} : vector<512x8192xf32> to vector<512x128xf32>
    %broadcast_in_dim3A_125 = arith.constant 40 : i32
    %broadcast_in_dim3A_126 = vector.broadcast %broadcast_in_dim3A_125 : i32 to vector<512x128xi32>
    %slice3A_127 = vector.extract_strided_slice %dot_general3A_5 {offsets = [0, 5248], sizes = [512, 128], strides = [1, 1]} : vector<512x8192xf32> to vector<512x128xf32>
    %broadcast_in_dim3A_128 = arith.constant 41 : i32
    %broadcast_in_dim3A_129 = vector.broadcast %broadcast_in_dim3A_128 : i32 to vector<512x128xi32>
    %slice3A_130 = vector.extract_strided_slice %dot_general3A_5 {offsets = [0, 5376], sizes = [512, 128], strides = [1, 1]} : vector<512x8192xf32> to vector<512x128xf32>
    %broadcast_in_dim3A_131 = arith.constant 42 : i32
    %broadcast_in_dim3A_132 = vector.broadcast %broadcast_in_dim3A_131 : i32 to vector<512x128xi32>
    %slice3A_133 = vector.extract_strided_slice %dot_general3A_5 {offsets = [0, 5504], sizes = [512, 128], strides = [1, 1]} : vector<512x8192xf32> to vector<512x128xf32>
    %broadcast_in_dim3A_134 = arith.constant 43 : i32
    %broadcast_in_dim3A_135 = vector.broadcast %broadcast_in_dim3A_134 : i32 to vector<512x128xi32>
    %slice3A_136 = vector.extract_strided_slice %dot_general3A_5 {offsets = [0, 5632], sizes = [512, 128], strides = [1, 1]} : vector<512x8192xf32> to vector<512x128xf32>
    %broadcast_in_dim3A_137 = arith.constant 44 : i32
    %broadcast_in_dim3A_138 = vector.broadcast %broadcast_in_dim3A_137 : i32 to vector<512x128xi32>
    %slice3A_139 = vector.extract_strided_slice %dot_general3A_5 {offsets = [0, 5760], sizes = [512, 128], strides = [1, 1]} : vector<512x8192xf32> to vector<512x128xf32>
    %broadcast_in_dim3A_140 = arith.constant 45 : i32
    %broadcast_in_dim3A_141 = vector.broadcast %broadcast_in_dim3A_140 : i32 to vector<512x128xi32>
    %slice3A_142 = vector.extract_strided_slice %dot_general3A_5 {offsets = [0, 5888], sizes = [512, 128], strides = [1, 1]} : vector<512x8192xf32> to vector<512x128xf32>
    %broadcast_in_dim3A_143 = arith.constant 46 : i32
    %broadcast_in_dim3A_144 = vector.broadcast %broadcast_in_dim3A_143 : i32 to vector<512x128xi32>
    %slice3A_145 = vector.extract_strided_slice %dot_general3A_5 {offsets = [0, 6016], sizes = [512, 128], strides = [1, 1]} : vector<512x8192xf32> to vector<512x128xf32>
    %broadcast_in_dim3A_146 = arith.constant 47 : i32
    %broadcast_in_dim3A_147 = vector.broadcast %broadcast_in_dim3A_146 : i32 to vector<512x128xi32>
    %slice3A_148 = vector.extract_strided_slice %dot_general3A_5 {offsets = [0, 6144], sizes = [512, 128], strides = [1, 1]} : vector<512x8192xf32> to vector<512x128xf32>
    %broadcast_in_dim3A_149 = arith.constant 48 : i32
    %broadcast_in_dim3A_150 = vector.broadcast %broadcast_in_dim3A_149 : i32 to vector<512x128xi32>
    %slice3A_151 = vector.extract_strided_slice %dot_general3A_5 {offsets = [0, 6272], sizes = [512, 128], strides = [1, 1]} : vector<512x8192xf32> to vector<512x128xf32>
    %broadcast_in_dim3A_152 = arith.constant 49 : i32
    %broadcast_in_dim3A_153 = vector.broadcast %broadcast_in_dim3A_152 : i32 to vector<512x128xi32>
    %slice3A_154 = vector.extract_strided_slice %dot_general3A_5 {offsets = [0, 6400], sizes = [512, 128], strides = [1, 1]} : vector<512x8192xf32> to vector<512x128xf32>
    %broadcast_in_dim3A_155 = arith.constant 50 : i32
    %broadcast_in_dim3A_156 = vector.broadcast %broadcast_in_dim3A_155 : i32 to vector<512x128xi32>
    %slice3A_157 = vector.extract_strided_slice %dot_general3A_5 {offsets = [0, 6528], sizes = [512, 128], strides = [1, 1]} : vector<512x8192xf32> to vector<512x128xf32>
    %broadcast_in_dim3A_158 = arith.constant 51 : i32
    %broadcast_in_dim3A_159 = vector.broadcast %broadcast_in_dim3A_158 : i32 to vector<512x128xi32>
    %slice3A_160 = vector.extract_strided_slice %dot_general3A_5 {offsets = [0, 6656], sizes = [512, 128], strides = [1, 1]} : vector<512x8192xf32> to vector<512x128xf32>
    %broadcast_in_dim3A_161 = arith.constant 52 : i32
    %broadcast_in_dim3A_162 = vector.broadcast %broadcast_in_dim3A_161 : i32 to vector<512x128xi32>
    %slice3A_163 = vector.extract_strided_slice %dot_general3A_5 {offsets = [0, 6784], sizes = [512, 128], strides = [1, 1]} : vector<512x8192xf32> to vector<512x128xf32>
    %broadcast_in_dim3A_164 = arith.constant 53 : i32
    %broadcast_in_dim3A_165 = vector.broadcast %broadcast_in_dim3A_164 : i32 to vector<512x128xi32>
    %slice3A_166 = vector.extract_strided_slice %dot_general3A_5 {offsets = [0, 6912], sizes = [512, 128], strides = [1, 1]} : vector<512x8192xf32> to vector<512x128xf32>
    %broadcast_in_dim3A_167 = arith.constant 54 : i32
    %broadcast_in_dim3A_168 = vector.broadcast %broadcast_in_dim3A_167 : i32 to vector<512x128xi32>
    %slice3A_169 = vector.extract_strided_slice %dot_general3A_5 {offsets = [0, 7040], sizes = [512, 128], strides = [1, 1]} : vector<512x8192xf32> to vector<512x128xf32>
    %broadcast_in_dim3A_170 = arith.constant 55 : i32
    %broadcast_in_dim3A_171 = vector.broadcast %broadcast_in_dim3A_170 : i32 to vector<512x128xi32>
    %slice3A_172 = vector.extract_strided_slice %dot_general3A_5 {offsets = [0, 7168], sizes = [512, 128], strides = [1, 1]} : vector<512x8192xf32> to vector<512x128xf32>
    %broadcast_in_dim3A_173 = arith.constant 56 : i32
    %broadcast_in_dim3A_174 = vector.broadcast %broadcast_in_dim3A_173 : i32 to vector<512x128xi32>
    %slice3A_175 = vector.extract_strided_slice %dot_general3A_5 {offsets = [0, 7296], sizes = [512, 128], strides = [1, 1]} : vector<512x8192xf32> to vector<512x128xf32>
    %broadcast_in_dim3A_176 = arith.constant 57 : i32
    %broadcast_in_dim3A_177 = vector.broadcast %broadcast_in_dim3A_176 : i32 to vector<512x128xi32>
    %slice3A_178 = vector.extract_strided_slice %dot_general3A_5 {offsets = [0, 7424], sizes = [512, 128], strides = [1, 1]} : vector<512x8192xf32> to vector<512x128xf32>
    %broadcast_in_dim3A_179 = arith.constant 58 : i32
    %broadcast_in_dim3A_180 = vector.broadcast %broadcast_in_dim3A_179 : i32 to vector<512x128xi32>
    %slice3A_181 = vector.extract_strided_slice %dot_general3A_5 {offsets = [0, 7552], sizes = [512, 128], strides = [1, 1]} : vector<512x8192xf32> to vector<512x128xf32>
    %broadcast_in_dim3A_182 = arith.constant 59 : i32
    %broadcast_in_dim3A_183 = vector.broadcast %broadcast_in_dim3A_182 : i32 to vector<512x128xi32>
    %slice3A_184 = vector.extract_strided_slice %dot_general3A_5 {offsets = [0, 7680], sizes = [512, 128], strides = [1, 1]} : vector<512x8192xf32> to vector<512x128xf32>
    %broadcast_in_dim3A_185 = arith.constant 60 : i32
    %broadcast_in_dim3A_186 = vector.broadcast %broadcast_in_dim3A_185 : i32 to vector<512x128xi32>
    %slice3A_187 = vector.extract_strided_slice %dot_general3A_5 {offsets = [0, 7808], sizes = [512, 128], strides = [1, 1]} : vector<512x8192xf32> to vector<512x128xf32>
    %broadcast_in_dim3A_188 = arith.constant 61 : i32
    %broadcast_in_dim3A_189 = vector.broadcast %broadcast_in_dim3A_188 : i32 to vector<512x128xi32>
    %slice3A_190 = vector.extract_strided_slice %dot_general3A_5 {offsets = [0, 7936], sizes = [512, 128], strides = [1, 1]} : vector<512x8192xf32> to vector<512x128xf32>
    %broadcast_in_dim3A_191 = arith.constant 62 : i32
    %broadcast_in_dim3A_192 = vector.broadcast %broadcast_in_dim3A_191 : i32 to vector<512x128xi32>
    %slice3A_193 = vector.extract_strided_slice %dot_general3A_5 {offsets = [0, 8064], sizes = [512, 128], strides = [1, 1]} : vector<512x8192xf32> to vector<512x128xf32>
    %broadcast_in_dim3A_194 = arith.constant 63 : i32
    %broadcast_in_dim3A_195 = vector.broadcast %broadcast_in_dim3A_194 : i32 to vector<512x128xi32>
    %ge3A = arith.cmpf oge, %slice3A, %slice3A_7 : vector<512x128xf32>
    %select_n3A = arith.select %ge3A, %slice3A, %slice3A_7 : vector<512x128xi1>, vector<512x128xf32>
    %select_n3A_196 = arith.select %ge3A, %broadcast_in_dim3A_6, %broadcast_in_dim3A_9 : vector<512x128xi1>, vector<512x128xi32>
    %select_n3A_197 = arith.select %ge3A, %slice3A_7, %slice3A : vector<512x128xi1>, vector<512x128xf32>
    %select_n3A_198 = arith.select %ge3A, %broadcast_in_dim3A_9, %broadcast_in_dim3A_6 : vector<512x128xi1>, vector<512x128xi32>
    %ge3A_199 = arith.cmpf oge, %slice3A_10, %slice3A_13 : vector<512x128xf32>
    %select_n3A_200 = arith.select %ge3A_199, %slice3A_10, %slice3A_13 : vector<512x128xi1>, vector<512x128xf32>
    %select_n3A_201 = arith.select %ge3A_199, %broadcast_in_dim3A_12, %broadcast_in_dim3A_15 : vector<512x128xi1>, vector<512x128xi32>
    %select_n3A_202 = arith.select %ge3A_199, %slice3A_13, %slice3A_10 : vector<512x128xi1>, vector<512x128xf32>
    %select_n3A_203 = arith.select %ge3A_199, %broadcast_in_dim3A_15, %broadcast_in_dim3A_12 : vector<512x128xi1>, vector<512x128xi32>
    %ge3A_204 = arith.cmpf oge, %slice3A_16, %slice3A_19 : vector<512x128xf32>
    %select_n3A_205 = arith.select %ge3A_204, %slice3A_16, %slice3A_19 : vector<512x128xi1>, vector<512x128xf32>
    %select_n3A_206 = arith.select %ge3A_204, %broadcast_in_dim3A_18, %broadcast_in_dim3A_21 : vector<512x128xi1>, vector<512x128xi32>
    %select_n3A_207 = arith.select %ge3A_204, %slice3A_19, %slice3A_16 : vector<512x128xi1>, vector<512x128xf32>
    %select_n3A_208 = arith.select %ge3A_204, %broadcast_in_dim3A_21, %broadcast_in_dim3A_18 : vector<512x128xi1>, vector<512x128xi32>
    %ge3A_209 = arith.cmpf oge, %slice3A_22, %slice3A_25 : vector<512x128xf32>
    %select_n3A_210 = arith.select %ge3A_209, %slice3A_22, %slice3A_25 : vector<512x128xi1>, vector<512x128xf32>
    %select_n3A_211 = arith.select %ge3A_209, %broadcast_in_dim3A_24, %broadcast_in_dim3A_27 : vector<512x128xi1>, vector<512x128xi32>
    %select_n3A_212 = arith.select %ge3A_209, %slice3A_25, %slice3A_22 : vector<512x128xi1>, vector<512x128xf32>
    %select_n3A_213 = arith.select %ge3A_209, %broadcast_in_dim3A_27, %broadcast_in_dim3A_24 : vector<512x128xi1>, vector<512x128xi32>
    %ge3A_214 = arith.cmpf oge, %select_n3A, %select_n3A_200 : vector<512x128xf32>
    %select_n3A_215 = arith.select %ge3A_214, %select_n3A, %select_n3A_200 : vector<512x128xi1>, vector<512x128xf32>
    %select_n3A_216 = arith.select %ge3A_214, %select_n3A_196, %select_n3A_201 : vector<512x128xi1>, vector<512x128xi32>
    %select_n3A_217 = arith.select %ge3A_214, %select_n3A_200, %select_n3A : vector<512x128xi1>, vector<512x128xf32>
    %select_n3A_218 = arith.select %ge3A_214, %select_n3A_201, %select_n3A_196 : vector<512x128xi1>, vector<512x128xi32>
    %ge3A_219 = arith.cmpf oge, %select_n3A_197, %select_n3A_202 : vector<512x128xf32>
    %select_n3A_220 = arith.select %ge3A_219, %select_n3A_197, %select_n3A_202 : vector<512x128xi1>, vector<512x128xf32>
    %select_n3A_221 = arith.select %ge3A_219, %select_n3A_198, %select_n3A_203 : vector<512x128xi1>, vector<512x128xi32>
    %select_n3A_222 = arith.select %ge3A_219, %select_n3A_202, %select_n3A_197 : vector<512x128xi1>, vector<512x128xf32>
    %select_n3A_223 = arith.select %ge3A_219, %select_n3A_203, %select_n3A_198 : vector<512x128xi1>, vector<512x128xi32>
    %ge3A_224 = arith.cmpf oge, %select_n3A_205, %select_n3A_210 : vector<512x128xf32>
    %select_n3A_225 = arith.select %ge3A_224, %select_n3A_205, %select_n3A_210 : vector<512x128xi1>, vector<512x128xf32>
    %select_n3A_226 = arith.select %ge3A_224, %select_n3A_206, %select_n3A_211 : vector<512x128xi1>, vector<512x128xi32>
    %select_n3A_227 = arith.select %ge3A_224, %select_n3A_210, %select_n3A_205 : vector<512x128xi1>, vector<512x128xf32>
    %select_n3A_228 = arith.select %ge3A_224, %select_n3A_211, %select_n3A_206 : vector<512x128xi1>, vector<512x128xi32>
    %ge3A_229 = arith.cmpf oge, %select_n3A_207, %select_n3A_212 : vector<512x128xf32>
    %select_n3A_230 = arith.select %ge3A_229, %select_n3A_207, %select_n3A_212 : vector<512x128xi1>, vector<512x128xf32>
    %select_n3A_231 = arith.select %ge3A_229, %select_n3A_208, %select_n3A_213 : vector<512x128xi1>, vector<512x128xi32>
    %select_n3A_232 = arith.select %ge3A_229, %select_n3A_212, %select_n3A_207 : vector<512x128xi1>, vector<512x128xf32>
    %select_n3A_233 = arith.select %ge3A_229, %select_n3A_213, %select_n3A_208 : vector<512x128xi1>, vector<512x128xi32>
    %ge3A_234 = arith.cmpf oge, %select_n3A_220, %select_n3A_217 : vector<512x128xf32>
    %select_n3A_235 = arith.select %ge3A_234, %select_n3A_220, %select_n3A_217 : vector<512x128xi1>, vector<512x128xf32>
    %select_n3A_236 = arith.select %ge3A_234, %select_n3A_221, %select_n3A_218 : vector<512x128xi1>, vector<512x128xi32>
    %select_n3A_237 = arith.select %ge3A_234, %select_n3A_217, %select_n3A_220 : vector<512x128xi1>, vector<512x128xf32>
    %select_n3A_238 = arith.select %ge3A_234, %select_n3A_218, %select_n3A_221 : vector<512x128xi1>, vector<512x128xi32>
    %ge3A_239 = arith.cmpf oge, %select_n3A_230, %select_n3A_227 : vector<512x128xf32>
    %select_n3A_240 = arith.select %ge3A_239, %select_n3A_230, %select_n3A_227 : vector<512x128xi1>, vector<512x128xf32>
    %select_n3A_241 = arith.select %ge3A_239, %select_n3A_231, %select_n3A_228 : vector<512x128xi1>, vector<512x128xi32>
    %select_n3A_242 = arith.select %ge3A_239, %select_n3A_227, %select_n3A_230 : vector<512x128xi1>, vector<512x128xf32>
    %select_n3A_243 = arith.select %ge3A_239, %select_n3A_228, %select_n3A_231 : vector<512x128xi1>, vector<512x128xi32>
    %ge3A_244 = arith.cmpf oge, %select_n3A_215, %select_n3A_225 : vector<512x128xf32>
    %select_n3A_245 = arith.select %ge3A_244, %select_n3A_215, %select_n3A_225 : vector<512x128xi1>, vector<512x128xf32>
    %select_n3A_246 = arith.select %ge3A_244, %select_n3A_216, %select_n3A_226 : vector<512x128xi1>, vector<512x128xi32>
    %select_n3A_247 = arith.select %ge3A_244, %select_n3A_225, %select_n3A_215 : vector<512x128xi1>, vector<512x128xf32>
    %select_n3A_248 = arith.select %ge3A_244, %select_n3A_226, %select_n3A_216 : vector<512x128xi1>, vector<512x128xi32>
    %ge3A_249 = arith.cmpf oge, %select_n3A_235, %select_n3A_240 : vector<512x128xf32>
    %select_n3A_250 = arith.select %ge3A_249, %select_n3A_235, %select_n3A_240 : vector<512x128xi1>, vector<512x128xf32>
    %select_n3A_251 = arith.select %ge3A_249, %select_n3A_236, %select_n3A_241 : vector<512x128xi1>, vector<512x128xi32>
    %select_n3A_252 = arith.select %ge3A_249, %select_n3A_240, %select_n3A_235 : vector<512x128xi1>, vector<512x128xf32>
    %select_n3A_253 = arith.select %ge3A_249, %select_n3A_241, %select_n3A_236 : vector<512x128xi1>, vector<512x128xi32>
    %ge3A_254 = arith.cmpf oge, %select_n3A_237, %select_n3A_242 : vector<512x128xf32>
    %select_n3A_255 = arith.select %ge3A_254, %select_n3A_237, %select_n3A_242 : vector<512x128xi1>, vector<512x128xf32>
    %select_n3A_256 = arith.select %ge3A_254, %select_n3A_238, %select_n3A_243 : vector<512x128xi1>, vector<512x128xi32>
    %select_n3A_257 = arith.select %ge3A_254, %select_n3A_242, %select_n3A_237 : vector<512x128xi1>, vector<512x128xf32>
    %select_n3A_258 = arith.select %ge3A_254, %select_n3A_243, %select_n3A_238 : vector<512x128xi1>, vector<512x128xi32>
    %ge3A_259 = arith.cmpf oge, %select_n3A_222, %select_n3A_232 : vector<512x128xf32>
    %select_n3A_260 = arith.select %ge3A_259, %select_n3A_222, %select_n3A_232 : vector<512x128xi1>, vector<512x128xf32>
    %select_n3A_261 = arith.select %ge3A_259, %select_n3A_223, %select_n3A_233 : vector<512x128xi1>, vector<512x128xi32>
    %select_n3A_262 = arith.select %ge3A_259, %select_n3A_232, %select_n3A_222 : vector<512x128xi1>, vector<512x128xf32>
    %select_n3A_263 = arith.select %ge3A_259, %select_n3A_233, %select_n3A_223 : vector<512x128xi1>, vector<512x128xi32>
    %ge3A_264 = arith.cmpf oge, %select_n3A_255, %select_n3A_247 : vector<512x128xf32>
    %select_n3A_265 = arith.select %ge3A_264, %select_n3A_255, %select_n3A_247 : vector<512x128xi1>, vector<512x128xf32>
    %select_n3A_266 = arith.select %ge3A_264, %select_n3A_256, %select_n3A_248 : vector<512x128xi1>, vector<512x128xi32>
    %select_n3A_267 = arith.select %ge3A_264, %select_n3A_247, %select_n3A_255 : vector<512x128xi1>, vector<512x128xf32>
    %select_n3A_268 = arith.select %ge3A_264, %select_n3A_248, %select_n3A_256 : vector<512x128xi1>, vector<512x128xi32>
    %ge3A_269 = arith.cmpf oge, %select_n3A_260, %select_n3A_252 : vector<512x128xf32>
    %select_n3A_270 = arith.select %ge3A_269, %select_n3A_260, %select_n3A_252 : vector<512x128xi1>, vector<512x128xf32>
    %select_n3A_271 = arith.select %ge3A_269, %select_n3A_261, %select_n3A_253 : vector<512x128xi1>, vector<512x128xi32>
    %select_n3A_272 = arith.select %ge3A_269, %select_n3A_252, %select_n3A_260 : vector<512x128xi1>, vector<512x128xf32>
    %select_n3A_273 = arith.select %ge3A_269, %select_n3A_253, %select_n3A_261 : vector<512x128xi1>, vector<512x128xi32>
    %ge3A_274 = arith.cmpf oge, %select_n3A_250, %select_n3A_265 : vector<512x128xf32>
    %select_n3A_275 = arith.select %ge3A_274, %select_n3A_250, %select_n3A_265 : vector<512x128xi1>, vector<512x128xf32>
    %select_n3A_276 = arith.select %ge3A_274, %select_n3A_251, %select_n3A_266 : vector<512x128xi1>, vector<512x128xi32>
    %select_n3A_277 = arith.select %ge3A_274, %select_n3A_265, %select_n3A_250 : vector<512x128xi1>, vector<512x128xf32>
    %select_n3A_278 = arith.select %ge3A_274, %select_n3A_266, %select_n3A_251 : vector<512x128xi1>, vector<512x128xi32>
    %ge3A_279 = arith.cmpf oge, %select_n3A_270, %select_n3A_267 : vector<512x128xf32>
    %select_n3A_280 = arith.select %ge3A_279, %select_n3A_270, %select_n3A_267 : vector<512x128xi1>, vector<512x128xf32>
    %select_n3A_281 = arith.select %ge3A_279, %select_n3A_271, %select_n3A_268 : vector<512x128xi1>, vector<512x128xi32>
    %select_n3A_282 = arith.select %ge3A_279, %select_n3A_267, %select_n3A_270 : vector<512x128xi1>, vector<512x128xf32>
    %select_n3A_283 = arith.select %ge3A_279, %select_n3A_268, %select_n3A_271 : vector<512x128xi1>, vector<512x128xi32>
    %ge3A_284 = arith.cmpf oge, %select_n3A_272, %select_n3A_257 : vector<512x128xf32>
    %select_n3A_285 = arith.select %ge3A_284, %select_n3A_272, %select_n3A_257 : vector<512x128xi1>, vector<512x128xf32>
    %select_n3A_286 = arith.select %ge3A_284, %select_n3A_273, %select_n3A_258 : vector<512x128xi1>, vector<512x128xi32>
    %select_n3A_287 = arith.select %ge3A_284, %select_n3A_257, %select_n3A_272 : vector<512x128xi1>, vector<512x128xf32>
    %select_n3A_288 = arith.select %ge3A_284, %select_n3A_258, %select_n3A_273 : vector<512x128xi1>, vector<512x128xi32>
    %ge3A_289 = arith.cmpf oge, %slice3A_28, %slice3A_31 : vector<512x128xf32>
    %select_n3A_290 = arith.select %ge3A_289, %slice3A_28, %slice3A_31 : vector<512x128xi1>, vector<512x128xf32>
    %select_n3A_291 = arith.select %ge3A_289, %broadcast_in_dim3A_30, %broadcast_in_dim3A_33 : vector<512x128xi1>, vector<512x128xi32>
    %select_n3A_292 = arith.select %ge3A_289, %slice3A_31, %slice3A_28 : vector<512x128xi1>, vector<512x128xf32>
    %select_n3A_293 = arith.select %ge3A_289, %broadcast_in_dim3A_33, %broadcast_in_dim3A_30 : vector<512x128xi1>, vector<512x128xi32>
    %ge3A_294 = arith.cmpf oge, %slice3A_34, %slice3A_37 : vector<512x128xf32>
    %select_n3A_295 = arith.select %ge3A_294, %slice3A_34, %slice3A_37 : vector<512x128xi1>, vector<512x128xf32>
    %select_n3A_296 = arith.select %ge3A_294, %broadcast_in_dim3A_36, %broadcast_in_dim3A_39 : vector<512x128xi1>, vector<512x128xi32>
    %select_n3A_297 = arith.select %ge3A_294, %slice3A_37, %slice3A_34 : vector<512x128xi1>, vector<512x128xf32>
    %select_n3A_298 = arith.select %ge3A_294, %broadcast_in_dim3A_39, %broadcast_in_dim3A_36 : vector<512x128xi1>, vector<512x128xi32>
    %ge3A_299 = arith.cmpf oge, %slice3A_40, %slice3A_43 : vector<512x128xf32>
    %select_n3A_300 = arith.select %ge3A_299, %slice3A_40, %slice3A_43 : vector<512x128xi1>, vector<512x128xf32>
    %select_n3A_301 = arith.select %ge3A_299, %broadcast_in_dim3A_42, %broadcast_in_dim3A_45 : vector<512x128xi1>, vector<512x128xi32>
    %select_n3A_302 = arith.select %ge3A_299, %slice3A_43, %slice3A_40 : vector<512x128xi1>, vector<512x128xf32>
    %select_n3A_303 = arith.select %ge3A_299, %broadcast_in_dim3A_45, %broadcast_in_dim3A_42 : vector<512x128xi1>, vector<512x128xi32>
    %ge3A_304 = arith.cmpf oge, %slice3A_46, %slice3A_49 : vector<512x128xf32>
    %select_n3A_305 = arith.select %ge3A_304, %slice3A_46, %slice3A_49 : vector<512x128xi1>, vector<512x128xf32>
    %select_n3A_306 = arith.select %ge3A_304, %broadcast_in_dim3A_48, %broadcast_in_dim3A_51 : vector<512x128xi1>, vector<512x128xi32>
    %select_n3A_307 = arith.select %ge3A_304, %slice3A_49, %slice3A_46 : vector<512x128xi1>, vector<512x128xf32>
    %select_n3A_308 = arith.select %ge3A_304, %broadcast_in_dim3A_51, %broadcast_in_dim3A_48 : vector<512x128xi1>, vector<512x128xi32>
    %ge3A_309 = arith.cmpf oge, %select_n3A_290, %select_n3A_295 : vector<512x128xf32>
    %select_n3A_310 = arith.select %ge3A_309, %select_n3A_290, %select_n3A_295 : vector<512x128xi1>, vector<512x128xf32>
    %select_n3A_311 = arith.select %ge3A_309, %select_n3A_291, %select_n3A_296 : vector<512x128xi1>, vector<512x128xi32>
    %select_n3A_312 = arith.select %ge3A_309, %select_n3A_295, %select_n3A_290 : vector<512x128xi1>, vector<512x128xf32>
    %select_n3A_313 = arith.select %ge3A_309, %select_n3A_296, %select_n3A_291 : vector<512x128xi1>, vector<512x128xi32>
    %ge3A_314 = arith.cmpf oge, %select_n3A_292, %select_n3A_297 : vector<512x128xf32>
    %select_n3A_315 = arith.select %ge3A_314, %select_n3A_292, %select_n3A_297 : vector<512x128xi1>, vector<512x128xf32>
    %select_n3A_316 = arith.select %ge3A_314, %select_n3A_293, %select_n3A_298 : vector<512x128xi1>, vector<512x128xi32>
    %select_n3A_317 = arith.select %ge3A_314, %select_n3A_297, %select_n3A_292 : vector<512x128xi1>, vector<512x128xf32>
    %select_n3A_318 = arith.select %ge3A_314, %select_n3A_298, %select_n3A_293 : vector<512x128xi1>, vector<512x128xi32>
    %ge3A_319 = arith.cmpf oge, %select_n3A_300, %select_n3A_305 : vector<512x128xf32>
    %select_n3A_320 = arith.select %ge3A_319, %select_n3A_300, %select_n3A_305 : vector<512x128xi1>, vector<512x128xf32>
    %select_n3A_321 = arith.select %ge3A_319, %select_n3A_301, %select_n3A_306 : vector<512x128xi1>, vector<512x128xi32>
    %select_n3A_322 = arith.select %ge3A_319, %select_n3A_305, %select_n3A_300 : vector<512x128xi1>, vector<512x128xf32>
    %select_n3A_323 = arith.select %ge3A_319, %select_n3A_306, %select_n3A_301 : vector<512x128xi1>, vector<512x128xi32>
    %ge3A_324 = arith.cmpf oge, %select_n3A_302, %select_n3A_307 : vector<512x128xf32>
    %select_n3A_325 = arith.select %ge3A_324, %select_n3A_302, %select_n3A_307 : vector<512x128xi1>, vector<512x128xf32>
    %select_n3A_326 = arith.select %ge3A_324, %select_n3A_303, %select_n3A_308 : vector<512x128xi1>, vector<512x128xi32>
    %select_n3A_327 = arith.select %ge3A_324, %select_n3A_307, %select_n3A_302 : vector<512x128xi1>, vector<512x128xf32>
    %select_n3A_328 = arith.select %ge3A_324, %select_n3A_308, %select_n3A_303 : vector<512x128xi1>, vector<512x128xi32>
    %ge3A_329 = arith.cmpf oge, %select_n3A_315, %select_n3A_312 : vector<512x128xf32>
    %select_n3A_330 = arith.select %ge3A_329, %select_n3A_315, %select_n3A_312 : vector<512x128xi1>, vector<512x128xf32>
    %select_n3A_331 = arith.select %ge3A_329, %select_n3A_316, %select_n3A_313 : vector<512x128xi1>, vector<512x128xi32>
    %select_n3A_332 = arith.select %ge3A_329, %select_n3A_312, %select_n3A_315 : vector<512x128xi1>, vector<512x128xf32>
    %select_n3A_333 = arith.select %ge3A_329, %select_n3A_313, %select_n3A_316 : vector<512x128xi1>, vector<512x128xi32>
    %ge3A_334 = arith.cmpf oge, %select_n3A_325, %select_n3A_322 : vector<512x128xf32>
    %select_n3A_335 = arith.select %ge3A_334, %select_n3A_325, %select_n3A_322 : vector<512x128xi1>, vector<512x128xf32>
    %select_n3A_336 = arith.select %ge3A_334, %select_n3A_326, %select_n3A_323 : vector<512x128xi1>, vector<512x128xi32>
    %select_n3A_337 = arith.select %ge3A_334, %select_n3A_322, %select_n3A_325 : vector<512x128xi1>, vector<512x128xf32>
    %select_n3A_338 = arith.select %ge3A_334, %select_n3A_323, %select_n3A_326 : vector<512x128xi1>, vector<512x128xi32>
    %ge3A_339 = arith.cmpf oge, %select_n3A_310, %select_n3A_320 : vector<512x128xf32>
    %select_n3A_340 = arith.select %ge3A_339, %select_n3A_310, %select_n3A_320 : vector<512x128xi1>, vector<512x128xf32>
    %select_n3A_341 = arith.select %ge3A_339, %select_n3A_311, %select_n3A_321 : vector<512x128xi1>, vector<512x128xi32>
    %select_n3A_342 = arith.select %ge3A_339, %select_n3A_320, %select_n3A_310 : vector<512x128xi1>, vector<512x128xf32>
    %select_n3A_343 = arith.select %ge3A_339, %select_n3A_321, %select_n3A_311 : vector<512x128xi1>, vector<512x128xi32>
    %ge3A_344 = arith.cmpf oge, %select_n3A_330, %select_n3A_335 : vector<512x128xf32>
    %select_n3A_345 = arith.select %ge3A_344, %select_n3A_330, %select_n3A_335 : vector<512x128xi1>, vector<512x128xf32>
    %select_n3A_346 = arith.select %ge3A_344, %select_n3A_331, %select_n3A_336 : vector<512x128xi1>, vector<512x128xi32>
    %select_n3A_347 = arith.select %ge3A_344, %select_n3A_335, %select_n3A_330 : vector<512x128xi1>, vector<512x128xf32>
    %select_n3A_348 = arith.select %ge3A_344, %select_n3A_336, %select_n3A_331 : vector<512x128xi1>, vector<512x128xi32>
    %ge3A_349 = arith.cmpf oge, %select_n3A_332, %select_n3A_337 : vector<512x128xf32>
    %select_n3A_350 = arith.select %ge3A_349, %select_n3A_332, %select_n3A_337 : vector<512x128xi1>, vector<512x128xf32>
    %select_n3A_351 = arith.select %ge3A_349, %select_n3A_333, %select_n3A_338 : vector<512x128xi1>, vector<512x128xi32>
    %select_n3A_352 = arith.select %ge3A_349, %select_n3A_337, %select_n3A_332 : vector<512x128xi1>, vector<512x128xf32>
    %select_n3A_353 = arith.select %ge3A_349, %select_n3A_338, %select_n3A_333 : vector<512x128xi1>, vector<512x128xi32>
    %ge3A_354 = arith.cmpf oge, %select_n3A_317, %select_n3A_327 : vector<512x128xf32>
    %select_n3A_355 = arith.select %ge3A_354, %select_n3A_317, %select_n3A_327 : vector<512x128xi1>, vector<512x128xf32>
    %select_n3A_356 = arith.select %ge3A_354, %select_n3A_318, %select_n3A_328 : vector<512x128xi1>, vector<512x128xi32>
    %select_n3A_357 = arith.select %ge3A_354, %select_n3A_327, %select_n3A_317 : vector<512x128xi1>, vector<512x128xf32>
    %select_n3A_358 = arith.select %ge3A_354, %select_n3A_328, %select_n3A_318 : vector<512x128xi1>, vector<512x128xi32>
    %ge3A_359 = arith.cmpf oge, %select_n3A_350, %select_n3A_342 : vector<512x128xf32>
    %select_n3A_360 = arith.select %ge3A_359, %select_n3A_350, %select_n3A_342 : vector<512x128xi1>, vector<512x128xf32>
    %select_n3A_361 = arith.select %ge3A_359, %select_n3A_351, %select_n3A_343 : vector<512x128xi1>, vector<512x128xi32>
    %select_n3A_362 = arith.select %ge3A_359, %select_n3A_342, %select_n3A_350 : vector<512x128xi1>, vector<512x128xf32>
    %select_n3A_363 = arith.select %ge3A_359, %select_n3A_343, %select_n3A_351 : vector<512x128xi1>, vector<512x128xi32>
    %ge3A_364 = arith.cmpf oge, %select_n3A_355, %select_n3A_347 : vector<512x128xf32>
    %select_n3A_365 = arith.select %ge3A_364, %select_n3A_355, %select_n3A_347 : vector<512x128xi1>, vector<512x128xf32>
    %select_n3A_366 = arith.select %ge3A_364, %select_n3A_356, %select_n3A_348 : vector<512x128xi1>, vector<512x128xi32>
    %select_n3A_367 = arith.select %ge3A_364, %select_n3A_347, %select_n3A_355 : vector<512x128xi1>, vector<512x128xf32>
    %select_n3A_368 = arith.select %ge3A_364, %select_n3A_348, %select_n3A_356 : vector<512x128xi1>, vector<512x128xi32>
    %ge3A_369 = arith.cmpf oge, %select_n3A_345, %select_n3A_360 : vector<512x128xf32>
    %select_n3A_370 = arith.select %ge3A_369, %select_n3A_345, %select_n3A_360 : vector<512x128xi1>, vector<512x128xf32>
    %select_n3A_371 = arith.select %ge3A_369, %select_n3A_346, %select_n3A_361 : vector<512x128xi1>, vector<512x128xi32>
    %select_n3A_372 = arith.select %ge3A_369, %select_n3A_360, %select_n3A_345 : vector<512x128xi1>, vector<512x128xf32>
    %select_n3A_373 = arith.select %ge3A_369, %select_n3A_361, %select_n3A_346 : vector<512x128xi1>, vector<512x128xi32>
    %ge3A_374 = arith.cmpf oge, %select_n3A_365, %select_n3A_362 : vector<512x128xf32>
    %select_n3A_375 = arith.select %ge3A_374, %select_n3A_365, %select_n3A_362 : vector<512x128xi1>, vector<512x128xf32>
    %select_n3A_376 = arith.select %ge3A_374, %select_n3A_366, %select_n3A_363 : vector<512x128xi1>, vector<512x128xi32>
    %select_n3A_377 = arith.select %ge3A_374, %select_n3A_362, %select_n3A_365 : vector<512x128xi1>, vector<512x128xf32>
    %select_n3A_378 = arith.select %ge3A_374, %select_n3A_363, %select_n3A_366 : vector<512x128xi1>, vector<512x128xi32>
    %ge3A_379 = arith.cmpf oge, %select_n3A_367, %select_n3A_352 : vector<512x128xf32>
    %select_n3A_380 = arith.select %ge3A_379, %select_n3A_367, %select_n3A_352 : vector<512x128xi1>, vector<512x128xf32>
    %select_n3A_381 = arith.select %ge3A_379, %select_n3A_368, %select_n3A_353 : vector<512x128xi1>, vector<512x128xi32>
    %select_n3A_382 = arith.select %ge3A_379, %select_n3A_352, %select_n3A_367 : vector<512x128xi1>, vector<512x128xf32>
    %select_n3A_383 = arith.select %ge3A_379, %select_n3A_353, %select_n3A_368 : vector<512x128xi1>, vector<512x128xi32>
    %ge3A_384 = arith.cmpf oge, %slice3A_52, %slice3A_55 : vector<512x128xf32>
    %select_n3A_385 = arith.select %ge3A_384, %slice3A_52, %slice3A_55 : vector<512x128xi1>, vector<512x128xf32>
    %select_n3A_386 = arith.select %ge3A_384, %broadcast_in_dim3A_54, %broadcast_in_dim3A_57 : vector<512x128xi1>, vector<512x128xi32>
    %select_n3A_387 = arith.select %ge3A_384, %slice3A_55, %slice3A_52 : vector<512x128xi1>, vector<512x128xf32>
    %select_n3A_388 = arith.select %ge3A_384, %broadcast_in_dim3A_57, %broadcast_in_dim3A_54 : vector<512x128xi1>, vector<512x128xi32>
    %ge3A_389 = arith.cmpf oge, %slice3A_58, %slice3A_61 : vector<512x128xf32>
    %select_n3A_390 = arith.select %ge3A_389, %slice3A_58, %slice3A_61 : vector<512x128xi1>, vector<512x128xf32>
    %select_n3A_391 = arith.select %ge3A_389, %broadcast_in_dim3A_60, %broadcast_in_dim3A_63 : vector<512x128xi1>, vector<512x128xi32>
    %select_n3A_392 = arith.select %ge3A_389, %slice3A_61, %slice3A_58 : vector<512x128xi1>, vector<512x128xf32>
    %select_n3A_393 = arith.select %ge3A_389, %broadcast_in_dim3A_63, %broadcast_in_dim3A_60 : vector<512x128xi1>, vector<512x128xi32>
    %ge3A_394 = arith.cmpf oge, %slice3A_64, %slice3A_67 : vector<512x128xf32>
    %select_n3A_395 = arith.select %ge3A_394, %slice3A_64, %slice3A_67 : vector<512x128xi1>, vector<512x128xf32>
    %select_n3A_396 = arith.select %ge3A_394, %broadcast_in_dim3A_66, %broadcast_in_dim3A_69 : vector<512x128xi1>, vector<512x128xi32>
    %select_n3A_397 = arith.select %ge3A_394, %slice3A_67, %slice3A_64 : vector<512x128xi1>, vector<512x128xf32>
    %select_n3A_398 = arith.select %ge3A_394, %broadcast_in_dim3A_69, %broadcast_in_dim3A_66 : vector<512x128xi1>, vector<512x128xi32>
    %ge3A_399 = arith.cmpf oge, %slice3A_70, %slice3A_73 : vector<512x128xf32>
    %select_n3A_400 = arith.select %ge3A_399, %slice3A_70, %slice3A_73 : vector<512x128xi1>, vector<512x128xf32>
    %select_n3A_401 = arith.select %ge3A_399, %broadcast_in_dim3A_72, %broadcast_in_dim3A_75 : vector<512x128xi1>, vector<512x128xi32>
    %select_n3A_402 = arith.select %ge3A_399, %slice3A_73, %slice3A_70 : vector<512x128xi1>, vector<512x128xf32>
    %select_n3A_403 = arith.select %ge3A_399, %broadcast_in_dim3A_75, %broadcast_in_dim3A_72 : vector<512x128xi1>, vector<512x128xi32>
    %ge3A_404 = arith.cmpf oge, %select_n3A_385, %select_n3A_390 : vector<512x128xf32>
    %select_n3A_405 = arith.select %ge3A_404, %select_n3A_385, %select_n3A_390 : vector<512x128xi1>, vector<512x128xf32>
    %select_n3A_406 = arith.select %ge3A_404, %select_n3A_386, %select_n3A_391 : vector<512x128xi1>, vector<512x128xi32>
    %select_n3A_407 = arith.select %ge3A_404, %select_n3A_390, %select_n3A_385 : vector<512x128xi1>, vector<512x128xf32>
    %select_n3A_408 = arith.select %ge3A_404, %select_n3A_391, %select_n3A_386 : vector<512x128xi1>, vector<512x128xi32>
    %ge3A_409 = arith.cmpf oge, %select_n3A_387, %select_n3A_392 : vector<512x128xf32>
    %select_n3A_410 = arith.select %ge3A_409, %select_n3A_387, %select_n3A_392 : vector<512x128xi1>, vector<512x128xf32>
    %select_n3A_411 = arith.select %ge3A_409, %select_n3A_388, %select_n3A_393 : vector<512x128xi1>, vector<512x128xi32>
    %select_n3A_412 = arith.select %ge3A_409, %select_n3A_392, %select_n3A_387 : vector<512x128xi1>, vector<512x128xf32>
    %select_n3A_413 = arith.select %ge3A_409, %select_n3A_393, %select_n3A_388 : vector<512x128xi1>, vector<512x128xi32>
    %ge3A_414 = arith.cmpf oge, %select_n3A_395, %select_n3A_400 : vector<512x128xf32>
    %select_n3A_415 = arith.select %ge3A_414, %select_n3A_395, %select_n3A_400 : vector<512x128xi1>, vector<512x128xf32>
    %select_n3A_416 = arith.select %ge3A_414, %select_n3A_396, %select_n3A_401 : vector<512x128xi1>, vector<512x128xi32>
    %select_n3A_417 = arith.select %ge3A_414, %select_n3A_400, %select_n3A_395 : vector<512x128xi1>, vector<512x128xf32>
    %select_n3A_418 = arith.select %ge3A_414, %select_n3A_401, %select_n3A_396 : vector<512x128xi1>, vector<512x128xi32>
    %ge3A_419 = arith.cmpf oge, %select_n3A_397, %select_n3A_402 : vector<512x128xf32>
    %select_n3A_420 = arith.select %ge3A_419, %select_n3A_397, %select_n3A_402 : vector<512x128xi1>, vector<512x128xf32>
    %select_n3A_421 = arith.select %ge3A_419, %select_n3A_398, %select_n3A_403 : vector<512x128xi1>, vector<512x128xi32>
    %select_n3A_422 = arith.select %ge3A_419, %select_n3A_402, %select_n3A_397 : vector<512x128xi1>, vector<512x128xf32>
    %select_n3A_423 = arith.select %ge3A_419, %select_n3A_403, %select_n3A_398 : vector<512x128xi1>, vector<512x128xi32>
    %ge3A_424 = arith.cmpf oge, %select_n3A_410, %select_n3A_407 : vector<512x128xf32>
    %select_n3A_425 = arith.select %ge3A_424, %select_n3A_410, %select_n3A_407 : vector<512x128xi1>, vector<512x128xf32>
    %select_n3A_426 = arith.select %ge3A_424, %select_n3A_411, %select_n3A_408 : vector<512x128xi1>, vector<512x128xi32>
    %select_n3A_427 = arith.select %ge3A_424, %select_n3A_407, %select_n3A_410 : vector<512x128xi1>, vector<512x128xf32>
    %select_n3A_428 = arith.select %ge3A_424, %select_n3A_408, %select_n3A_411 : vector<512x128xi1>, vector<512x128xi32>
    %ge3A_429 = arith.cmpf oge, %select_n3A_420, %select_n3A_417 : vector<512x128xf32>
    %select_n3A_430 = arith.select %ge3A_429, %select_n3A_420, %select_n3A_417 : vector<512x128xi1>, vector<512x128xf32>
    %select_n3A_431 = arith.select %ge3A_429, %select_n3A_421, %select_n3A_418 : vector<512x128xi1>, vector<512x128xi32>
    %select_n3A_432 = arith.select %ge3A_429, %select_n3A_417, %select_n3A_420 : vector<512x128xi1>, vector<512x128xf32>
    %select_n3A_433 = arith.select %ge3A_429, %select_n3A_418, %select_n3A_421 : vector<512x128xi1>, vector<512x128xi32>
    %ge3A_434 = arith.cmpf oge, %select_n3A_405, %select_n3A_415 : vector<512x128xf32>
    %select_n3A_435 = arith.select %ge3A_434, %select_n3A_405, %select_n3A_415 : vector<512x128xi1>, vector<512x128xf32>
    %select_n3A_436 = arith.select %ge3A_434, %select_n3A_406, %select_n3A_416 : vector<512x128xi1>, vector<512x128xi32>
    %select_n3A_437 = arith.select %ge3A_434, %select_n3A_415, %select_n3A_405 : vector<512x128xi1>, vector<512x128xf32>
    %select_n3A_438 = arith.select %ge3A_434, %select_n3A_416, %select_n3A_406 : vector<512x128xi1>, vector<512x128xi32>
    %ge3A_439 = arith.cmpf oge, %select_n3A_425, %select_n3A_430 : vector<512x128xf32>
    %select_n3A_440 = arith.select %ge3A_439, %select_n3A_425, %select_n3A_430 : vector<512x128xi1>, vector<512x128xf32>
    %select_n3A_441 = arith.select %ge3A_439, %select_n3A_426, %select_n3A_431 : vector<512x128xi1>, vector<512x128xi32>
    %select_n3A_442 = arith.select %ge3A_439, %select_n3A_430, %select_n3A_425 : vector<512x128xi1>, vector<512x128xf32>
    %select_n3A_443 = arith.select %ge3A_439, %select_n3A_431, %select_n3A_426 : vector<512x128xi1>, vector<512x128xi32>
    %ge3A_444 = arith.cmpf oge, %select_n3A_427, %select_n3A_432 : vector<512x128xf32>
    %select_n3A_445 = arith.select %ge3A_444, %select_n3A_427, %select_n3A_432 : vector<512x128xi1>, vector<512x128xf32>
    %select_n3A_446 = arith.select %ge3A_444, %select_n3A_428, %select_n3A_433 : vector<512x128xi1>, vector<512x128xi32>
    %select_n3A_447 = arith.select %ge3A_444, %select_n3A_432, %select_n3A_427 : vector<512x128xi1>, vector<512x128xf32>
    %select_n3A_448 = arith.select %ge3A_444, %select_n3A_433, %select_n3A_428 : vector<512x128xi1>, vector<512x128xi32>
    %ge3A_449 = arith.cmpf oge, %select_n3A_412, %select_n3A_422 : vector<512x128xf32>
    %select_n3A_450 = arith.select %ge3A_449, %select_n3A_412, %select_n3A_422 : vector<512x128xi1>, vector<512x128xf32>
    %select_n3A_451 = arith.select %ge3A_449, %select_n3A_413, %select_n3A_423 : vector<512x128xi1>, vector<512x128xi32>
    %select_n3A_452 = arith.select %ge3A_449, %select_n3A_422, %select_n3A_412 : vector<512x128xi1>, vector<512x128xf32>
    %select_n3A_453 = arith.select %ge3A_449, %select_n3A_423, %select_n3A_413 : vector<512x128xi1>, vector<512x128xi32>
    %ge3A_454 = arith.cmpf oge, %select_n3A_445, %select_n3A_437 : vector<512x128xf32>
    %select_n3A_455 = arith.select %ge3A_454, %select_n3A_445, %select_n3A_437 : vector<512x128xi1>, vector<512x128xf32>
    %select_n3A_456 = arith.select %ge3A_454, %select_n3A_446, %select_n3A_438 : vector<512x128xi1>, vector<512x128xi32>
    %select_n3A_457 = arith.select %ge3A_454, %select_n3A_437, %select_n3A_445 : vector<512x128xi1>, vector<512x128xf32>
    %select_n3A_458 = arith.select %ge3A_454, %select_n3A_438, %select_n3A_446 : vector<512x128xi1>, vector<512x128xi32>
    %ge3A_459 = arith.cmpf oge, %select_n3A_450, %select_n3A_442 : vector<512x128xf32>
    %select_n3A_460 = arith.select %ge3A_459, %select_n3A_450, %select_n3A_442 : vector<512x128xi1>, vector<512x128xf32>
    %select_n3A_461 = arith.select %ge3A_459, %select_n3A_451, %select_n3A_443 : vector<512x128xi1>, vector<512x128xi32>
    %select_n3A_462 = arith.select %ge3A_459, %select_n3A_442, %select_n3A_450 : vector<512x128xi1>, vector<512x128xf32>
    %select_n3A_463 = arith.select %ge3A_459, %select_n3A_443, %select_n3A_451 : vector<512x128xi1>, vector<512x128xi32>
    %ge3A_464 = arith.cmpf oge, %select_n3A_440, %select_n3A_455 : vector<512x128xf32>
    %select_n3A_465 = arith.select %ge3A_464, %select_n3A_440, %select_n3A_455 : vector<512x128xi1>, vector<512x128xf32>
    %select_n3A_466 = arith.select %ge3A_464, %select_n3A_441, %select_n3A_456 : vector<512x128xi1>, vector<512x128xi32>
    %select_n3A_467 = arith.select %ge3A_464, %select_n3A_455, %select_n3A_440 : vector<512x128xi1>, vector<512x128xf32>
    %select_n3A_468 = arith.select %ge3A_464, %select_n3A_456, %select_n3A_441 : vector<512x128xi1>, vector<512x128xi32>
    %ge3A_469 = arith.cmpf oge, %select_n3A_460, %select_n3A_457 : vector<512x128xf32>
    %select_n3A_470 = arith.select %ge3A_469, %select_n3A_460, %select_n3A_457 : vector<512x128xi1>, vector<512x128xf32>
    %select_n3A_471 = arith.select %ge3A_469, %select_n3A_461, %select_n3A_458 : vector<512x128xi1>, vector<512x128xi32>
    %select_n3A_472 = arith.select %ge3A_469, %select_n3A_457, %select_n3A_460 : vector<512x128xi1>, vector<512x128xf32>
    %select_n3A_473 = arith.select %ge3A_469, %select_n3A_458, %select_n3A_461 : vector<512x128xi1>, vector<512x128xi32>
    %ge3A_474 = arith.cmpf oge, %select_n3A_462, %select_n3A_447 : vector<512x128xf32>
    %select_n3A_475 = arith.select %ge3A_474, %select_n3A_462, %select_n3A_447 : vector<512x128xi1>, vector<512x128xf32>
    %select_n3A_476 = arith.select %ge3A_474, %select_n3A_463, %select_n3A_448 : vector<512x128xi1>, vector<512x128xi32>
    %select_n3A_477 = arith.select %ge3A_474, %select_n3A_447, %select_n3A_462 : vector<512x128xi1>, vector<512x128xf32>
    %select_n3A_478 = arith.select %ge3A_474, %select_n3A_448, %select_n3A_463 : vector<512x128xi1>, vector<512x128xi32>
    %ge3A_479 = arith.cmpf oge, %slice3A_76, %slice3A_79 : vector<512x128xf32>
    %select_n3A_480 = arith.select %ge3A_479, %slice3A_76, %slice3A_79 : vector<512x128xi1>, vector<512x128xf32>
    %select_n3A_481 = arith.select %ge3A_479, %broadcast_in_dim3A_78, %broadcast_in_dim3A_81 : vector<512x128xi1>, vector<512x128xi32>
    %select_n3A_482 = arith.select %ge3A_479, %slice3A_79, %slice3A_76 : vector<512x128xi1>, vector<512x128xf32>
    %select_n3A_483 = arith.select %ge3A_479, %broadcast_in_dim3A_81, %broadcast_in_dim3A_78 : vector<512x128xi1>, vector<512x128xi32>
    %ge3A_484 = arith.cmpf oge, %slice3A_82, %slice3A_85 : vector<512x128xf32>
    %select_n3A_485 = arith.select %ge3A_484, %slice3A_82, %slice3A_85 : vector<512x128xi1>, vector<512x128xf32>
    %select_n3A_486 = arith.select %ge3A_484, %broadcast_in_dim3A_84, %broadcast_in_dim3A_87 : vector<512x128xi1>, vector<512x128xi32>
    %select_n3A_487 = arith.select %ge3A_484, %slice3A_85, %slice3A_82 : vector<512x128xi1>, vector<512x128xf32>
    %select_n3A_488 = arith.select %ge3A_484, %broadcast_in_dim3A_87, %broadcast_in_dim3A_84 : vector<512x128xi1>, vector<512x128xi32>
    %ge3A_489 = arith.cmpf oge, %slice3A_88, %slice3A_91 : vector<512x128xf32>
    %select_n3A_490 = arith.select %ge3A_489, %slice3A_88, %slice3A_91 : vector<512x128xi1>, vector<512x128xf32>
    %select_n3A_491 = arith.select %ge3A_489, %broadcast_in_dim3A_90, %broadcast_in_dim3A_93 : vector<512x128xi1>, vector<512x128xi32>
    %select_n3A_492 = arith.select %ge3A_489, %slice3A_91, %slice3A_88 : vector<512x128xi1>, vector<512x128xf32>
    %select_n3A_493 = arith.select %ge3A_489, %broadcast_in_dim3A_93, %broadcast_in_dim3A_90 : vector<512x128xi1>, vector<512x128xi32>
    %ge3A_494 = arith.cmpf oge, %slice3A_94, %slice3A_97 : vector<512x128xf32>
    %select_n3A_495 = arith.select %ge3A_494, %slice3A_94, %slice3A_97 : vector<512x128xi1>, vector<512x128xf32>
    %select_n3A_496 = arith.select %ge3A_494, %broadcast_in_dim3A_96, %broadcast_in_dim3A_99 : vector<512x128xi1>, vector<512x128xi32>
    %select_n3A_497 = arith.select %ge3A_494, %slice3A_97, %slice3A_94 : vector<512x128xi1>, vector<512x128xf32>
    %select_n3A_498 = arith.select %ge3A_494, %broadcast_in_dim3A_99, %broadcast_in_dim3A_96 : vector<512x128xi1>, vector<512x128xi32>
    %ge3A_499 = arith.cmpf oge, %select_n3A_480, %select_n3A_485 : vector<512x128xf32>
    %select_n3A_500 = arith.select %ge3A_499, %select_n3A_480, %select_n3A_485 : vector<512x128xi1>, vector<512x128xf32>
    %select_n3A_501 = arith.select %ge3A_499, %select_n3A_481, %select_n3A_486 : vector<512x128xi1>, vector<512x128xi32>
    %select_n3A_502 = arith.select %ge3A_499, %select_n3A_485, %select_n3A_480 : vector<512x128xi1>, vector<512x128xf32>
    %select_n3A_503 = arith.select %ge3A_499, %select_n3A_486, %select_n3A_481 : vector<512x128xi1>, vector<512x128xi32>
    %ge3A_504 = arith.cmpf oge, %select_n3A_482, %select_n3A_487 : vector<512x128xf32>
    %select_n3A_505 = arith.select %ge3A_504, %select_n3A_482, %select_n3A_487 : vector<512x128xi1>, vector<512x128xf32>
    %select_n3A_506 = arith.select %ge3A_504, %select_n3A_483, %select_n3A_488 : vector<512x128xi1>, vector<512x128xi32>
    %select_n3A_507 = arith.select %ge3A_504, %select_n3A_487, %select_n3A_482 : vector<512x128xi1>, vector<512x128xf32>
    %select_n3A_508 = arith.select %ge3A_504, %select_n3A_488, %select_n3A_483 : vector<512x128xi1>, vector<512x128xi32>
    %ge3A_509 = arith.cmpf oge, %select_n3A_490, %select_n3A_495 : vector<512x128xf32>
    %select_n3A_510 = arith.select %ge3A_509, %select_n3A_490, %select_n3A_495 : vector<512x128xi1>, vector<512x128xf32>
    %select_n3A_511 = arith.select %ge3A_509, %select_n3A_491, %select_n3A_496 : vector<512x128xi1>, vector<512x128xi32>
    %select_n3A_512 = arith.select %ge3A_509, %select_n3A_495, %select_n3A_490 : vector<512x128xi1>, vector<512x128xf32>
    %select_n3A_513 = arith.select %ge3A_509, %select_n3A_496, %select_n3A_491 : vector<512x128xi1>, vector<512x128xi32>
    %ge3A_514 = arith.cmpf oge, %select_n3A_492, %select_n3A_497 : vector<512x128xf32>
    %select_n3A_515 = arith.select %ge3A_514, %select_n3A_492, %select_n3A_497 : vector<512x128xi1>, vector<512x128xf32>
    %select_n3A_516 = arith.select %ge3A_514, %select_n3A_493, %select_n3A_498 : vector<512x128xi1>, vector<512x128xi32>
    %select_n3A_517 = arith.select %ge3A_514, %select_n3A_497, %select_n3A_492 : vector<512x128xi1>, vector<512x128xf32>
    %select_n3A_518 = arith.select %ge3A_514, %select_n3A_498, %select_n3A_493 : vector<512x128xi1>, vector<512x128xi32>
    %ge3A_519 = arith.cmpf oge, %select_n3A_505, %select_n3A_502 : vector<512x128xf32>
    %select_n3A_520 = arith.select %ge3A_519, %select_n3A_505, %select_n3A_502 : vector<512x128xi1>, vector<512x128xf32>
    %select_n3A_521 = arith.select %ge3A_519, %select_n3A_506, %select_n3A_503 : vector<512x128xi1>, vector<512x128xi32>
    %select_n3A_522 = arith.select %ge3A_519, %select_n3A_502, %select_n3A_505 : vector<512x128xi1>, vector<512x128xf32>
    %select_n3A_523 = arith.select %ge3A_519, %select_n3A_503, %select_n3A_506 : vector<512x128xi1>, vector<512x128xi32>
    %ge3A_524 = arith.cmpf oge, %select_n3A_515, %select_n3A_512 : vector<512x128xf32>
    %select_n3A_525 = arith.select %ge3A_524, %select_n3A_515, %select_n3A_512 : vector<512x128xi1>, vector<512x128xf32>
    %select_n3A_526 = arith.select %ge3A_524, %select_n3A_516, %select_n3A_513 : vector<512x128xi1>, vector<512x128xi32>
    %select_n3A_527 = arith.select %ge3A_524, %select_n3A_512, %select_n3A_515 : vector<512x128xi1>, vector<512x128xf32>
    %select_n3A_528 = arith.select %ge3A_524, %select_n3A_513, %select_n3A_516 : vector<512x128xi1>, vector<512x128xi32>
    %ge3A_529 = arith.cmpf oge, %select_n3A_500, %select_n3A_510 : vector<512x128xf32>
    %select_n3A_530 = arith.select %ge3A_529, %select_n3A_500, %select_n3A_510 : vector<512x128xi1>, vector<512x128xf32>
    %select_n3A_531 = arith.select %ge3A_529, %select_n3A_501, %select_n3A_511 : vector<512x128xi1>, vector<512x128xi32>
    %select_n3A_532 = arith.select %ge3A_529, %select_n3A_510, %select_n3A_500 : vector<512x128xi1>, vector<512x128xf32>
    %select_n3A_533 = arith.select %ge3A_529, %select_n3A_511, %select_n3A_501 : vector<512x128xi1>, vector<512x128xi32>
    %ge3A_534 = arith.cmpf oge, %select_n3A_520, %select_n3A_525 : vector<512x128xf32>
    %select_n3A_535 = arith.select %ge3A_534, %select_n3A_520, %select_n3A_525 : vector<512x128xi1>, vector<512x128xf32>
    %select_n3A_536 = arith.select %ge3A_534, %select_n3A_521, %select_n3A_526 : vector<512x128xi1>, vector<512x128xi32>
    %select_n3A_537 = arith.select %ge3A_534, %select_n3A_525, %select_n3A_520 : vector<512x128xi1>, vector<512x128xf32>
    %select_n3A_538 = arith.select %ge3A_534, %select_n3A_526, %select_n3A_521 : vector<512x128xi1>, vector<512x128xi32>
    %ge3A_539 = arith.cmpf oge, %select_n3A_522, %select_n3A_527 : vector<512x128xf32>
    %select_n3A_540 = arith.select %ge3A_539, %select_n3A_522, %select_n3A_527 : vector<512x128xi1>, vector<512x128xf32>
    %select_n3A_541 = arith.select %ge3A_539, %select_n3A_523, %select_n3A_528 : vector<512x128xi1>, vector<512x128xi32>
    %select_n3A_542 = arith.select %ge3A_539, %select_n3A_527, %select_n3A_522 : vector<512x128xi1>, vector<512x128xf32>
    %select_n3A_543 = arith.select %ge3A_539, %select_n3A_528, %select_n3A_523 : vector<512x128xi1>, vector<512x128xi32>
    %ge3A_544 = arith.cmpf oge, %select_n3A_507, %select_n3A_517 : vector<512x128xf32>
    %select_n3A_545 = arith.select %ge3A_544, %select_n3A_507, %select_n3A_517 : vector<512x128xi1>, vector<512x128xf32>
    %select_n3A_546 = arith.select %ge3A_544, %select_n3A_508, %select_n3A_518 : vector<512x128xi1>, vector<512x128xi32>
    %select_n3A_547 = arith.select %ge3A_544, %select_n3A_517, %select_n3A_507 : vector<512x128xi1>, vector<512x128xf32>
    %select_n3A_548 = arith.select %ge3A_544, %select_n3A_518, %select_n3A_508 : vector<512x128xi1>, vector<512x128xi32>
    %ge3A_549 = arith.cmpf oge, %select_n3A_540, %select_n3A_532 : vector<512x128xf32>
    %select_n3A_550 = arith.select %ge3A_549, %select_n3A_540, %select_n3A_532 : vector<512x128xi1>, vector<512x128xf32>
    %select_n3A_551 = arith.select %ge3A_549, %select_n3A_541, %select_n3A_533 : vector<512x128xi1>, vector<512x128xi32>
    %select_n3A_552 = arith.select %ge3A_549, %select_n3A_532, %select_n3A_540 : vector<512x128xi1>, vector<512x128xf32>
    %select_n3A_553 = arith.select %ge3A_549, %select_n3A_533, %select_n3A_541 : vector<512x128xi1>, vector<512x128xi32>
    %ge3A_554 = arith.cmpf oge, %select_n3A_545, %select_n3A_537 : vector<512x128xf32>
    %select_n3A_555 = arith.select %ge3A_554, %select_n3A_545, %select_n3A_537 : vector<512x128xi1>, vector<512x128xf32>
    %select_n3A_556 = arith.select %ge3A_554, %select_n3A_546, %select_n3A_538 : vector<512x128xi1>, vector<512x128xi32>
    %select_n3A_557 = arith.select %ge3A_554, %select_n3A_537, %select_n3A_545 : vector<512x128xi1>, vector<512x128xf32>
    %select_n3A_558 = arith.select %ge3A_554, %select_n3A_538, %select_n3A_546 : vector<512x128xi1>, vector<512x128xi32>
    %ge3A_559 = arith.cmpf oge, %select_n3A_535, %select_n3A_550 : vector<512x128xf32>
    %select_n3A_560 = arith.select %ge3A_559, %select_n3A_535, %select_n3A_550 : vector<512x128xi1>, vector<512x128xf32>
    %select_n3A_561 = arith.select %ge3A_559, %select_n3A_536, %select_n3A_551 : vector<512x128xi1>, vector<512x128xi32>
    %select_n3A_562 = arith.select %ge3A_559, %select_n3A_550, %select_n3A_535 : vector<512x128xi1>, vector<512x128xf32>
    %select_n3A_563 = arith.select %ge3A_559, %select_n3A_551, %select_n3A_536 : vector<512x128xi1>, vector<512x128xi32>
    %ge3A_564 = arith.cmpf oge, %select_n3A_555, %select_n3A_552 : vector<512x128xf32>
    %select_n3A_565 = arith.select %ge3A_564, %select_n3A_555, %select_n3A_552 : vector<512x128xi1>, vector<512x128xf32>
    %select_n3A_566 = arith.select %ge3A_564, %select_n3A_556, %select_n3A_553 : vector<512x128xi1>, vector<512x128xi32>
    %select_n3A_567 = arith.select %ge3A_564, %select_n3A_552, %select_n3A_555 : vector<512x128xi1>, vector<512x128xf32>
    %select_n3A_568 = arith.select %ge3A_564, %select_n3A_553, %select_n3A_556 : vector<512x128xi1>, vector<512x128xi32>
    %ge3A_569 = arith.cmpf oge, %select_n3A_557, %select_n3A_542 : vector<512x128xf32>
    %select_n3A_570 = arith.select %ge3A_569, %select_n3A_557, %select_n3A_542 : vector<512x128xi1>, vector<512x128xf32>
    %select_n3A_571 = arith.select %ge3A_569, %select_n3A_558, %select_n3A_543 : vector<512x128xi1>, vector<512x128xi32>
    %select_n3A_572 = arith.select %ge3A_569, %select_n3A_542, %select_n3A_557 : vector<512x128xi1>, vector<512x128xf32>
    %select_n3A_573 = arith.select %ge3A_569, %select_n3A_543, %select_n3A_558 : vector<512x128xi1>, vector<512x128xi32>
    %ge3A_574 = arith.cmpf oge, %slice3A_100, %slice3A_103 : vector<512x128xf32>
    %select_n3A_575 = arith.select %ge3A_574, %slice3A_100, %slice3A_103 : vector<512x128xi1>, vector<512x128xf32>
    %select_n3A_576 = arith.select %ge3A_574, %broadcast_in_dim3A_102, %broadcast_in_dim3A_105 : vector<512x128xi1>, vector<512x128xi32>
    %select_n3A_577 = arith.select %ge3A_574, %slice3A_103, %slice3A_100 : vector<512x128xi1>, vector<512x128xf32>
    %select_n3A_578 = arith.select %ge3A_574, %broadcast_in_dim3A_105, %broadcast_in_dim3A_102 : vector<512x128xi1>, vector<512x128xi32>
    %ge3A_579 = arith.cmpf oge, %slice3A_106, %slice3A_109 : vector<512x128xf32>
    %select_n3A_580 = arith.select %ge3A_579, %slice3A_106, %slice3A_109 : vector<512x128xi1>, vector<512x128xf32>
    %select_n3A_581 = arith.select %ge3A_579, %broadcast_in_dim3A_108, %broadcast_in_dim3A_111 : vector<512x128xi1>, vector<512x128xi32>
    %select_n3A_582 = arith.select %ge3A_579, %slice3A_109, %slice3A_106 : vector<512x128xi1>, vector<512x128xf32>
    %select_n3A_583 = arith.select %ge3A_579, %broadcast_in_dim3A_111, %broadcast_in_dim3A_108 : vector<512x128xi1>, vector<512x128xi32>
    %ge3A_584 = arith.cmpf oge, %slice3A_112, %slice3A_115 : vector<512x128xf32>
    %select_n3A_585 = arith.select %ge3A_584, %slice3A_112, %slice3A_115 : vector<512x128xi1>, vector<512x128xf32>
    %select_n3A_586 = arith.select %ge3A_584, %broadcast_in_dim3A_114, %broadcast_in_dim3A_117 : vector<512x128xi1>, vector<512x128xi32>
    %select_n3A_587 = arith.select %ge3A_584, %slice3A_115, %slice3A_112 : vector<512x128xi1>, vector<512x128xf32>
    %select_n3A_588 = arith.select %ge3A_584, %broadcast_in_dim3A_117, %broadcast_in_dim3A_114 : vector<512x128xi1>, vector<512x128xi32>
    %ge3A_589 = arith.cmpf oge, %slice3A_118, %slice3A_121 : vector<512x128xf32>
    %select_n3A_590 = arith.select %ge3A_589, %slice3A_118, %slice3A_121 : vector<512x128xi1>, vector<512x128xf32>
    %select_n3A_591 = arith.select %ge3A_589, %broadcast_in_dim3A_120, %broadcast_in_dim3A_123 : vector<512x128xi1>, vector<512x128xi32>
    %select_n3A_592 = arith.select %ge3A_589, %slice3A_121, %slice3A_118 : vector<512x128xi1>, vector<512x128xf32>
    %select_n3A_593 = arith.select %ge3A_589, %broadcast_in_dim3A_123, %broadcast_in_dim3A_120 : vector<512x128xi1>, vector<512x128xi32>
    %ge3A_594 = arith.cmpf oge, %select_n3A_575, %select_n3A_580 : vector<512x128xf32>
    %select_n3A_595 = arith.select %ge3A_594, %select_n3A_575, %select_n3A_580 : vector<512x128xi1>, vector<512x128xf32>
    %select_n3A_596 = arith.select %ge3A_594, %select_n3A_576, %select_n3A_581 : vector<512x128xi1>, vector<512x128xi32>
    %select_n3A_597 = arith.select %ge3A_594, %select_n3A_580, %select_n3A_575 : vector<512x128xi1>, vector<512x128xf32>
    %select_n3A_598 = arith.select %ge3A_594, %select_n3A_581, %select_n3A_576 : vector<512x128xi1>, vector<512x128xi32>
    %ge3A_599 = arith.cmpf oge, %select_n3A_577, %select_n3A_582 : vector<512x128xf32>
    %select_n3A_600 = arith.select %ge3A_599, %select_n3A_577, %select_n3A_582 : vector<512x128xi1>, vector<512x128xf32>
    %select_n3A_601 = arith.select %ge3A_599, %select_n3A_578, %select_n3A_583 : vector<512x128xi1>, vector<512x128xi32>
    %select_n3A_602 = arith.select %ge3A_599, %select_n3A_582, %select_n3A_577 : vector<512x128xi1>, vector<512x128xf32>
    %select_n3A_603 = arith.select %ge3A_599, %select_n3A_583, %select_n3A_578 : vector<512x128xi1>, vector<512x128xi32>
    %ge3A_604 = arith.cmpf oge, %select_n3A_585, %select_n3A_590 : vector<512x128xf32>
    %select_n3A_605 = arith.select %ge3A_604, %select_n3A_585, %select_n3A_590 : vector<512x128xi1>, vector<512x128xf32>
    %select_n3A_606 = arith.select %ge3A_604, %select_n3A_586, %select_n3A_591 : vector<512x128xi1>, vector<512x128xi32>
    %select_n3A_607 = arith.select %ge3A_604, %select_n3A_590, %select_n3A_585 : vector<512x128xi1>, vector<512x128xf32>
    %select_n3A_608 = arith.select %ge3A_604, %select_n3A_591, %select_n3A_586 : vector<512x128xi1>, vector<512x128xi32>
    %ge3A_609 = arith.cmpf oge, %select_n3A_587, %select_n3A_592 : vector<512x128xf32>
    %select_n3A_610 = arith.select %ge3A_609, %select_n3A_587, %select_n3A_592 : vector<512x128xi1>, vector<512x128xf32>
    %select_n3A_611 = arith.select %ge3A_609, %select_n3A_588, %select_n3A_593 : vector<512x128xi1>, vector<512x128xi32>
    %select_n3A_612 = arith.select %ge3A_609, %select_n3A_592, %select_n3A_587 : vector<512x128xi1>, vector<512x128xf32>
    %select_n3A_613 = arith.select %ge3A_609, %select_n3A_593, %select_n3A_588 : vector<512x128xi1>, vector<512x128xi32>
    %ge3A_614 = arith.cmpf oge, %select_n3A_600, %select_n3A_597 : vector<512x128xf32>
    %select_n3A_615 = arith.select %ge3A_614, %select_n3A_600, %select_n3A_597 : vector<512x128xi1>, vector<512x128xf32>
    %select_n3A_616 = arith.select %ge3A_614, %select_n3A_601, %select_n3A_598 : vector<512x128xi1>, vector<512x128xi32>
    %select_n3A_617 = arith.select %ge3A_614, %select_n3A_597, %select_n3A_600 : vector<512x128xi1>, vector<512x128xf32>
    %select_n3A_618 = arith.select %ge3A_614, %select_n3A_598, %select_n3A_601 : vector<512x128xi1>, vector<512x128xi32>
    %ge3A_619 = arith.cmpf oge, %select_n3A_610, %select_n3A_607 : vector<512x128xf32>
    %select_n3A_620 = arith.select %ge3A_619, %select_n3A_610, %select_n3A_607 : vector<512x128xi1>, vector<512x128xf32>
    %select_n3A_621 = arith.select %ge3A_619, %select_n3A_611, %select_n3A_608 : vector<512x128xi1>, vector<512x128xi32>
    %select_n3A_622 = arith.select %ge3A_619, %select_n3A_607, %select_n3A_610 : vector<512x128xi1>, vector<512x128xf32>
    %select_n3A_623 = arith.select %ge3A_619, %select_n3A_608, %select_n3A_611 : vector<512x128xi1>, vector<512x128xi32>
    %ge3A_624 = arith.cmpf oge, %select_n3A_595, %select_n3A_605 : vector<512x128xf32>
    %select_n3A_625 = arith.select %ge3A_624, %select_n3A_595, %select_n3A_605 : vector<512x128xi1>, vector<512x128xf32>
    %select_n3A_626 = arith.select %ge3A_624, %select_n3A_596, %select_n3A_606 : vector<512x128xi1>, vector<512x128xi32>
    %select_n3A_627 = arith.select %ge3A_624, %select_n3A_605, %select_n3A_595 : vector<512x128xi1>, vector<512x128xf32>
    %select_n3A_628 = arith.select %ge3A_624, %select_n3A_606, %select_n3A_596 : vector<512x128xi1>, vector<512x128xi32>
    %ge3A_629 = arith.cmpf oge, %select_n3A_615, %select_n3A_620 : vector<512x128xf32>
    %select_n3A_630 = arith.select %ge3A_629, %select_n3A_615, %select_n3A_620 : vector<512x128xi1>, vector<512x128xf32>
    %select_n3A_631 = arith.select %ge3A_629, %select_n3A_616, %select_n3A_621 : vector<512x128xi1>, vector<512x128xi32>
    %select_n3A_632 = arith.select %ge3A_629, %select_n3A_620, %select_n3A_615 : vector<512x128xi1>, vector<512x128xf32>
    %select_n3A_633 = arith.select %ge3A_629, %select_n3A_621, %select_n3A_616 : vector<512x128xi1>, vector<512x128xi32>
    %ge3A_634 = arith.cmpf oge, %select_n3A_617, %select_n3A_622 : vector<512x128xf32>
    %select_n3A_635 = arith.select %ge3A_634, %select_n3A_617, %select_n3A_622 : vector<512x128xi1>, vector<512x128xf32>
    %select_n3A_636 = arith.select %ge3A_634, %select_n3A_618, %select_n3A_623 : vector<512x128xi1>, vector<512x128xi32>
    %select_n3A_637 = arith.select %ge3A_634, %select_n3A_622, %select_n3A_617 : vector<512x128xi1>, vector<512x128xf32>
    %select_n3A_638 = arith.select %ge3A_634, %select_n3A_623, %select_n3A_618 : vector<512x128xi1>, vector<512x128xi32>
    %ge3A_639 = arith.cmpf oge, %select_n3A_602, %select_n3A_612 : vector<512x128xf32>
    %select_n3A_640 = arith.select %ge3A_639, %select_n3A_602, %select_n3A_612 : vector<512x128xi1>, vector<512x128xf32>
    %select_n3A_641 = arith.select %ge3A_639, %select_n3A_603, %select_n3A_613 : vector<512x128xi1>, vector<512x128xi32>
    %select_n3A_642 = arith.select %ge3A_639, %select_n3A_612, %select_n3A_602 : vector<512x128xi1>, vector<512x128xf32>
    %select_n3A_643 = arith.select %ge3A_639, %select_n3A_613, %select_n3A_603 : vector<512x128xi1>, vector<512x128xi32>
    %ge3A_644 = arith.cmpf oge, %select_n3A_635, %select_n3A_627 : vector<512x128xf32>
    %select_n3A_645 = arith.select %ge3A_644, %select_n3A_635, %select_n3A_627 : vector<512x128xi1>, vector<512x128xf32>
    %select_n3A_646 = arith.select %ge3A_644, %select_n3A_636, %select_n3A_628 : vector<512x128xi1>, vector<512x128xi32>
    %select_n3A_647 = arith.select %ge3A_644, %select_n3A_627, %select_n3A_635 : vector<512x128xi1>, vector<512x128xf32>
    %select_n3A_648 = arith.select %ge3A_644, %select_n3A_628, %select_n3A_636 : vector<512x128xi1>, vector<512x128xi32>
    %ge3A_649 = arith.cmpf oge, %select_n3A_640, %select_n3A_632 : vector<512x128xf32>
    %select_n3A_650 = arith.select %ge3A_649, %select_n3A_640, %select_n3A_632 : vector<512x128xi1>, vector<512x128xf32>
    %select_n3A_651 = arith.select %ge3A_649, %select_n3A_641, %select_n3A_633 : vector<512x128xi1>, vector<512x128xi32>
    %select_n3A_652 = arith.select %ge3A_649, %select_n3A_632, %select_n3A_640 : vector<512x128xi1>, vector<512x128xf32>
    %select_n3A_653 = arith.select %ge3A_649, %select_n3A_633, %select_n3A_641 : vector<512x128xi1>, vector<512x128xi32>
    %ge3A_654 = arith.cmpf oge, %select_n3A_630, %select_n3A_645 : vector<512x128xf32>
    %select_n3A_655 = arith.select %ge3A_654, %select_n3A_630, %select_n3A_645 : vector<512x128xi1>, vector<512x128xf32>
    %select_n3A_656 = arith.select %ge3A_654, %select_n3A_631, %select_n3A_646 : vector<512x128xi1>, vector<512x128xi32>
    %select_n3A_657 = arith.select %ge3A_654, %select_n3A_645, %select_n3A_630 : vector<512x128xi1>, vector<512x128xf32>
    %select_n3A_658 = arith.select %ge3A_654, %select_n3A_646, %select_n3A_631 : vector<512x128xi1>, vector<512x128xi32>
    %ge3A_659 = arith.cmpf oge, %select_n3A_650, %select_n3A_647 : vector<512x128xf32>
    %select_n3A_660 = arith.select %ge3A_659, %select_n3A_650, %select_n3A_647 : vector<512x128xi1>, vector<512x128xf32>
    %select_n3A_661 = arith.select %ge3A_659, %select_n3A_651, %select_n3A_648 : vector<512x128xi1>, vector<512x128xi32>
    %select_n3A_662 = arith.select %ge3A_659, %select_n3A_647, %select_n3A_650 : vector<512x128xi1>, vector<512x128xf32>
    %select_n3A_663 = arith.select %ge3A_659, %select_n3A_648, %select_n3A_651 : vector<512x128xi1>, vector<512x128xi32>
    %ge3A_664 = arith.cmpf oge, %select_n3A_652, %select_n3A_637 : vector<512x128xf32>
    %select_n3A_665 = arith.select %ge3A_664, %select_n3A_652, %select_n3A_637 : vector<512x128xi1>, vector<512x128xf32>
    %select_n3A_666 = arith.select %ge3A_664, %select_n3A_653, %select_n3A_638 : vector<512x128xi1>, vector<512x128xi32>
    %select_n3A_667 = arith.select %ge3A_664, %select_n3A_637, %select_n3A_652 : vector<512x128xi1>, vector<512x128xf32>
    %select_n3A_668 = arith.select %ge3A_664, %select_n3A_638, %select_n3A_653 : vector<512x128xi1>, vector<512x128xi32>
    %ge3A_669 = arith.cmpf oge, %slice3A_124, %slice3A_127 : vector<512x128xf32>
    %select_n3A_670 = arith.select %ge3A_669, %slice3A_124, %slice3A_127 : vector<512x128xi1>, vector<512x128xf32>
    %select_n3A_671 = arith.select %ge3A_669, %broadcast_in_dim3A_126, %broadcast_in_dim3A_129 : vector<512x128xi1>, vector<512x128xi32>
    %select_n3A_672 = arith.select %ge3A_669, %slice3A_127, %slice3A_124 : vector<512x128xi1>, vector<512x128xf32>
    %select_n3A_673 = arith.select %ge3A_669, %broadcast_in_dim3A_129, %broadcast_in_dim3A_126 : vector<512x128xi1>, vector<512x128xi32>
    %ge3A_674 = arith.cmpf oge, %slice3A_130, %slice3A_133 : vector<512x128xf32>
    %select_n3A_675 = arith.select %ge3A_674, %slice3A_130, %slice3A_133 : vector<512x128xi1>, vector<512x128xf32>
    %select_n3A_676 = arith.select %ge3A_674, %broadcast_in_dim3A_132, %broadcast_in_dim3A_135 : vector<512x128xi1>, vector<512x128xi32>
    %select_n3A_677 = arith.select %ge3A_674, %slice3A_133, %slice3A_130 : vector<512x128xi1>, vector<512x128xf32>
    %select_n3A_678 = arith.select %ge3A_674, %broadcast_in_dim3A_135, %broadcast_in_dim3A_132 : vector<512x128xi1>, vector<512x128xi32>
    %ge3A_679 = arith.cmpf oge, %slice3A_136, %slice3A_139 : vector<512x128xf32>
    %select_n3A_680 = arith.select %ge3A_679, %slice3A_136, %slice3A_139 : vector<512x128xi1>, vector<512x128xf32>
    %select_n3A_681 = arith.select %ge3A_679, %broadcast_in_dim3A_138, %broadcast_in_dim3A_141 : vector<512x128xi1>, vector<512x128xi32>
    %select_n3A_682 = arith.select %ge3A_679, %slice3A_139, %slice3A_136 : vector<512x128xi1>, vector<512x128xf32>
    %select_n3A_683 = arith.select %ge3A_679, %broadcast_in_dim3A_141, %broadcast_in_dim3A_138 : vector<512x128xi1>, vector<512x128xi32>
    %ge3A_684 = arith.cmpf oge, %slice3A_142, %slice3A_145 : vector<512x128xf32>
    %select_n3A_685 = arith.select %ge3A_684, %slice3A_142, %slice3A_145 : vector<512x128xi1>, vector<512x128xf32>
    %select_n3A_686 = arith.select %ge3A_684, %broadcast_in_dim3A_144, %broadcast_in_dim3A_147 : vector<512x128xi1>, vector<512x128xi32>
    %select_n3A_687 = arith.select %ge3A_684, %slice3A_145, %slice3A_142 : vector<512x128xi1>, vector<512x128xf32>
    %select_n3A_688 = arith.select %ge3A_684, %broadcast_in_dim3A_147, %broadcast_in_dim3A_144 : vector<512x128xi1>, vector<512x128xi32>
    %ge3A_689 = arith.cmpf oge, %select_n3A_670, %select_n3A_675 : vector<512x128xf32>
    %select_n3A_690 = arith.select %ge3A_689, %select_n3A_670, %select_n3A_675 : vector<512x128xi1>, vector<512x128xf32>
    %select_n3A_691 = arith.select %ge3A_689, %select_n3A_671, %select_n3A_676 : vector<512x128xi1>, vector<512x128xi32>
    %select_n3A_692 = arith.select %ge3A_689, %select_n3A_675, %select_n3A_670 : vector<512x128xi1>, vector<512x128xf32>
    %select_n3A_693 = arith.select %ge3A_689, %select_n3A_676, %select_n3A_671 : vector<512x128xi1>, vector<512x128xi32>
    %ge3A_694 = arith.cmpf oge, %select_n3A_672, %select_n3A_677 : vector<512x128xf32>
    %select_n3A_695 = arith.select %ge3A_694, %select_n3A_672, %select_n3A_677 : vector<512x128xi1>, vector<512x128xf32>
    %select_n3A_696 = arith.select %ge3A_694, %select_n3A_673, %select_n3A_678 : vector<512x128xi1>, vector<512x128xi32>
    %select_n3A_697 = arith.select %ge3A_694, %select_n3A_677, %select_n3A_672 : vector<512x128xi1>, vector<512x128xf32>
    %select_n3A_698 = arith.select %ge3A_694, %select_n3A_678, %select_n3A_673 : vector<512x128xi1>, vector<512x128xi32>
    %ge3A_699 = arith.cmpf oge, %select_n3A_680, %select_n3A_685 : vector<512x128xf32>
    %select_n3A_700 = arith.select %ge3A_699, %select_n3A_680, %select_n3A_685 : vector<512x128xi1>, vector<512x128xf32>
    %select_n3A_701 = arith.select %ge3A_699, %select_n3A_681, %select_n3A_686 : vector<512x128xi1>, vector<512x128xi32>
    %select_n3A_702 = arith.select %ge3A_699, %select_n3A_685, %select_n3A_680 : vector<512x128xi1>, vector<512x128xf32>
    %select_n3A_703 = arith.select %ge3A_699, %select_n3A_686, %select_n3A_681 : vector<512x128xi1>, vector<512x128xi32>
    %ge3A_704 = arith.cmpf oge, %select_n3A_682, %select_n3A_687 : vector<512x128xf32>
    %select_n3A_705 = arith.select %ge3A_704, %select_n3A_682, %select_n3A_687 : vector<512x128xi1>, vector<512x128xf32>
    %select_n3A_706 = arith.select %ge3A_704, %select_n3A_683, %select_n3A_688 : vector<512x128xi1>, vector<512x128xi32>
    %select_n3A_707 = arith.select %ge3A_704, %select_n3A_687, %select_n3A_682 : vector<512x128xi1>, vector<512x128xf32>
    %select_n3A_708 = arith.select %ge3A_704, %select_n3A_688, %select_n3A_683 : vector<512x128xi1>, vector<512x128xi32>
    %ge3A_709 = arith.cmpf oge, %select_n3A_695, %select_n3A_692 : vector<512x128xf32>
    %select_n3A_710 = arith.select %ge3A_709, %select_n3A_695, %select_n3A_692 : vector<512x128xi1>, vector<512x128xf32>
    %select_n3A_711 = arith.select %ge3A_709, %select_n3A_696, %select_n3A_693 : vector<512x128xi1>, vector<512x128xi32>
    %select_n3A_712 = arith.select %ge3A_709, %select_n3A_692, %select_n3A_695 : vector<512x128xi1>, vector<512x128xf32>
    %select_n3A_713 = arith.select %ge3A_709, %select_n3A_693, %select_n3A_696 : vector<512x128xi1>, vector<512x128xi32>
    %ge3A_714 = arith.cmpf oge, %select_n3A_705, %select_n3A_702 : vector<512x128xf32>
    %select_n3A_715 = arith.select %ge3A_714, %select_n3A_705, %select_n3A_702 : vector<512x128xi1>, vector<512x128xf32>
    %select_n3A_716 = arith.select %ge3A_714, %select_n3A_706, %select_n3A_703 : vector<512x128xi1>, vector<512x128xi32>
    %select_n3A_717 = arith.select %ge3A_714, %select_n3A_702, %select_n3A_705 : vector<512x128xi1>, vector<512x128xf32>
    %select_n3A_718 = arith.select %ge3A_714, %select_n3A_703, %select_n3A_706 : vector<512x128xi1>, vector<512x128xi32>
    %ge3A_719 = arith.cmpf oge, %select_n3A_690, %select_n3A_700 : vector<512x128xf32>
    %select_n3A_720 = arith.select %ge3A_719, %select_n3A_690, %select_n3A_700 : vector<512x128xi1>, vector<512x128xf32>
    %select_n3A_721 = arith.select %ge3A_719, %select_n3A_691, %select_n3A_701 : vector<512x128xi1>, vector<512x128xi32>
    %select_n3A_722 = arith.select %ge3A_719, %select_n3A_700, %select_n3A_690 : vector<512x128xi1>, vector<512x128xf32>
    %select_n3A_723 = arith.select %ge3A_719, %select_n3A_701, %select_n3A_691 : vector<512x128xi1>, vector<512x128xi32>
    %ge3A_724 = arith.cmpf oge, %select_n3A_710, %select_n3A_715 : vector<512x128xf32>
    %select_n3A_725 = arith.select %ge3A_724, %select_n3A_710, %select_n3A_715 : vector<512x128xi1>, vector<512x128xf32>
    %select_n3A_726 = arith.select %ge3A_724, %select_n3A_711, %select_n3A_716 : vector<512x128xi1>, vector<512x128xi32>
    %select_n3A_727 = arith.select %ge3A_724, %select_n3A_715, %select_n3A_710 : vector<512x128xi1>, vector<512x128xf32>
    %select_n3A_728 = arith.select %ge3A_724, %select_n3A_716, %select_n3A_711 : vector<512x128xi1>, vector<512x128xi32>
    %ge3A_729 = arith.cmpf oge, %select_n3A_712, %select_n3A_717 : vector<512x128xf32>
    %select_n3A_730 = arith.select %ge3A_729, %select_n3A_712, %select_n3A_717 : vector<512x128xi1>, vector<512x128xf32>
    %select_n3A_731 = arith.select %ge3A_729, %select_n3A_713, %select_n3A_718 : vector<512x128xi1>, vector<512x128xi32>
    %select_n3A_732 = arith.select %ge3A_729, %select_n3A_717, %select_n3A_712 : vector<512x128xi1>, vector<512x128xf32>
    %select_n3A_733 = arith.select %ge3A_729, %select_n3A_718, %select_n3A_713 : vector<512x128xi1>, vector<512x128xi32>
    %ge3A_734 = arith.cmpf oge, %select_n3A_697, %select_n3A_707 : vector<512x128xf32>
    %select_n3A_735 = arith.select %ge3A_734, %select_n3A_697, %select_n3A_707 : vector<512x128xi1>, vector<512x128xf32>
    %select_n3A_736 = arith.select %ge3A_734, %select_n3A_698, %select_n3A_708 : vector<512x128xi1>, vector<512x128xi32>
    %select_n3A_737 = arith.select %ge3A_734, %select_n3A_707, %select_n3A_697 : vector<512x128xi1>, vector<512x128xf32>
    %select_n3A_738 = arith.select %ge3A_734, %select_n3A_708, %select_n3A_698 : vector<512x128xi1>, vector<512x128xi32>
    %ge3A_739 = arith.cmpf oge, %select_n3A_730, %select_n3A_722 : vector<512x128xf32>
    %select_n3A_740 = arith.select %ge3A_739, %select_n3A_730, %select_n3A_722 : vector<512x128xi1>, vector<512x128xf32>
    %select_n3A_741 = arith.select %ge3A_739, %select_n3A_731, %select_n3A_723 : vector<512x128xi1>, vector<512x128xi32>
    %select_n3A_742 = arith.select %ge3A_739, %select_n3A_722, %select_n3A_730 : vector<512x128xi1>, vector<512x128xf32>
    %select_n3A_743 = arith.select %ge3A_739, %select_n3A_723, %select_n3A_731 : vector<512x128xi1>, vector<512x128xi32>
    %ge3A_744 = arith.cmpf oge, %select_n3A_735, %select_n3A_727 : vector<512x128xf32>
    %select_n3A_745 = arith.select %ge3A_744, %select_n3A_735, %select_n3A_727 : vector<512x128xi1>, vector<512x128xf32>
    %select_n3A_746 = arith.select %ge3A_744, %select_n3A_736, %select_n3A_728 : vector<512x128xi1>, vector<512x128xi32>
    %select_n3A_747 = arith.select %ge3A_744, %select_n3A_727, %select_n3A_735 : vector<512x128xi1>, vector<512x128xf32>
    %select_n3A_748 = arith.select %ge3A_744, %select_n3A_728, %select_n3A_736 : vector<512x128xi1>, vector<512x128xi32>
    %ge3A_749 = arith.cmpf oge, %select_n3A_725, %select_n3A_740 : vector<512x128xf32>
    %select_n3A_750 = arith.select %ge3A_749, %select_n3A_725, %select_n3A_740 : vector<512x128xi1>, vector<512x128xf32>
    %select_n3A_751 = arith.select %ge3A_749, %select_n3A_726, %select_n3A_741 : vector<512x128xi1>, vector<512x128xi32>
    %select_n3A_752 = arith.select %ge3A_749, %select_n3A_740, %select_n3A_725 : vector<512x128xi1>, vector<512x128xf32>
    %select_n3A_753 = arith.select %ge3A_749, %select_n3A_741, %select_n3A_726 : vector<512x128xi1>, vector<512x128xi32>
    %ge3A_754 = arith.cmpf oge, %select_n3A_745, %select_n3A_742 : vector<512x128xf32>
    %select_n3A_755 = arith.select %ge3A_754, %select_n3A_745, %select_n3A_742 : vector<512x128xi1>, vector<512x128xf32>
    %select_n3A_756 = arith.select %ge3A_754, %select_n3A_746, %select_n3A_743 : vector<512x128xi1>, vector<512x128xi32>
    %select_n3A_757 = arith.select %ge3A_754, %select_n3A_742, %select_n3A_745 : vector<512x128xi1>, vector<512x128xf32>
    %select_n3A_758 = arith.select %ge3A_754, %select_n3A_743, %select_n3A_746 : vector<512x128xi1>, vector<512x128xi32>
    %ge3A_759 = arith.cmpf oge, %select_n3A_747, %select_n3A_732 : vector<512x128xf32>
    %select_n3A_760 = arith.select %ge3A_759, %select_n3A_747, %select_n3A_732 : vector<512x128xi1>, vector<512x128xf32>
    %select_n3A_761 = arith.select %ge3A_759, %select_n3A_748, %select_n3A_733 : vector<512x128xi1>, vector<512x128xi32>
    %select_n3A_762 = arith.select %ge3A_759, %select_n3A_732, %select_n3A_747 : vector<512x128xi1>, vector<512x128xf32>
    %select_n3A_763 = arith.select %ge3A_759, %select_n3A_733, %select_n3A_748 : vector<512x128xi1>, vector<512x128xi32>
    %ge3A_764 = arith.cmpf oge, %slice3A_148, %slice3A_151 : vector<512x128xf32>
    %select_n3A_765 = arith.select %ge3A_764, %slice3A_148, %slice3A_151 : vector<512x128xi1>, vector<512x128xf32>
    %select_n3A_766 = arith.select %ge3A_764, %broadcast_in_dim3A_150, %broadcast_in_dim3A_153 : vector<512x128xi1>, vector<512x128xi32>
    %select_n3A_767 = arith.select %ge3A_764, %slice3A_151, %slice3A_148 : vector<512x128xi1>, vector<512x128xf32>
    %select_n3A_768 = arith.select %ge3A_764, %broadcast_in_dim3A_153, %broadcast_in_dim3A_150 : vector<512x128xi1>, vector<512x128xi32>
    %ge3A_769 = arith.cmpf oge, %slice3A_154, %slice3A_157 : vector<512x128xf32>
    %select_n3A_770 = arith.select %ge3A_769, %slice3A_154, %slice3A_157 : vector<512x128xi1>, vector<512x128xf32>
    %select_n3A_771 = arith.select %ge3A_769, %broadcast_in_dim3A_156, %broadcast_in_dim3A_159 : vector<512x128xi1>, vector<512x128xi32>
    %select_n3A_772 = arith.select %ge3A_769, %slice3A_157, %slice3A_154 : vector<512x128xi1>, vector<512x128xf32>
    %select_n3A_773 = arith.select %ge3A_769, %broadcast_in_dim3A_159, %broadcast_in_dim3A_156 : vector<512x128xi1>, vector<512x128xi32>
    %ge3A_774 = arith.cmpf oge, %slice3A_160, %slice3A_163 : vector<512x128xf32>
    %select_n3A_775 = arith.select %ge3A_774, %slice3A_160, %slice3A_163 : vector<512x128xi1>, vector<512x128xf32>
    %select_n3A_776 = arith.select %ge3A_774, %broadcast_in_dim3A_162, %broadcast_in_dim3A_165 : vector<512x128xi1>, vector<512x128xi32>
    %select_n3A_777 = arith.select %ge3A_774, %slice3A_163, %slice3A_160 : vector<512x128xi1>, vector<512x128xf32>
    %select_n3A_778 = arith.select %ge3A_774, %broadcast_in_dim3A_165, %broadcast_in_dim3A_162 : vector<512x128xi1>, vector<512x128xi32>
    %ge3A_779 = arith.cmpf oge, %slice3A_166, %slice3A_169 : vector<512x128xf32>
    %select_n3A_780 = arith.select %ge3A_779, %slice3A_166, %slice3A_169 : vector<512x128xi1>, vector<512x128xf32>
    %select_n3A_781 = arith.select %ge3A_779, %broadcast_in_dim3A_168, %broadcast_in_dim3A_171 : vector<512x128xi1>, vector<512x128xi32>
    %select_n3A_782 = arith.select %ge3A_779, %slice3A_169, %slice3A_166 : vector<512x128xi1>, vector<512x128xf32>
    %select_n3A_783 = arith.select %ge3A_779, %broadcast_in_dim3A_171, %broadcast_in_dim3A_168 : vector<512x128xi1>, vector<512x128xi32>
    %ge3A_784 = arith.cmpf oge, %select_n3A_765, %select_n3A_770 : vector<512x128xf32>
    %select_n3A_785 = arith.select %ge3A_784, %select_n3A_765, %select_n3A_770 : vector<512x128xi1>, vector<512x128xf32>
    %select_n3A_786 = arith.select %ge3A_784, %select_n3A_766, %select_n3A_771 : vector<512x128xi1>, vector<512x128xi32>
    %select_n3A_787 = arith.select %ge3A_784, %select_n3A_770, %select_n3A_765 : vector<512x128xi1>, vector<512x128xf32>
    %select_n3A_788 = arith.select %ge3A_784, %select_n3A_771, %select_n3A_766 : vector<512x128xi1>, vector<512x128xi32>
    %ge3A_789 = arith.cmpf oge, %select_n3A_767, %select_n3A_772 : vector<512x128xf32>
    %select_n3A_790 = arith.select %ge3A_789, %select_n3A_767, %select_n3A_772 : vector<512x128xi1>, vector<512x128xf32>
    %select_n3A_791 = arith.select %ge3A_789, %select_n3A_768, %select_n3A_773 : vector<512x128xi1>, vector<512x128xi32>
    %select_n3A_792 = arith.select %ge3A_789, %select_n3A_772, %select_n3A_767 : vector<512x128xi1>, vector<512x128xf32>
    %select_n3A_793 = arith.select %ge3A_789, %select_n3A_773, %select_n3A_768 : vector<512x128xi1>, vector<512x128xi32>
    %ge3A_794 = arith.cmpf oge, %select_n3A_775, %select_n3A_780 : vector<512x128xf32>
    %select_n3A_795 = arith.select %ge3A_794, %select_n3A_775, %select_n3A_780 : vector<512x128xi1>, vector<512x128xf32>
    %select_n3A_796 = arith.select %ge3A_794, %select_n3A_776, %select_n3A_781 : vector<512x128xi1>, vector<512x128xi32>
    %select_n3A_797 = arith.select %ge3A_794, %select_n3A_780, %select_n3A_775 : vector<512x128xi1>, vector<512x128xf32>
    %select_n3A_798 = arith.select %ge3A_794, %select_n3A_781, %select_n3A_776 : vector<512x128xi1>, vector<512x128xi32>
    %ge3A_799 = arith.cmpf oge, %select_n3A_777, %select_n3A_782 : vector<512x128xf32>
    %select_n3A_800 = arith.select %ge3A_799, %select_n3A_777, %select_n3A_782 : vector<512x128xi1>, vector<512x128xf32>
    %select_n3A_801 = arith.select %ge3A_799, %select_n3A_778, %select_n3A_783 : vector<512x128xi1>, vector<512x128xi32>
    %select_n3A_802 = arith.select %ge3A_799, %select_n3A_782, %select_n3A_777 : vector<512x128xi1>, vector<512x128xf32>
    %select_n3A_803 = arith.select %ge3A_799, %select_n3A_783, %select_n3A_778 : vector<512x128xi1>, vector<512x128xi32>
    %ge3A_804 = arith.cmpf oge, %select_n3A_790, %select_n3A_787 : vector<512x128xf32>
    %select_n3A_805 = arith.select %ge3A_804, %select_n3A_790, %select_n3A_787 : vector<512x128xi1>, vector<512x128xf32>
    %select_n3A_806 = arith.select %ge3A_804, %select_n3A_791, %select_n3A_788 : vector<512x128xi1>, vector<512x128xi32>
    %select_n3A_807 = arith.select %ge3A_804, %select_n3A_787, %select_n3A_790 : vector<512x128xi1>, vector<512x128xf32>
    %select_n3A_808 = arith.select %ge3A_804, %select_n3A_788, %select_n3A_791 : vector<512x128xi1>, vector<512x128xi32>
    %ge3A_809 = arith.cmpf oge, %select_n3A_800, %select_n3A_797 : vector<512x128xf32>
    %select_n3A_810 = arith.select %ge3A_809, %select_n3A_800, %select_n3A_797 : vector<512x128xi1>, vector<512x128xf32>
    %select_n3A_811 = arith.select %ge3A_809, %select_n3A_801, %select_n3A_798 : vector<512x128xi1>, vector<512x128xi32>
    %select_n3A_812 = arith.select %ge3A_809, %select_n3A_797, %select_n3A_800 : vector<512x128xi1>, vector<512x128xf32>
    %select_n3A_813 = arith.select %ge3A_809, %select_n3A_798, %select_n3A_801 : vector<512x128xi1>, vector<512x128xi32>
    %ge3A_814 = arith.cmpf oge, %select_n3A_785, %select_n3A_795 : vector<512x128xf32>
    %select_n3A_815 = arith.select %ge3A_814, %select_n3A_785, %select_n3A_795 : vector<512x128xi1>, vector<512x128xf32>
    %select_n3A_816 = arith.select %ge3A_814, %select_n3A_786, %select_n3A_796 : vector<512x128xi1>, vector<512x128xi32>
    %select_n3A_817 = arith.select %ge3A_814, %select_n3A_795, %select_n3A_785 : vector<512x128xi1>, vector<512x128xf32>
    %select_n3A_818 = arith.select %ge3A_814, %select_n3A_796, %select_n3A_786 : vector<512x128xi1>, vector<512x128xi32>
    %ge3A_819 = arith.cmpf oge, %select_n3A_805, %select_n3A_810 : vector<512x128xf32>
    %select_n3A_820 = arith.select %ge3A_819, %select_n3A_805, %select_n3A_810 : vector<512x128xi1>, vector<512x128xf32>
    %select_n3A_821 = arith.select %ge3A_819, %select_n3A_806, %select_n3A_811 : vector<512x128xi1>, vector<512x128xi32>
    %select_n3A_822 = arith.select %ge3A_819, %select_n3A_810, %select_n3A_805 : vector<512x128xi1>, vector<512x128xf32>
    %select_n3A_823 = arith.select %ge3A_819, %select_n3A_811, %select_n3A_806 : vector<512x128xi1>, vector<512x128xi32>
    %ge3A_824 = arith.cmpf oge, %select_n3A_807, %select_n3A_812 : vector<512x128xf32>
    %select_n3A_825 = arith.select %ge3A_824, %select_n3A_807, %select_n3A_812 : vector<512x128xi1>, vector<512x128xf32>
    %select_n3A_826 = arith.select %ge3A_824, %select_n3A_808, %select_n3A_813 : vector<512x128xi1>, vector<512x128xi32>
    %select_n3A_827 = arith.select %ge3A_824, %select_n3A_812, %select_n3A_807 : vector<512x128xi1>, vector<512x128xf32>
    %select_n3A_828 = arith.select %ge3A_824, %select_n3A_813, %select_n3A_808 : vector<512x128xi1>, vector<512x128xi32>
    %ge3A_829 = arith.cmpf oge, %select_n3A_792, %select_n3A_802 : vector<512x128xf32>
    %select_n3A_830 = arith.select %ge3A_829, %select_n3A_792, %select_n3A_802 : vector<512x128xi1>, vector<512x128xf32>
    %select_n3A_831 = arith.select %ge3A_829, %select_n3A_793, %select_n3A_803 : vector<512x128xi1>, vector<512x128xi32>
    %select_n3A_832 = arith.select %ge3A_829, %select_n3A_802, %select_n3A_792 : vector<512x128xi1>, vector<512x128xf32>
    %select_n3A_833 = arith.select %ge3A_829, %select_n3A_803, %select_n3A_793 : vector<512x128xi1>, vector<512x128xi32>
    %ge3A_834 = arith.cmpf oge, %select_n3A_825, %select_n3A_817 : vector<512x128xf32>
    %select_n3A_835 = arith.select %ge3A_834, %select_n3A_825, %select_n3A_817 : vector<512x128xi1>, vector<512x128xf32>
    %select_n3A_836 = arith.select %ge3A_834, %select_n3A_826, %select_n3A_818 : vector<512x128xi1>, vector<512x128xi32>
    %select_n3A_837 = arith.select %ge3A_834, %select_n3A_817, %select_n3A_825 : vector<512x128xi1>, vector<512x128xf32>
    %select_n3A_838 = arith.select %ge3A_834, %select_n3A_818, %select_n3A_826 : vector<512x128xi1>, vector<512x128xi32>
    %ge3A_839 = arith.cmpf oge, %select_n3A_830, %select_n3A_822 : vector<512x128xf32>
    %select_n3A_840 = arith.select %ge3A_839, %select_n3A_830, %select_n3A_822 : vector<512x128xi1>, vector<512x128xf32>
    %select_n3A_841 = arith.select %ge3A_839, %select_n3A_831, %select_n3A_823 : vector<512x128xi1>, vector<512x128xi32>
    %select_n3A_842 = arith.select %ge3A_839, %select_n3A_822, %select_n3A_830 : vector<512x128xi1>, vector<512x128xf32>
    %select_n3A_843 = arith.select %ge3A_839, %select_n3A_823, %select_n3A_831 : vector<512x128xi1>, vector<512x128xi32>
    %ge3A_844 = arith.cmpf oge, %select_n3A_820, %select_n3A_835 : vector<512x128xf32>
    %select_n3A_845 = arith.select %ge3A_844, %select_n3A_820, %select_n3A_835 : vector<512x128xi1>, vector<512x128xf32>
    %select_n3A_846 = arith.select %ge3A_844, %select_n3A_821, %select_n3A_836 : vector<512x128xi1>, vector<512x128xi32>
    %select_n3A_847 = arith.select %ge3A_844, %select_n3A_835, %select_n3A_820 : vector<512x128xi1>, vector<512x128xf32>
    %select_n3A_848 = arith.select %ge3A_844, %select_n3A_836, %select_n3A_821 : vector<512x128xi1>, vector<512x128xi32>
    %ge3A_849 = arith.cmpf oge, %select_n3A_840, %select_n3A_837 : vector<512x128xf32>
    %select_n3A_850 = arith.select %ge3A_849, %select_n3A_840, %select_n3A_837 : vector<512x128xi1>, vector<512x128xf32>
    %select_n3A_851 = arith.select %ge3A_849, %select_n3A_841, %select_n3A_838 : vector<512x128xi1>, vector<512x128xi32>
    %select_n3A_852 = arith.select %ge3A_849, %select_n3A_837, %select_n3A_840 : vector<512x128xi1>, vector<512x128xf32>
    %select_n3A_853 = arith.select %ge3A_849, %select_n3A_838, %select_n3A_841 : vector<512x128xi1>, vector<512x128xi32>
    %ge3A_854 = arith.cmpf oge, %select_n3A_842, %select_n3A_827 : vector<512x128xf32>
    %select_n3A_855 = arith.select %ge3A_854, %select_n3A_842, %select_n3A_827 : vector<512x128xi1>, vector<512x128xf32>
    %select_n3A_856 = arith.select %ge3A_854, %select_n3A_843, %select_n3A_828 : vector<512x128xi1>, vector<512x128xi32>
    %select_n3A_857 = arith.select %ge3A_854, %select_n3A_827, %select_n3A_842 : vector<512x128xi1>, vector<512x128xf32>
    %select_n3A_858 = arith.select %ge3A_854, %select_n3A_828, %select_n3A_843 : vector<512x128xi1>, vector<512x128xi32>
    %ge3A_859 = arith.cmpf oge, %slice3A_172, %slice3A_175 : vector<512x128xf32>
    %select_n3A_860 = arith.select %ge3A_859, %slice3A_172, %slice3A_175 : vector<512x128xi1>, vector<512x128xf32>
    %select_n3A_861 = arith.select %ge3A_859, %broadcast_in_dim3A_174, %broadcast_in_dim3A_177 : vector<512x128xi1>, vector<512x128xi32>
    %select_n3A_862 = arith.select %ge3A_859, %slice3A_175, %slice3A_172 : vector<512x128xi1>, vector<512x128xf32>
    %select_n3A_863 = arith.select %ge3A_859, %broadcast_in_dim3A_177, %broadcast_in_dim3A_174 : vector<512x128xi1>, vector<512x128xi32>
    %ge3A_864 = arith.cmpf oge, %slice3A_178, %slice3A_181 : vector<512x128xf32>
    %select_n3A_865 = arith.select %ge3A_864, %slice3A_178, %slice3A_181 : vector<512x128xi1>, vector<512x128xf32>
    %select_n3A_866 = arith.select %ge3A_864, %broadcast_in_dim3A_180, %broadcast_in_dim3A_183 : vector<512x128xi1>, vector<512x128xi32>
    %select_n3A_867 = arith.select %ge3A_864, %slice3A_181, %slice3A_178 : vector<512x128xi1>, vector<512x128xf32>
    %select_n3A_868 = arith.select %ge3A_864, %broadcast_in_dim3A_183, %broadcast_in_dim3A_180 : vector<512x128xi1>, vector<512x128xi32>
    %ge3A_869 = arith.cmpf oge, %slice3A_184, %slice3A_187 : vector<512x128xf32>
    %select_n3A_870 = arith.select %ge3A_869, %slice3A_184, %slice3A_187 : vector<512x128xi1>, vector<512x128xf32>
    %select_n3A_871 = arith.select %ge3A_869, %broadcast_in_dim3A_186, %broadcast_in_dim3A_189 : vector<512x128xi1>, vector<512x128xi32>
    %select_n3A_872 = arith.select %ge3A_869, %slice3A_187, %slice3A_184 : vector<512x128xi1>, vector<512x128xf32>
    %select_n3A_873 = arith.select %ge3A_869, %broadcast_in_dim3A_189, %broadcast_in_dim3A_186 : vector<512x128xi1>, vector<512x128xi32>
    %ge3A_874 = arith.cmpf oge, %slice3A_190, %slice3A_193 : vector<512x128xf32>
    %select_n3A_875 = arith.select %ge3A_874, %slice3A_190, %slice3A_193 : vector<512x128xi1>, vector<512x128xf32>
    %select_n3A_876 = arith.select %ge3A_874, %broadcast_in_dim3A_192, %broadcast_in_dim3A_195 : vector<512x128xi1>, vector<512x128xi32>
    %select_n3A_877 = arith.select %ge3A_874, %slice3A_193, %slice3A_190 : vector<512x128xi1>, vector<512x128xf32>
    %select_n3A_878 = arith.select %ge3A_874, %broadcast_in_dim3A_195, %broadcast_in_dim3A_192 : vector<512x128xi1>, vector<512x128xi32>
    %ge3A_879 = arith.cmpf oge, %select_n3A_860, %select_n3A_865 : vector<512x128xf32>
    %select_n3A_880 = arith.select %ge3A_879, %select_n3A_860, %select_n3A_865 : vector<512x128xi1>, vector<512x128xf32>
    %select_n3A_881 = arith.select %ge3A_879, %select_n3A_861, %select_n3A_866 : vector<512x128xi1>, vector<512x128xi32>
    %select_n3A_882 = arith.select %ge3A_879, %select_n3A_865, %select_n3A_860 : vector<512x128xi1>, vector<512x128xf32>
    %select_n3A_883 = arith.select %ge3A_879, %select_n3A_866, %select_n3A_861 : vector<512x128xi1>, vector<512x128xi32>
    %ge3A_884 = arith.cmpf oge, %select_n3A_862, %select_n3A_867 : vector<512x128xf32>
    %select_n3A_885 = arith.select %ge3A_884, %select_n3A_862, %select_n3A_867 : vector<512x128xi1>, vector<512x128xf32>
    %select_n3A_886 = arith.select %ge3A_884, %select_n3A_863, %select_n3A_868 : vector<512x128xi1>, vector<512x128xi32>
    %select_n3A_887 = arith.select %ge3A_884, %select_n3A_867, %select_n3A_862 : vector<512x128xi1>, vector<512x128xf32>
    %select_n3A_888 = arith.select %ge3A_884, %select_n3A_868, %select_n3A_863 : vector<512x128xi1>, vector<512x128xi32>
    %ge3A_889 = arith.cmpf oge, %select_n3A_870, %select_n3A_875 : vector<512x128xf32>
    %select_n3A_890 = arith.select %ge3A_889, %select_n3A_870, %select_n3A_875 : vector<512x128xi1>, vector<512x128xf32>
    %select_n3A_891 = arith.select %ge3A_889, %select_n3A_871, %select_n3A_876 : vector<512x128xi1>, vector<512x128xi32>
    %select_n3A_892 = arith.select %ge3A_889, %select_n3A_875, %select_n3A_870 : vector<512x128xi1>, vector<512x128xf32>
    %select_n3A_893 = arith.select %ge3A_889, %select_n3A_876, %select_n3A_871 : vector<512x128xi1>, vector<512x128xi32>
    %ge3A_894 = arith.cmpf oge, %select_n3A_872, %select_n3A_877 : vector<512x128xf32>
    %select_n3A_895 = arith.select %ge3A_894, %select_n3A_872, %select_n3A_877 : vector<512x128xi1>, vector<512x128xf32>
    %select_n3A_896 = arith.select %ge3A_894, %select_n3A_873, %select_n3A_878 : vector<512x128xi1>, vector<512x128xi32>
    %select_n3A_897 = arith.select %ge3A_894, %select_n3A_877, %select_n3A_872 : vector<512x128xi1>, vector<512x128xf32>
    %select_n3A_898 = arith.select %ge3A_894, %select_n3A_878, %select_n3A_873 : vector<512x128xi1>, vector<512x128xi32>
    %ge3A_899 = arith.cmpf oge, %select_n3A_885, %select_n3A_882 : vector<512x128xf32>
    %select_n3A_900 = arith.select %ge3A_899, %select_n3A_885, %select_n3A_882 : vector<512x128xi1>, vector<512x128xf32>
    %select_n3A_901 = arith.select %ge3A_899, %select_n3A_886, %select_n3A_883 : vector<512x128xi1>, vector<512x128xi32>
    %select_n3A_902 = arith.select %ge3A_899, %select_n3A_882, %select_n3A_885 : vector<512x128xi1>, vector<512x128xf32>
    %select_n3A_903 = arith.select %ge3A_899, %select_n3A_883, %select_n3A_886 : vector<512x128xi1>, vector<512x128xi32>
    %ge3A_904 = arith.cmpf oge, %select_n3A_895, %select_n3A_892 : vector<512x128xf32>
    %select_n3A_905 = arith.select %ge3A_904, %select_n3A_895, %select_n3A_892 : vector<512x128xi1>, vector<512x128xf32>
    %select_n3A_906 = arith.select %ge3A_904, %select_n3A_896, %select_n3A_893 : vector<512x128xi1>, vector<512x128xi32>
    %select_n3A_907 = arith.select %ge3A_904, %select_n3A_892, %select_n3A_895 : vector<512x128xi1>, vector<512x128xf32>
    %select_n3A_908 = arith.select %ge3A_904, %select_n3A_893, %select_n3A_896 : vector<512x128xi1>, vector<512x128xi32>
    %ge3A_909 = arith.cmpf oge, %select_n3A_880, %select_n3A_890 : vector<512x128xf32>
    %select_n3A_910 = arith.select %ge3A_909, %select_n3A_880, %select_n3A_890 : vector<512x128xi1>, vector<512x128xf32>
    %select_n3A_911 = arith.select %ge3A_909, %select_n3A_881, %select_n3A_891 : vector<512x128xi1>, vector<512x128xi32>
    %select_n3A_912 = arith.select %ge3A_909, %select_n3A_890, %select_n3A_880 : vector<512x128xi1>, vector<512x128xf32>
    %select_n3A_913 = arith.select %ge3A_909, %select_n3A_891, %select_n3A_881 : vector<512x128xi1>, vector<512x128xi32>
    %ge3A_914 = arith.cmpf oge, %select_n3A_900, %select_n3A_905 : vector<512x128xf32>
    %select_n3A_915 = arith.select %ge3A_914, %select_n3A_900, %select_n3A_905 : vector<512x128xi1>, vector<512x128xf32>
    %select_n3A_916 = arith.select %ge3A_914, %select_n3A_901, %select_n3A_906 : vector<512x128xi1>, vector<512x128xi32>
    %select_n3A_917 = arith.select %ge3A_914, %select_n3A_905, %select_n3A_900 : vector<512x128xi1>, vector<512x128xf32>
    %select_n3A_918 = arith.select %ge3A_914, %select_n3A_906, %select_n3A_901 : vector<512x128xi1>, vector<512x128xi32>
    %ge3A_919 = arith.cmpf oge, %select_n3A_902, %select_n3A_907 : vector<512x128xf32>
    %select_n3A_920 = arith.select %ge3A_919, %select_n3A_902, %select_n3A_907 : vector<512x128xi1>, vector<512x128xf32>
    %select_n3A_921 = arith.select %ge3A_919, %select_n3A_903, %select_n3A_908 : vector<512x128xi1>, vector<512x128xi32>
    %select_n3A_922 = arith.select %ge3A_919, %select_n3A_907, %select_n3A_902 : vector<512x128xi1>, vector<512x128xf32>
    %select_n3A_923 = arith.select %ge3A_919, %select_n3A_908, %select_n3A_903 : vector<512x128xi1>, vector<512x128xi32>
    %ge3A_924 = arith.cmpf oge, %select_n3A_887, %select_n3A_897 : vector<512x128xf32>
    %select_n3A_925 = arith.select %ge3A_924, %select_n3A_887, %select_n3A_897 : vector<512x128xi1>, vector<512x128xf32>
    %select_n3A_926 = arith.select %ge3A_924, %select_n3A_888, %select_n3A_898 : vector<512x128xi1>, vector<512x128xi32>
    %select_n3A_927 = arith.select %ge3A_924, %select_n3A_897, %select_n3A_887 : vector<512x128xi1>, vector<512x128xf32>
    %select_n3A_928 = arith.select %ge3A_924, %select_n3A_898, %select_n3A_888 : vector<512x128xi1>, vector<512x128xi32>
    %ge3A_929 = arith.cmpf oge, %select_n3A_920, %select_n3A_912 : vector<512x128xf32>
    %select_n3A_930 = arith.select %ge3A_929, %select_n3A_920, %select_n3A_912 : vector<512x128xi1>, vector<512x128xf32>
    %select_n3A_931 = arith.select %ge3A_929, %select_n3A_921, %select_n3A_913 : vector<512x128xi1>, vector<512x128xi32>
    %select_n3A_932 = arith.select %ge3A_929, %select_n3A_912, %select_n3A_920 : vector<512x128xi1>, vector<512x128xf32>
    %select_n3A_933 = arith.select %ge3A_929, %select_n3A_913, %select_n3A_921 : vector<512x128xi1>, vector<512x128xi32>
    %ge3A_934 = arith.cmpf oge, %select_n3A_925, %select_n3A_917 : vector<512x128xf32>
    %select_n3A_935 = arith.select %ge3A_934, %select_n3A_925, %select_n3A_917 : vector<512x128xi1>, vector<512x128xf32>
    %select_n3A_936 = arith.select %ge3A_934, %select_n3A_926, %select_n3A_918 : vector<512x128xi1>, vector<512x128xi32>
    %select_n3A_937 = arith.select %ge3A_934, %select_n3A_917, %select_n3A_925 : vector<512x128xi1>, vector<512x128xf32>
    %select_n3A_938 = arith.select %ge3A_934, %select_n3A_918, %select_n3A_926 : vector<512x128xi1>, vector<512x128xi32>
    %ge3A_939 = arith.cmpf oge, %select_n3A_915, %select_n3A_930 : vector<512x128xf32>
    %select_n3A_940 = arith.select %ge3A_939, %select_n3A_915, %select_n3A_930 : vector<512x128xi1>, vector<512x128xf32>
    %select_n3A_941 = arith.select %ge3A_939, %select_n3A_916, %select_n3A_931 : vector<512x128xi1>, vector<512x128xi32>
    %select_n3A_942 = arith.select %ge3A_939, %select_n3A_930, %select_n3A_915 : vector<512x128xi1>, vector<512x128xf32>
    %select_n3A_943 = arith.select %ge3A_939, %select_n3A_931, %select_n3A_916 : vector<512x128xi1>, vector<512x128xi32>
    %ge3A_944 = arith.cmpf oge, %select_n3A_935, %select_n3A_932 : vector<512x128xf32>
    %select_n3A_945 = arith.select %ge3A_944, %select_n3A_935, %select_n3A_932 : vector<512x128xi1>, vector<512x128xf32>
    %select_n3A_946 = arith.select %ge3A_944, %select_n3A_936, %select_n3A_933 : vector<512x128xi1>, vector<512x128xi32>
    %select_n3A_947 = arith.select %ge3A_944, %select_n3A_932, %select_n3A_935 : vector<512x128xi1>, vector<512x128xf32>
    %select_n3A_948 = arith.select %ge3A_944, %select_n3A_933, %select_n3A_936 : vector<512x128xi1>, vector<512x128xi32>
    %ge3A_949 = arith.cmpf oge, %select_n3A_937, %select_n3A_922 : vector<512x128xf32>
    %select_n3A_950 = arith.select %ge3A_949, %select_n3A_937, %select_n3A_922 : vector<512x128xi1>, vector<512x128xf32>
    %select_n3A_951 = arith.select %ge3A_949, %select_n3A_938, %select_n3A_923 : vector<512x128xi1>, vector<512x128xi32>
    %select_n3A_952 = arith.select %ge3A_949, %select_n3A_922, %select_n3A_937 : vector<512x128xi1>, vector<512x128xf32>
    %select_n3A_953 = arith.select %ge3A_949, %select_n3A_923, %select_n3A_938 : vector<512x128xi1>, vector<512x128xi32>
    %ge3A_954 = arith.cmpf oge, %select_n3A_245, %select_n3A_357 : vector<512x128xf32>
    %select_n3A_955 = arith.select %ge3A_954, %select_n3A_245, %select_n3A_357 : vector<512x128xi1>, vector<512x128xf32>
    %select_n3A_956 = arith.select %ge3A_954, %select_n3A_246, %select_n3A_358 : vector<512x128xi1>, vector<512x128xi32>
    %ge3A_957 = arith.cmpf oge, %select_n3A_275, %select_n3A_382 : vector<512x128xf32>
    %select_n3A_958 = arith.select %ge3A_957, %select_n3A_275, %select_n3A_382 : vector<512x128xi1>, vector<512x128xf32>
    %select_n3A_959 = arith.select %ge3A_957, %select_n3A_276, %select_n3A_383 : vector<512x128xi1>, vector<512x128xi32>
    %ge3A_960 = arith.cmpf oge, %select_n3A_277, %select_n3A_380 : vector<512x128xf32>
    %select_n3A_961 = arith.select %ge3A_960, %select_n3A_277, %select_n3A_380 : vector<512x128xi1>, vector<512x128xf32>
    %select_n3A_962 = arith.select %ge3A_960, %select_n3A_278, %select_n3A_381 : vector<512x128xi1>, vector<512x128xi32>
    %ge3A_963 = arith.cmpf oge, %select_n3A_280, %select_n3A_377 : vector<512x128xf32>
    %select_n3A_964 = arith.select %ge3A_963, %select_n3A_280, %select_n3A_377 : vector<512x128xi1>, vector<512x128xf32>
    %select_n3A_965 = arith.select %ge3A_963, %select_n3A_281, %select_n3A_378 : vector<512x128xi1>, vector<512x128xi32>
    %ge3A_966 = arith.cmpf oge, %select_n3A_282, %select_n3A_375 : vector<512x128xf32>
    %select_n3A_967 = arith.select %ge3A_966, %select_n3A_282, %select_n3A_375 : vector<512x128xi1>, vector<512x128xf32>
    %select_n3A_968 = arith.select %ge3A_966, %select_n3A_283, %select_n3A_376 : vector<512x128xi1>, vector<512x128xi32>
    %ge3A_969 = arith.cmpf oge, %select_n3A_285, %select_n3A_372 : vector<512x128xf32>
    %select_n3A_970 = arith.select %ge3A_969, %select_n3A_285, %select_n3A_372 : vector<512x128xi1>, vector<512x128xf32>
    %select_n3A_971 = arith.select %ge3A_969, %select_n3A_286, %select_n3A_373 : vector<512x128xi1>, vector<512x128xi32>
    %ge3A_972 = arith.cmpf oge, %select_n3A_287, %select_n3A_370 : vector<512x128xf32>
    %select_n3A_973 = arith.select %ge3A_972, %select_n3A_287, %select_n3A_370 : vector<512x128xi1>, vector<512x128xf32>
    %select_n3A_974 = arith.select %ge3A_972, %select_n3A_288, %select_n3A_371 : vector<512x128xi1>, vector<512x128xi32>
    %ge3A_975 = arith.cmpf oge, %select_n3A_262, %select_n3A_340 : vector<512x128xf32>
    %select_n3A_976 = arith.select %ge3A_975, %select_n3A_262, %select_n3A_340 : vector<512x128xi1>, vector<512x128xf32>
    %select_n3A_977 = arith.select %ge3A_975, %select_n3A_263, %select_n3A_341 : vector<512x128xi1>, vector<512x128xi32>
    %ge3A_978 = arith.cmpf oge, %select_n3A_955, %select_n3A_967 : vector<512x128xf32>
    %select_n3A_979 = arith.select %ge3A_978, %select_n3A_955, %select_n3A_967 : vector<512x128xi1>, vector<512x128xf32>
    %select_n3A_980 = arith.select %ge3A_978, %select_n3A_956, %select_n3A_968 : vector<512x128xi1>, vector<512x128xi32>
    %select_n3A_981 = arith.select %ge3A_978, %select_n3A_967, %select_n3A_955 : vector<512x128xi1>, vector<512x128xf32>
    %select_n3A_982 = arith.select %ge3A_978, %select_n3A_968, %select_n3A_956 : vector<512x128xi1>, vector<512x128xi32>
    %ge3A_983 = arith.cmpf oge, %select_n3A_958, %select_n3A_970 : vector<512x128xf32>
    %select_n3A_984 = arith.select %ge3A_983, %select_n3A_958, %select_n3A_970 : vector<512x128xi1>, vector<512x128xf32>
    %select_n3A_985 = arith.select %ge3A_983, %select_n3A_959, %select_n3A_971 : vector<512x128xi1>, vector<512x128xi32>
    %select_n3A_986 = arith.select %ge3A_983, %select_n3A_970, %select_n3A_958 : vector<512x128xi1>, vector<512x128xf32>
    %select_n3A_987 = arith.select %ge3A_983, %select_n3A_971, %select_n3A_959 : vector<512x128xi1>, vector<512x128xi32>
    %ge3A_988 = arith.cmpf oge, %select_n3A_961, %select_n3A_973 : vector<512x128xf32>
    %select_n3A_989 = arith.select %ge3A_988, %select_n3A_961, %select_n3A_973 : vector<512x128xi1>, vector<512x128xf32>
    %select_n3A_990 = arith.select %ge3A_988, %select_n3A_962, %select_n3A_974 : vector<512x128xi1>, vector<512x128xi32>
    %select_n3A_991 = arith.select %ge3A_988, %select_n3A_973, %select_n3A_961 : vector<512x128xi1>, vector<512x128xf32>
    %select_n3A_992 = arith.select %ge3A_988, %select_n3A_974, %select_n3A_962 : vector<512x128xi1>, vector<512x128xi32>
    %ge3A_993 = arith.cmpf oge, %select_n3A_964, %select_n3A_976 : vector<512x128xf32>
    %select_n3A_994 = arith.select %ge3A_993, %select_n3A_964, %select_n3A_976 : vector<512x128xi1>, vector<512x128xf32>
    %select_n3A_995 = arith.select %ge3A_993, %select_n3A_965, %select_n3A_977 : vector<512x128xi1>, vector<512x128xi32>
    %select_n3A_996 = arith.select %ge3A_993, %select_n3A_976, %select_n3A_964 : vector<512x128xi1>, vector<512x128xf32>
    %select_n3A_997 = arith.select %ge3A_993, %select_n3A_977, %select_n3A_965 : vector<512x128xi1>, vector<512x128xi32>
    %ge3A_998 = arith.cmpf oge, %select_n3A_979, %select_n3A_989 : vector<512x128xf32>
    %select_n3A_999 = arith.select %ge3A_998, %select_n3A_979, %select_n3A_989 : vector<512x128xi1>, vector<512x128xf32>
    %select_n3A_1000 = arith.select %ge3A_998, %select_n3A_980, %select_n3A_990 : vector<512x128xi1>, vector<512x128xi32>
    %select_n3A_1001 = arith.select %ge3A_998, %select_n3A_989, %select_n3A_979 : vector<512x128xi1>, vector<512x128xf32>
    %select_n3A_1002 = arith.select %ge3A_998, %select_n3A_990, %select_n3A_980 : vector<512x128xi1>, vector<512x128xi32>
    %ge3A_1003 = arith.cmpf oge, %select_n3A_984, %select_n3A_994 : vector<512x128xf32>
    %select_n3A_1004 = arith.select %ge3A_1003, %select_n3A_984, %select_n3A_994 : vector<512x128xi1>, vector<512x128xf32>
    %select_n3A_1005 = arith.select %ge3A_1003, %select_n3A_985, %select_n3A_995 : vector<512x128xi1>, vector<512x128xi32>
    %select_n3A_1006 = arith.select %ge3A_1003, %select_n3A_994, %select_n3A_984 : vector<512x128xi1>, vector<512x128xf32>
    %select_n3A_1007 = arith.select %ge3A_1003, %select_n3A_995, %select_n3A_985 : vector<512x128xi1>, vector<512x128xi32>
    %ge3A_1008 = arith.cmpf oge, %select_n3A_999, %select_n3A_1004 : vector<512x128xf32>
    %select_n3A_1009 = arith.select %ge3A_1008, %select_n3A_999, %select_n3A_1004 : vector<512x128xi1>, vector<512x128xf32>
    %select_n3A_1010 = arith.select %ge3A_1008, %select_n3A_1000, %select_n3A_1005 : vector<512x128xi1>, vector<512x128xi32>
    %select_n3A_1011 = arith.select %ge3A_1008, %select_n3A_1004, %select_n3A_999 : vector<512x128xi1>, vector<512x128xf32>
    %select_n3A_1012 = arith.select %ge3A_1008, %select_n3A_1005, %select_n3A_1000 : vector<512x128xi1>, vector<512x128xi32>
    %ge3A_1013 = arith.cmpf oge, %select_n3A_1001, %select_n3A_1006 : vector<512x128xf32>
    %select_n3A_1014 = arith.select %ge3A_1013, %select_n3A_1001, %select_n3A_1006 : vector<512x128xi1>, vector<512x128xf32>
    %select_n3A_1015 = arith.select %ge3A_1013, %select_n3A_1002, %select_n3A_1007 : vector<512x128xi1>, vector<512x128xi32>
    %select_n3A_1016 = arith.select %ge3A_1013, %select_n3A_1006, %select_n3A_1001 : vector<512x128xi1>, vector<512x128xf32>
    %select_n3A_1017 = arith.select %ge3A_1013, %select_n3A_1007, %select_n3A_1002 : vector<512x128xi1>, vector<512x128xi32>
    %ge3A_1018 = arith.cmpf oge, %select_n3A_981, %select_n3A_991 : vector<512x128xf32>
    %select_n3A_1019 = arith.select %ge3A_1018, %select_n3A_981, %select_n3A_991 : vector<512x128xi1>, vector<512x128xf32>
    %select_n3A_1020 = arith.select %ge3A_1018, %select_n3A_982, %select_n3A_992 : vector<512x128xi1>, vector<512x128xi32>
    %select_n3A_1021 = arith.select %ge3A_1018, %select_n3A_991, %select_n3A_981 : vector<512x128xi1>, vector<512x128xf32>
    %select_n3A_1022 = arith.select %ge3A_1018, %select_n3A_992, %select_n3A_982 : vector<512x128xi1>, vector<512x128xi32>
    %ge3A_1023 = arith.cmpf oge, %select_n3A_986, %select_n3A_996 : vector<512x128xf32>
    %select_n3A_1024 = arith.select %ge3A_1023, %select_n3A_986, %select_n3A_996 : vector<512x128xi1>, vector<512x128xf32>
    %select_n3A_1025 = arith.select %ge3A_1023, %select_n3A_987, %select_n3A_997 : vector<512x128xi1>, vector<512x128xi32>
    %select_n3A_1026 = arith.select %ge3A_1023, %select_n3A_996, %select_n3A_986 : vector<512x128xi1>, vector<512x128xf32>
    %select_n3A_1027 = arith.select %ge3A_1023, %select_n3A_997, %select_n3A_987 : vector<512x128xi1>, vector<512x128xi32>
    %ge3A_1028 = arith.cmpf oge, %select_n3A_1019, %select_n3A_1024 : vector<512x128xf32>
    %select_n3A_1029 = arith.select %ge3A_1028, %select_n3A_1019, %select_n3A_1024 : vector<512x128xi1>, vector<512x128xf32>
    %select_n3A_1030 = arith.select %ge3A_1028, %select_n3A_1020, %select_n3A_1025 : vector<512x128xi1>, vector<512x128xi32>
    %select_n3A_1031 = arith.select %ge3A_1028, %select_n3A_1024, %select_n3A_1019 : vector<512x128xi1>, vector<512x128xf32>
    %select_n3A_1032 = arith.select %ge3A_1028, %select_n3A_1025, %select_n3A_1020 : vector<512x128xi1>, vector<512x128xi32>
    %ge3A_1033 = arith.cmpf oge, %select_n3A_1021, %select_n3A_1026 : vector<512x128xf32>
    %select_n3A_1034 = arith.select %ge3A_1033, %select_n3A_1021, %select_n3A_1026 : vector<512x128xi1>, vector<512x128xf32>
    %select_n3A_1035 = arith.select %ge3A_1033, %select_n3A_1022, %select_n3A_1027 : vector<512x128xi1>, vector<512x128xi32>
    %select_n3A_1036 = arith.select %ge3A_1033, %select_n3A_1026, %select_n3A_1021 : vector<512x128xi1>, vector<512x128xf32>
    %select_n3A_1037 = arith.select %ge3A_1033, %select_n3A_1027, %select_n3A_1022 : vector<512x128xi1>, vector<512x128xi32>
    %ge3A_1038 = arith.cmpf oge, %select_n3A_435, %select_n3A_547 : vector<512x128xf32>
    %select_n3A_1039 = arith.select %ge3A_1038, %select_n3A_435, %select_n3A_547 : vector<512x128xi1>, vector<512x128xf32>
    %select_n3A_1040 = arith.select %ge3A_1038, %select_n3A_436, %select_n3A_548 : vector<512x128xi1>, vector<512x128xi32>
    %ge3A_1041 = arith.cmpf oge, %select_n3A_465, %select_n3A_572 : vector<512x128xf32>
    %select_n3A_1042 = arith.select %ge3A_1041, %select_n3A_465, %select_n3A_572 : vector<512x128xi1>, vector<512x128xf32>
    %select_n3A_1043 = arith.select %ge3A_1041, %select_n3A_466, %select_n3A_573 : vector<512x128xi1>, vector<512x128xi32>
    %ge3A_1044 = arith.cmpf oge, %select_n3A_467, %select_n3A_570 : vector<512x128xf32>
    %select_n3A_1045 = arith.select %ge3A_1044, %select_n3A_467, %select_n3A_570 : vector<512x128xi1>, vector<512x128xf32>
    %select_n3A_1046 = arith.select %ge3A_1044, %select_n3A_468, %select_n3A_571 : vector<512x128xi1>, vector<512x128xi32>
    %ge3A_1047 = arith.cmpf oge, %select_n3A_470, %select_n3A_567 : vector<512x128xf32>
    %select_n3A_1048 = arith.select %ge3A_1047, %select_n3A_470, %select_n3A_567 : vector<512x128xi1>, vector<512x128xf32>
    %select_n3A_1049 = arith.select %ge3A_1047, %select_n3A_471, %select_n3A_568 : vector<512x128xi1>, vector<512x128xi32>
    %ge3A_1050 = arith.cmpf oge, %select_n3A_472, %select_n3A_565 : vector<512x128xf32>
    %select_n3A_1051 = arith.select %ge3A_1050, %select_n3A_472, %select_n3A_565 : vector<512x128xi1>, vector<512x128xf32>
    %select_n3A_1052 = arith.select %ge3A_1050, %select_n3A_473, %select_n3A_566 : vector<512x128xi1>, vector<512x128xi32>
    %ge3A_1053 = arith.cmpf oge, %select_n3A_475, %select_n3A_562 : vector<512x128xf32>
    %select_n3A_1054 = arith.select %ge3A_1053, %select_n3A_475, %select_n3A_562 : vector<512x128xi1>, vector<512x128xf32>
    %select_n3A_1055 = arith.select %ge3A_1053, %select_n3A_476, %select_n3A_563 : vector<512x128xi1>, vector<512x128xi32>
    %ge3A_1056 = arith.cmpf oge, %select_n3A_477, %select_n3A_560 : vector<512x128xf32>
    %select_n3A_1057 = arith.select %ge3A_1056, %select_n3A_477, %select_n3A_560 : vector<512x128xi1>, vector<512x128xf32>
    %select_n3A_1058 = arith.select %ge3A_1056, %select_n3A_478, %select_n3A_561 : vector<512x128xi1>, vector<512x128xi32>
    %ge3A_1059 = arith.cmpf oge, %select_n3A_452, %select_n3A_530 : vector<512x128xf32>
    %select_n3A_1060 = arith.select %ge3A_1059, %select_n3A_452, %select_n3A_530 : vector<512x128xi1>, vector<512x128xf32>
    %select_n3A_1061 = arith.select %ge3A_1059, %select_n3A_453, %select_n3A_531 : vector<512x128xi1>, vector<512x128xi32>
    %ge3A_1062 = arith.cmpf oge, %select_n3A_1039, %select_n3A_1051 : vector<512x128xf32>
    %select_n3A_1063 = arith.select %ge3A_1062, %select_n3A_1039, %select_n3A_1051 : vector<512x128xi1>, vector<512x128xf32>
    %select_n3A_1064 = arith.select %ge3A_1062, %select_n3A_1040, %select_n3A_1052 : vector<512x128xi1>, vector<512x128xi32>
    %select_n3A_1065 = arith.select %ge3A_1062, %select_n3A_1051, %select_n3A_1039 : vector<512x128xi1>, vector<512x128xf32>
    %select_n3A_1066 = arith.select %ge3A_1062, %select_n3A_1052, %select_n3A_1040 : vector<512x128xi1>, vector<512x128xi32>
    %ge3A_1067 = arith.cmpf oge, %select_n3A_1042, %select_n3A_1054 : vector<512x128xf32>
    %select_n3A_1068 = arith.select %ge3A_1067, %select_n3A_1042, %select_n3A_1054 : vector<512x128xi1>, vector<512x128xf32>
    %select_n3A_1069 = arith.select %ge3A_1067, %select_n3A_1043, %select_n3A_1055 : vector<512x128xi1>, vector<512x128xi32>
    %select_n3A_1070 = arith.select %ge3A_1067, %select_n3A_1054, %select_n3A_1042 : vector<512x128xi1>, vector<512x128xf32>
    %select_n3A_1071 = arith.select %ge3A_1067, %select_n3A_1055, %select_n3A_1043 : vector<512x128xi1>, vector<512x128xi32>
    %ge3A_1072 = arith.cmpf oge, %select_n3A_1045, %select_n3A_1057 : vector<512x128xf32>
    %select_n3A_1073 = arith.select %ge3A_1072, %select_n3A_1045, %select_n3A_1057 : vector<512x128xi1>, vector<512x128xf32>
    %select_n3A_1074 = arith.select %ge3A_1072, %select_n3A_1046, %select_n3A_1058 : vector<512x128xi1>, vector<512x128xi32>
    %select_n3A_1075 = arith.select %ge3A_1072, %select_n3A_1057, %select_n3A_1045 : vector<512x128xi1>, vector<512x128xf32>
    %select_n3A_1076 = arith.select %ge3A_1072, %select_n3A_1058, %select_n3A_1046 : vector<512x128xi1>, vector<512x128xi32>
    %ge3A_1077 = arith.cmpf oge, %select_n3A_1048, %select_n3A_1060 : vector<512x128xf32>
    %select_n3A_1078 = arith.select %ge3A_1077, %select_n3A_1048, %select_n3A_1060 : vector<512x128xi1>, vector<512x128xf32>
    %select_n3A_1079 = arith.select %ge3A_1077, %select_n3A_1049, %select_n3A_1061 : vector<512x128xi1>, vector<512x128xi32>
    %select_n3A_1080 = arith.select %ge3A_1077, %select_n3A_1060, %select_n3A_1048 : vector<512x128xi1>, vector<512x128xf32>
    %select_n3A_1081 = arith.select %ge3A_1077, %select_n3A_1061, %select_n3A_1049 : vector<512x128xi1>, vector<512x128xi32>
    %ge3A_1082 = arith.cmpf oge, %select_n3A_1063, %select_n3A_1073 : vector<512x128xf32>
    %select_n3A_1083 = arith.select %ge3A_1082, %select_n3A_1063, %select_n3A_1073 : vector<512x128xi1>, vector<512x128xf32>
    %select_n3A_1084 = arith.select %ge3A_1082, %select_n3A_1064, %select_n3A_1074 : vector<512x128xi1>, vector<512x128xi32>
    %select_n3A_1085 = arith.select %ge3A_1082, %select_n3A_1073, %select_n3A_1063 : vector<512x128xi1>, vector<512x128xf32>
    %select_n3A_1086 = arith.select %ge3A_1082, %select_n3A_1074, %select_n3A_1064 : vector<512x128xi1>, vector<512x128xi32>
    %ge3A_1087 = arith.cmpf oge, %select_n3A_1068, %select_n3A_1078 : vector<512x128xf32>
    %select_n3A_1088 = arith.select %ge3A_1087, %select_n3A_1068, %select_n3A_1078 : vector<512x128xi1>, vector<512x128xf32>
    %select_n3A_1089 = arith.select %ge3A_1087, %select_n3A_1069, %select_n3A_1079 : vector<512x128xi1>, vector<512x128xi32>
    %select_n3A_1090 = arith.select %ge3A_1087, %select_n3A_1078, %select_n3A_1068 : vector<512x128xi1>, vector<512x128xf32>
    %select_n3A_1091 = arith.select %ge3A_1087, %select_n3A_1079, %select_n3A_1069 : vector<512x128xi1>, vector<512x128xi32>
    %ge3A_1092 = arith.cmpf oge, %select_n3A_1083, %select_n3A_1088 : vector<512x128xf32>
    %select_n3A_1093 = arith.select %ge3A_1092, %select_n3A_1083, %select_n3A_1088 : vector<512x128xi1>, vector<512x128xf32>
    %select_n3A_1094 = arith.select %ge3A_1092, %select_n3A_1084, %select_n3A_1089 : vector<512x128xi1>, vector<512x128xi32>
    %select_n3A_1095 = arith.select %ge3A_1092, %select_n3A_1088, %select_n3A_1083 : vector<512x128xi1>, vector<512x128xf32>
    %select_n3A_1096 = arith.select %ge3A_1092, %select_n3A_1089, %select_n3A_1084 : vector<512x128xi1>, vector<512x128xi32>
    %ge3A_1097 = arith.cmpf oge, %select_n3A_1085, %select_n3A_1090 : vector<512x128xf32>
    %select_n3A_1098 = arith.select %ge3A_1097, %select_n3A_1085, %select_n3A_1090 : vector<512x128xi1>, vector<512x128xf32>
    %select_n3A_1099 = arith.select %ge3A_1097, %select_n3A_1086, %select_n3A_1091 : vector<512x128xi1>, vector<512x128xi32>
    %select_n3A_1100 = arith.select %ge3A_1097, %select_n3A_1090, %select_n3A_1085 : vector<512x128xi1>, vector<512x128xf32>
    %select_n3A_1101 = arith.select %ge3A_1097, %select_n3A_1091, %select_n3A_1086 : vector<512x128xi1>, vector<512x128xi32>
    %ge3A_1102 = arith.cmpf oge, %select_n3A_1065, %select_n3A_1075 : vector<512x128xf32>
    %select_n3A_1103 = arith.select %ge3A_1102, %select_n3A_1065, %select_n3A_1075 : vector<512x128xi1>, vector<512x128xf32>
    %select_n3A_1104 = arith.select %ge3A_1102, %select_n3A_1066, %select_n3A_1076 : vector<512x128xi1>, vector<512x128xi32>
    %select_n3A_1105 = arith.select %ge3A_1102, %select_n3A_1075, %select_n3A_1065 : vector<512x128xi1>, vector<512x128xf32>
    %select_n3A_1106 = arith.select %ge3A_1102, %select_n3A_1076, %select_n3A_1066 : vector<512x128xi1>, vector<512x128xi32>
    %ge3A_1107 = arith.cmpf oge, %select_n3A_1070, %select_n3A_1080 : vector<512x128xf32>
    %select_n3A_1108 = arith.select %ge3A_1107, %select_n3A_1070, %select_n3A_1080 : vector<512x128xi1>, vector<512x128xf32>
    %select_n3A_1109 = arith.select %ge3A_1107, %select_n3A_1071, %select_n3A_1081 : vector<512x128xi1>, vector<512x128xi32>
    %select_n3A_1110 = arith.select %ge3A_1107, %select_n3A_1080, %select_n3A_1070 : vector<512x128xi1>, vector<512x128xf32>
    %select_n3A_1111 = arith.select %ge3A_1107, %select_n3A_1081, %select_n3A_1071 : vector<512x128xi1>, vector<512x128xi32>
    %ge3A_1112 = arith.cmpf oge, %select_n3A_1103, %select_n3A_1108 : vector<512x128xf32>
    %select_n3A_1113 = arith.select %ge3A_1112, %select_n3A_1103, %select_n3A_1108 : vector<512x128xi1>, vector<512x128xf32>
    %select_n3A_1114 = arith.select %ge3A_1112, %select_n3A_1104, %select_n3A_1109 : vector<512x128xi1>, vector<512x128xi32>
    %select_n3A_1115 = arith.select %ge3A_1112, %select_n3A_1108, %select_n3A_1103 : vector<512x128xi1>, vector<512x128xf32>
    %select_n3A_1116 = arith.select %ge3A_1112, %select_n3A_1109, %select_n3A_1104 : vector<512x128xi1>, vector<512x128xi32>
    %ge3A_1117 = arith.cmpf oge, %select_n3A_1105, %select_n3A_1110 : vector<512x128xf32>
    %select_n3A_1118 = arith.select %ge3A_1117, %select_n3A_1105, %select_n3A_1110 : vector<512x128xi1>, vector<512x128xf32>
    %select_n3A_1119 = arith.select %ge3A_1117, %select_n3A_1106, %select_n3A_1111 : vector<512x128xi1>, vector<512x128xi32>
    %select_n3A_1120 = arith.select %ge3A_1117, %select_n3A_1110, %select_n3A_1105 : vector<512x128xi1>, vector<512x128xf32>
    %select_n3A_1121 = arith.select %ge3A_1117, %select_n3A_1111, %select_n3A_1106 : vector<512x128xi1>, vector<512x128xi32>
    %ge3A_1122 = arith.cmpf oge, %select_n3A_625, %select_n3A_737 : vector<512x128xf32>
    %select_n3A_1123 = arith.select %ge3A_1122, %select_n3A_625, %select_n3A_737 : vector<512x128xi1>, vector<512x128xf32>
    %select_n3A_1124 = arith.select %ge3A_1122, %select_n3A_626, %select_n3A_738 : vector<512x128xi1>, vector<512x128xi32>
    %ge3A_1125 = arith.cmpf oge, %select_n3A_655, %select_n3A_762 : vector<512x128xf32>
    %select_n3A_1126 = arith.select %ge3A_1125, %select_n3A_655, %select_n3A_762 : vector<512x128xi1>, vector<512x128xf32>
    %select_n3A_1127 = arith.select %ge3A_1125, %select_n3A_656, %select_n3A_763 : vector<512x128xi1>, vector<512x128xi32>
    %ge3A_1128 = arith.cmpf oge, %select_n3A_657, %select_n3A_760 : vector<512x128xf32>
    %select_n3A_1129 = arith.select %ge3A_1128, %select_n3A_657, %select_n3A_760 : vector<512x128xi1>, vector<512x128xf32>
    %select_n3A_1130 = arith.select %ge3A_1128, %select_n3A_658, %select_n3A_761 : vector<512x128xi1>, vector<512x128xi32>
    %ge3A_1131 = arith.cmpf oge, %select_n3A_660, %select_n3A_757 : vector<512x128xf32>
    %select_n3A_1132 = arith.select %ge3A_1131, %select_n3A_660, %select_n3A_757 : vector<512x128xi1>, vector<512x128xf32>
    %select_n3A_1133 = arith.select %ge3A_1131, %select_n3A_661, %select_n3A_758 : vector<512x128xi1>, vector<512x128xi32>
    %ge3A_1134 = arith.cmpf oge, %select_n3A_662, %select_n3A_755 : vector<512x128xf32>
    %select_n3A_1135 = arith.select %ge3A_1134, %select_n3A_662, %select_n3A_755 : vector<512x128xi1>, vector<512x128xf32>
    %select_n3A_1136 = arith.select %ge3A_1134, %select_n3A_663, %select_n3A_756 : vector<512x128xi1>, vector<512x128xi32>
    %ge3A_1137 = arith.cmpf oge, %select_n3A_665, %select_n3A_752 : vector<512x128xf32>
    %select_n3A_1138 = arith.select %ge3A_1137, %select_n3A_665, %select_n3A_752 : vector<512x128xi1>, vector<512x128xf32>
    %select_n3A_1139 = arith.select %ge3A_1137, %select_n3A_666, %select_n3A_753 : vector<512x128xi1>, vector<512x128xi32>
    %ge3A_1140 = arith.cmpf oge, %select_n3A_667, %select_n3A_750 : vector<512x128xf32>
    %select_n3A_1141 = arith.select %ge3A_1140, %select_n3A_667, %select_n3A_750 : vector<512x128xi1>, vector<512x128xf32>
    %select_n3A_1142 = arith.select %ge3A_1140, %select_n3A_668, %select_n3A_751 : vector<512x128xi1>, vector<512x128xi32>
    %ge3A_1143 = arith.cmpf oge, %select_n3A_642, %select_n3A_720 : vector<512x128xf32>
    %select_n3A_1144 = arith.select %ge3A_1143, %select_n3A_642, %select_n3A_720 : vector<512x128xi1>, vector<512x128xf32>
    %select_n3A_1145 = arith.select %ge3A_1143, %select_n3A_643, %select_n3A_721 : vector<512x128xi1>, vector<512x128xi32>
    %ge3A_1146 = arith.cmpf oge, %select_n3A_1123, %select_n3A_1135 : vector<512x128xf32>
    %select_n3A_1147 = arith.select %ge3A_1146, %select_n3A_1123, %select_n3A_1135 : vector<512x128xi1>, vector<512x128xf32>
    %select_n3A_1148 = arith.select %ge3A_1146, %select_n3A_1124, %select_n3A_1136 : vector<512x128xi1>, vector<512x128xi32>
    %select_n3A_1149 = arith.select %ge3A_1146, %select_n3A_1135, %select_n3A_1123 : vector<512x128xi1>, vector<512x128xf32>
    %select_n3A_1150 = arith.select %ge3A_1146, %select_n3A_1136, %select_n3A_1124 : vector<512x128xi1>, vector<512x128xi32>
    %ge3A_1151 = arith.cmpf oge, %select_n3A_1126, %select_n3A_1138 : vector<512x128xf32>
    %select_n3A_1152 = arith.select %ge3A_1151, %select_n3A_1126, %select_n3A_1138 : vector<512x128xi1>, vector<512x128xf32>
    %select_n3A_1153 = arith.select %ge3A_1151, %select_n3A_1127, %select_n3A_1139 : vector<512x128xi1>, vector<512x128xi32>
    %select_n3A_1154 = arith.select %ge3A_1151, %select_n3A_1138, %select_n3A_1126 : vector<512x128xi1>, vector<512x128xf32>
    %select_n3A_1155 = arith.select %ge3A_1151, %select_n3A_1139, %select_n3A_1127 : vector<512x128xi1>, vector<512x128xi32>
    %ge3A_1156 = arith.cmpf oge, %select_n3A_1129, %select_n3A_1141 : vector<512x128xf32>
    %select_n3A_1157 = arith.select %ge3A_1156, %select_n3A_1129, %select_n3A_1141 : vector<512x128xi1>, vector<512x128xf32>
    %select_n3A_1158 = arith.select %ge3A_1156, %select_n3A_1130, %select_n3A_1142 : vector<512x128xi1>, vector<512x128xi32>
    %select_n3A_1159 = arith.select %ge3A_1156, %select_n3A_1141, %select_n3A_1129 : vector<512x128xi1>, vector<512x128xf32>
    %select_n3A_1160 = arith.select %ge3A_1156, %select_n3A_1142, %select_n3A_1130 : vector<512x128xi1>, vector<512x128xi32>
    %ge3A_1161 = arith.cmpf oge, %select_n3A_1132, %select_n3A_1144 : vector<512x128xf32>
    %select_n3A_1162 = arith.select %ge3A_1161, %select_n3A_1132, %select_n3A_1144 : vector<512x128xi1>, vector<512x128xf32>
    %select_n3A_1163 = arith.select %ge3A_1161, %select_n3A_1133, %select_n3A_1145 : vector<512x128xi1>, vector<512x128xi32>
    %select_n3A_1164 = arith.select %ge3A_1161, %select_n3A_1144, %select_n3A_1132 : vector<512x128xi1>, vector<512x128xf32>
    %select_n3A_1165 = arith.select %ge3A_1161, %select_n3A_1145, %select_n3A_1133 : vector<512x128xi1>, vector<512x128xi32>
    %ge3A_1166 = arith.cmpf oge, %select_n3A_1147, %select_n3A_1157 : vector<512x128xf32>
    %select_n3A_1167 = arith.select %ge3A_1166, %select_n3A_1147, %select_n3A_1157 : vector<512x128xi1>, vector<512x128xf32>
    %select_n3A_1168 = arith.select %ge3A_1166, %select_n3A_1148, %select_n3A_1158 : vector<512x128xi1>, vector<512x128xi32>
    %select_n3A_1169 = arith.select %ge3A_1166, %select_n3A_1157, %select_n3A_1147 : vector<512x128xi1>, vector<512x128xf32>
    %select_n3A_1170 = arith.select %ge3A_1166, %select_n3A_1158, %select_n3A_1148 : vector<512x128xi1>, vector<512x128xi32>
    %ge3A_1171 = arith.cmpf oge, %select_n3A_1152, %select_n3A_1162 : vector<512x128xf32>
    %select_n3A_1172 = arith.select %ge3A_1171, %select_n3A_1152, %select_n3A_1162 : vector<512x128xi1>, vector<512x128xf32>
    %select_n3A_1173 = arith.select %ge3A_1171, %select_n3A_1153, %select_n3A_1163 : vector<512x128xi1>, vector<512x128xi32>
    %select_n3A_1174 = arith.select %ge3A_1171, %select_n3A_1162, %select_n3A_1152 : vector<512x128xi1>, vector<512x128xf32>
    %select_n3A_1175 = arith.select %ge3A_1171, %select_n3A_1163, %select_n3A_1153 : vector<512x128xi1>, vector<512x128xi32>
    %ge3A_1176 = arith.cmpf oge, %select_n3A_1167, %select_n3A_1172 : vector<512x128xf32>
    %select_n3A_1177 = arith.select %ge3A_1176, %select_n3A_1167, %select_n3A_1172 : vector<512x128xi1>, vector<512x128xf32>
    %select_n3A_1178 = arith.select %ge3A_1176, %select_n3A_1168, %select_n3A_1173 : vector<512x128xi1>, vector<512x128xi32>
    %select_n3A_1179 = arith.select %ge3A_1176, %select_n3A_1172, %select_n3A_1167 : vector<512x128xi1>, vector<512x128xf32>
    %select_n3A_1180 = arith.select %ge3A_1176, %select_n3A_1173, %select_n3A_1168 : vector<512x128xi1>, vector<512x128xi32>
    %ge3A_1181 = arith.cmpf oge, %select_n3A_1169, %select_n3A_1174 : vector<512x128xf32>
    %select_n3A_1182 = arith.select %ge3A_1181, %select_n3A_1169, %select_n3A_1174 : vector<512x128xi1>, vector<512x128xf32>
    %select_n3A_1183 = arith.select %ge3A_1181, %select_n3A_1170, %select_n3A_1175 : vector<512x128xi1>, vector<512x128xi32>
    %select_n3A_1184 = arith.select %ge3A_1181, %select_n3A_1174, %select_n3A_1169 : vector<512x128xi1>, vector<512x128xf32>
    %select_n3A_1185 = arith.select %ge3A_1181, %select_n3A_1175, %select_n3A_1170 : vector<512x128xi1>, vector<512x128xi32>
    %ge3A_1186 = arith.cmpf oge, %select_n3A_1149, %select_n3A_1159 : vector<512x128xf32>
    %select_n3A_1187 = arith.select %ge3A_1186, %select_n3A_1149, %select_n3A_1159 : vector<512x128xi1>, vector<512x128xf32>
    %select_n3A_1188 = arith.select %ge3A_1186, %select_n3A_1150, %select_n3A_1160 : vector<512x128xi1>, vector<512x128xi32>
    %select_n3A_1189 = arith.select %ge3A_1186, %select_n3A_1159, %select_n3A_1149 : vector<512x128xi1>, vector<512x128xf32>
    %select_n3A_1190 = arith.select %ge3A_1186, %select_n3A_1160, %select_n3A_1150 : vector<512x128xi1>, vector<512x128xi32>
    %ge3A_1191 = arith.cmpf oge, %select_n3A_1154, %select_n3A_1164 : vector<512x128xf32>
    %select_n3A_1192 = arith.select %ge3A_1191, %select_n3A_1154, %select_n3A_1164 : vector<512x128xi1>, vector<512x128xf32>
    %select_n3A_1193 = arith.select %ge3A_1191, %select_n3A_1155, %select_n3A_1165 : vector<512x128xi1>, vector<512x128xi32>
    %select_n3A_1194 = arith.select %ge3A_1191, %select_n3A_1164, %select_n3A_1154 : vector<512x128xi1>, vector<512x128xf32>
    %select_n3A_1195 = arith.select %ge3A_1191, %select_n3A_1165, %select_n3A_1155 : vector<512x128xi1>, vector<512x128xi32>
    %ge3A_1196 = arith.cmpf oge, %select_n3A_1187, %select_n3A_1192 : vector<512x128xf32>
    %select_n3A_1197 = arith.select %ge3A_1196, %select_n3A_1187, %select_n3A_1192 : vector<512x128xi1>, vector<512x128xf32>
    %select_n3A_1198 = arith.select %ge3A_1196, %select_n3A_1188, %select_n3A_1193 : vector<512x128xi1>, vector<512x128xi32>
    %select_n3A_1199 = arith.select %ge3A_1196, %select_n3A_1192, %select_n3A_1187 : vector<512x128xi1>, vector<512x128xf32>
    %select_n3A_1200 = arith.select %ge3A_1196, %select_n3A_1193, %select_n3A_1188 : vector<512x128xi1>, vector<512x128xi32>
    %ge3A_1201 = arith.cmpf oge, %select_n3A_1189, %select_n3A_1194 : vector<512x128xf32>
    %select_n3A_1202 = arith.select %ge3A_1201, %select_n3A_1189, %select_n3A_1194 : vector<512x128xi1>, vector<512x128xf32>
    %select_n3A_1203 = arith.select %ge3A_1201, %select_n3A_1190, %select_n3A_1195 : vector<512x128xi1>, vector<512x128xi32>
    %select_n3A_1204 = arith.select %ge3A_1201, %select_n3A_1194, %select_n3A_1189 : vector<512x128xi1>, vector<512x128xf32>
    %select_n3A_1205 = arith.select %ge3A_1201, %select_n3A_1195, %select_n3A_1190 : vector<512x128xi1>, vector<512x128xi32>
    %ge3A_1206 = arith.cmpf oge, %select_n3A_815, %select_n3A_927 : vector<512x128xf32>
    %select_n3A_1207 = arith.select %ge3A_1206, %select_n3A_815, %select_n3A_927 : vector<512x128xi1>, vector<512x128xf32>
    %select_n3A_1208 = arith.select %ge3A_1206, %select_n3A_816, %select_n3A_928 : vector<512x128xi1>, vector<512x128xi32>
    %ge3A_1209 = arith.cmpf oge, %select_n3A_845, %select_n3A_952 : vector<512x128xf32>
    %select_n3A_1210 = arith.select %ge3A_1209, %select_n3A_845, %select_n3A_952 : vector<512x128xi1>, vector<512x128xf32>
    %select_n3A_1211 = arith.select %ge3A_1209, %select_n3A_846, %select_n3A_953 : vector<512x128xi1>, vector<512x128xi32>
    %ge3A_1212 = arith.cmpf oge, %select_n3A_847, %select_n3A_950 : vector<512x128xf32>
    %select_n3A_1213 = arith.select %ge3A_1212, %select_n3A_847, %select_n3A_950 : vector<512x128xi1>, vector<512x128xf32>
    %select_n3A_1214 = arith.select %ge3A_1212, %select_n3A_848, %select_n3A_951 : vector<512x128xi1>, vector<512x128xi32>
    %ge3A_1215 = arith.cmpf oge, %select_n3A_850, %select_n3A_947 : vector<512x128xf32>
    %select_n3A_1216 = arith.select %ge3A_1215, %select_n3A_850, %select_n3A_947 : vector<512x128xi1>, vector<512x128xf32>
    %select_n3A_1217 = arith.select %ge3A_1215, %select_n3A_851, %select_n3A_948 : vector<512x128xi1>, vector<512x128xi32>
    %ge3A_1218 = arith.cmpf oge, %select_n3A_852, %select_n3A_945 : vector<512x128xf32>
    %select_n3A_1219 = arith.select %ge3A_1218, %select_n3A_852, %select_n3A_945 : vector<512x128xi1>, vector<512x128xf32>
    %select_n3A_1220 = arith.select %ge3A_1218, %select_n3A_853, %select_n3A_946 : vector<512x128xi1>, vector<512x128xi32>
    %ge3A_1221 = arith.cmpf oge, %select_n3A_855, %select_n3A_942 : vector<512x128xf32>
    %select_n3A_1222 = arith.select %ge3A_1221, %select_n3A_855, %select_n3A_942 : vector<512x128xi1>, vector<512x128xf32>
    %select_n3A_1223 = arith.select %ge3A_1221, %select_n3A_856, %select_n3A_943 : vector<512x128xi1>, vector<512x128xi32>
    %ge3A_1224 = arith.cmpf oge, %select_n3A_857, %select_n3A_940 : vector<512x128xf32>
    %select_n3A_1225 = arith.select %ge3A_1224, %select_n3A_857, %select_n3A_940 : vector<512x128xi1>, vector<512x128xf32>
    %select_n3A_1226 = arith.select %ge3A_1224, %select_n3A_858, %select_n3A_941 : vector<512x128xi1>, vector<512x128xi32>
    %ge3A_1227 = arith.cmpf oge, %select_n3A_832, %select_n3A_910 : vector<512x128xf32>
    %select_n3A_1228 = arith.select %ge3A_1227, %select_n3A_832, %select_n3A_910 : vector<512x128xi1>, vector<512x128xf32>
    %select_n3A_1229 = arith.select %ge3A_1227, %select_n3A_833, %select_n3A_911 : vector<512x128xi1>, vector<512x128xi32>
    %ge3A_1230 = arith.cmpf oge, %select_n3A_1207, %select_n3A_1219 : vector<512x128xf32>
    %select_n3A_1231 = arith.select %ge3A_1230, %select_n3A_1207, %select_n3A_1219 : vector<512x128xi1>, vector<512x128xf32>
    %select_n3A_1232 = arith.select %ge3A_1230, %select_n3A_1208, %select_n3A_1220 : vector<512x128xi1>, vector<512x128xi32>
    %select_n3A_1233 = arith.select %ge3A_1230, %select_n3A_1219, %select_n3A_1207 : vector<512x128xi1>, vector<512x128xf32>
    %select_n3A_1234 = arith.select %ge3A_1230, %select_n3A_1220, %select_n3A_1208 : vector<512x128xi1>, vector<512x128xi32>
    %ge3A_1235 = arith.cmpf oge, %select_n3A_1210, %select_n3A_1222 : vector<512x128xf32>
    %select_n3A_1236 = arith.select %ge3A_1235, %select_n3A_1210, %select_n3A_1222 : vector<512x128xi1>, vector<512x128xf32>
    %select_n3A_1237 = arith.select %ge3A_1235, %select_n3A_1211, %select_n3A_1223 : vector<512x128xi1>, vector<512x128xi32>
    %select_n3A_1238 = arith.select %ge3A_1235, %select_n3A_1222, %select_n3A_1210 : vector<512x128xi1>, vector<512x128xf32>
    %select_n3A_1239 = arith.select %ge3A_1235, %select_n3A_1223, %select_n3A_1211 : vector<512x128xi1>, vector<512x128xi32>
    %ge3A_1240 = arith.cmpf oge, %select_n3A_1213, %select_n3A_1225 : vector<512x128xf32>
    %select_n3A_1241 = arith.select %ge3A_1240, %select_n3A_1213, %select_n3A_1225 : vector<512x128xi1>, vector<512x128xf32>
    %select_n3A_1242 = arith.select %ge3A_1240, %select_n3A_1214, %select_n3A_1226 : vector<512x128xi1>, vector<512x128xi32>
    %select_n3A_1243 = arith.select %ge3A_1240, %select_n3A_1225, %select_n3A_1213 : vector<512x128xi1>, vector<512x128xf32>
    %select_n3A_1244 = arith.select %ge3A_1240, %select_n3A_1226, %select_n3A_1214 : vector<512x128xi1>, vector<512x128xi32>
    %ge3A_1245 = arith.cmpf oge, %select_n3A_1216, %select_n3A_1228 : vector<512x128xf32>
    %select_n3A_1246 = arith.select %ge3A_1245, %select_n3A_1216, %select_n3A_1228 : vector<512x128xi1>, vector<512x128xf32>
    %select_n3A_1247 = arith.select %ge3A_1245, %select_n3A_1217, %select_n3A_1229 : vector<512x128xi1>, vector<512x128xi32>
    %select_n3A_1248 = arith.select %ge3A_1245, %select_n3A_1228, %select_n3A_1216 : vector<512x128xi1>, vector<512x128xf32>
    %select_n3A_1249 = arith.select %ge3A_1245, %select_n3A_1229, %select_n3A_1217 : vector<512x128xi1>, vector<512x128xi32>
    %ge3A_1250 = arith.cmpf oge, %select_n3A_1231, %select_n3A_1241 : vector<512x128xf32>
    %select_n3A_1251 = arith.select %ge3A_1250, %select_n3A_1231, %select_n3A_1241 : vector<512x128xi1>, vector<512x128xf32>
    %select_n3A_1252 = arith.select %ge3A_1250, %select_n3A_1232, %select_n3A_1242 : vector<512x128xi1>, vector<512x128xi32>
    %select_n3A_1253 = arith.select %ge3A_1250, %select_n3A_1241, %select_n3A_1231 : vector<512x128xi1>, vector<512x128xf32>
    %select_n3A_1254 = arith.select %ge3A_1250, %select_n3A_1242, %select_n3A_1232 : vector<512x128xi1>, vector<512x128xi32>
    %ge3A_1255 = arith.cmpf oge, %select_n3A_1236, %select_n3A_1246 : vector<512x128xf32>
    %select_n3A_1256 = arith.select %ge3A_1255, %select_n3A_1236, %select_n3A_1246 : vector<512x128xi1>, vector<512x128xf32>
    %select_n3A_1257 = arith.select %ge3A_1255, %select_n3A_1237, %select_n3A_1247 : vector<512x128xi1>, vector<512x128xi32>
    %select_n3A_1258 = arith.select %ge3A_1255, %select_n3A_1246, %select_n3A_1236 : vector<512x128xi1>, vector<512x128xf32>
    %select_n3A_1259 = arith.select %ge3A_1255, %select_n3A_1247, %select_n3A_1237 : vector<512x128xi1>, vector<512x128xi32>
    %ge3A_1260 = arith.cmpf oge, %select_n3A_1251, %select_n3A_1256 : vector<512x128xf32>
    %select_n3A_1261 = arith.select %ge3A_1260, %select_n3A_1251, %select_n3A_1256 : vector<512x128xi1>, vector<512x128xf32>
    %select_n3A_1262 = arith.select %ge3A_1260, %select_n3A_1252, %select_n3A_1257 : vector<512x128xi1>, vector<512x128xi32>
    %select_n3A_1263 = arith.select %ge3A_1260, %select_n3A_1256, %select_n3A_1251 : vector<512x128xi1>, vector<512x128xf32>
    %select_n3A_1264 = arith.select %ge3A_1260, %select_n3A_1257, %select_n3A_1252 : vector<512x128xi1>, vector<512x128xi32>
    %ge3A_1265 = arith.cmpf oge, %select_n3A_1253, %select_n3A_1258 : vector<512x128xf32>
    %select_n3A_1266 = arith.select %ge3A_1265, %select_n3A_1253, %select_n3A_1258 : vector<512x128xi1>, vector<512x128xf32>
    %select_n3A_1267 = arith.select %ge3A_1265, %select_n3A_1254, %select_n3A_1259 : vector<512x128xi1>, vector<512x128xi32>
    %select_n3A_1268 = arith.select %ge3A_1265, %select_n3A_1258, %select_n3A_1253 : vector<512x128xi1>, vector<512x128xf32>
    %select_n3A_1269 = arith.select %ge3A_1265, %select_n3A_1259, %select_n3A_1254 : vector<512x128xi1>, vector<512x128xi32>
    %ge3A_1270 = arith.cmpf oge, %select_n3A_1233, %select_n3A_1243 : vector<512x128xf32>
    %select_n3A_1271 = arith.select %ge3A_1270, %select_n3A_1233, %select_n3A_1243 : vector<512x128xi1>, vector<512x128xf32>
    %select_n3A_1272 = arith.select %ge3A_1270, %select_n3A_1234, %select_n3A_1244 : vector<512x128xi1>, vector<512x128xi32>
    %select_n3A_1273 = arith.select %ge3A_1270, %select_n3A_1243, %select_n3A_1233 : vector<512x128xi1>, vector<512x128xf32>
    %select_n3A_1274 = arith.select %ge3A_1270, %select_n3A_1244, %select_n3A_1234 : vector<512x128xi1>, vector<512x128xi32>
    %ge3A_1275 = arith.cmpf oge, %select_n3A_1238, %select_n3A_1248 : vector<512x128xf32>
    %select_n3A_1276 = arith.select %ge3A_1275, %select_n3A_1238, %select_n3A_1248 : vector<512x128xi1>, vector<512x128xf32>
    %select_n3A_1277 = arith.select %ge3A_1275, %select_n3A_1239, %select_n3A_1249 : vector<512x128xi1>, vector<512x128xi32>
    %select_n3A_1278 = arith.select %ge3A_1275, %select_n3A_1248, %select_n3A_1238 : vector<512x128xi1>, vector<512x128xf32>
    %select_n3A_1279 = arith.select %ge3A_1275, %select_n3A_1249, %select_n3A_1239 : vector<512x128xi1>, vector<512x128xi32>
    %ge3A_1280 = arith.cmpf oge, %select_n3A_1271, %select_n3A_1276 : vector<512x128xf32>
    %select_n3A_1281 = arith.select %ge3A_1280, %select_n3A_1271, %select_n3A_1276 : vector<512x128xi1>, vector<512x128xf32>
    %select_n3A_1282 = arith.select %ge3A_1280, %select_n3A_1272, %select_n3A_1277 : vector<512x128xi1>, vector<512x128xi32>
    %select_n3A_1283 = arith.select %ge3A_1280, %select_n3A_1276, %select_n3A_1271 : vector<512x128xi1>, vector<512x128xf32>
    %select_n3A_1284 = arith.select %ge3A_1280, %select_n3A_1277, %select_n3A_1272 : vector<512x128xi1>, vector<512x128xi32>
    %ge3A_1285 = arith.cmpf oge, %select_n3A_1273, %select_n3A_1278 : vector<512x128xf32>
    %select_n3A_1286 = arith.select %ge3A_1285, %select_n3A_1273, %select_n3A_1278 : vector<512x128xi1>, vector<512x128xf32>
    %select_n3A_1287 = arith.select %ge3A_1285, %select_n3A_1274, %select_n3A_1279 : vector<512x128xi1>, vector<512x128xi32>
    %select_n3A_1288 = arith.select %ge3A_1285, %select_n3A_1278, %select_n3A_1273 : vector<512x128xi1>, vector<512x128xf32>
    %select_n3A_1289 = arith.select %ge3A_1285, %select_n3A_1279, %select_n3A_1274 : vector<512x128xi1>, vector<512x128xi32>
    %ge3A_1290 = arith.cmpf oge, %select_n3A_1009, %select_n3A_1120 : vector<512x128xf32>
    %select_n3A_1291 = arith.select %ge3A_1290, %select_n3A_1009, %select_n3A_1120 : vector<512x128xi1>, vector<512x128xf32>
    %select_n3A_1292 = arith.select %ge3A_1290, %select_n3A_1010, %select_n3A_1121 : vector<512x128xi1>, vector<512x128xi32>
    %ge3A_1293 = arith.cmpf oge, %select_n3A_1011, %select_n3A_1118 : vector<512x128xf32>
    %select_n3A_1294 = arith.select %ge3A_1293, %select_n3A_1011, %select_n3A_1118 : vector<512x128xi1>, vector<512x128xf32>
    %select_n3A_1295 = arith.select %ge3A_1293, %select_n3A_1012, %select_n3A_1119 : vector<512x128xi1>, vector<512x128xi32>
    %ge3A_1296 = arith.cmpf oge, %select_n3A_1014, %select_n3A_1115 : vector<512x128xf32>
    %select_n3A_1297 = arith.select %ge3A_1296, %select_n3A_1014, %select_n3A_1115 : vector<512x128xi1>, vector<512x128xf32>
    %select_n3A_1298 = arith.select %ge3A_1296, %select_n3A_1015, %select_n3A_1116 : vector<512x128xi1>, vector<512x128xi32>
    %ge3A_1299 = arith.cmpf oge, %select_n3A_1016, %select_n3A_1113 : vector<512x128xf32>
    %select_n3A_1300 = arith.select %ge3A_1299, %select_n3A_1016, %select_n3A_1113 : vector<512x128xi1>, vector<512x128xf32>
    %select_n3A_1301 = arith.select %ge3A_1299, %select_n3A_1017, %select_n3A_1114 : vector<512x128xi1>, vector<512x128xi32>
    %ge3A_1302 = arith.cmpf oge, %select_n3A_1029, %select_n3A_1100 : vector<512x128xf32>
    %select_n3A_1303 = arith.select %ge3A_1302, %select_n3A_1029, %select_n3A_1100 : vector<512x128xi1>, vector<512x128xf32>
    %select_n3A_1304 = arith.select %ge3A_1302, %select_n3A_1030, %select_n3A_1101 : vector<512x128xi1>, vector<512x128xi32>
    %ge3A_1305 = arith.cmpf oge, %select_n3A_1031, %select_n3A_1098 : vector<512x128xf32>
    %select_n3A_1306 = arith.select %ge3A_1305, %select_n3A_1031, %select_n3A_1098 : vector<512x128xi1>, vector<512x128xf32>
    %select_n3A_1307 = arith.select %ge3A_1305, %select_n3A_1032, %select_n3A_1099 : vector<512x128xi1>, vector<512x128xi32>
    %ge3A_1308 = arith.cmpf oge, %select_n3A_1034, %select_n3A_1095 : vector<512x128xf32>
    %select_n3A_1309 = arith.select %ge3A_1308, %select_n3A_1034, %select_n3A_1095 : vector<512x128xi1>, vector<512x128xf32>
    %select_n3A_1310 = arith.select %ge3A_1308, %select_n3A_1035, %select_n3A_1096 : vector<512x128xi1>, vector<512x128xi32>
    %ge3A_1311 = arith.cmpf oge, %select_n3A_1036, %select_n3A_1093 : vector<512x128xf32>
    %select_n3A_1312 = arith.select %ge3A_1311, %select_n3A_1036, %select_n3A_1093 : vector<512x128xi1>, vector<512x128xf32>
    %select_n3A_1313 = arith.select %ge3A_1311, %select_n3A_1037, %select_n3A_1094 : vector<512x128xi1>, vector<512x128xi32>
    %ge3A_1314 = arith.cmpf oge, %select_n3A_1291, %select_n3A_1303 : vector<512x128xf32>
    %select_n3A_1315 = arith.select %ge3A_1314, %select_n3A_1291, %select_n3A_1303 : vector<512x128xi1>, vector<512x128xf32>
    %select_n3A_1316 = arith.select %ge3A_1314, %select_n3A_1292, %select_n3A_1304 : vector<512x128xi1>, vector<512x128xi32>
    %select_n3A_1317 = arith.select %ge3A_1314, %select_n3A_1303, %select_n3A_1291 : vector<512x128xi1>, vector<512x128xf32>
    %select_n3A_1318 = arith.select %ge3A_1314, %select_n3A_1304, %select_n3A_1292 : vector<512x128xi1>, vector<512x128xi32>
    %ge3A_1319 = arith.cmpf oge, %select_n3A_1294, %select_n3A_1306 : vector<512x128xf32>
    %select_n3A_1320 = arith.select %ge3A_1319, %select_n3A_1294, %select_n3A_1306 : vector<512x128xi1>, vector<512x128xf32>
    %select_n3A_1321 = arith.select %ge3A_1319, %select_n3A_1295, %select_n3A_1307 : vector<512x128xi1>, vector<512x128xi32>
    %select_n3A_1322 = arith.select %ge3A_1319, %select_n3A_1306, %select_n3A_1294 : vector<512x128xi1>, vector<512x128xf32>
    %select_n3A_1323 = arith.select %ge3A_1319, %select_n3A_1307, %select_n3A_1295 : vector<512x128xi1>, vector<512x128xi32>
    %ge3A_1324 = arith.cmpf oge, %select_n3A_1297, %select_n3A_1309 : vector<512x128xf32>
    %select_n3A_1325 = arith.select %ge3A_1324, %select_n3A_1297, %select_n3A_1309 : vector<512x128xi1>, vector<512x128xf32>
    %select_n3A_1326 = arith.select %ge3A_1324, %select_n3A_1298, %select_n3A_1310 : vector<512x128xi1>, vector<512x128xi32>
    %select_n3A_1327 = arith.select %ge3A_1324, %select_n3A_1309, %select_n3A_1297 : vector<512x128xi1>, vector<512x128xf32>
    %select_n3A_1328 = arith.select %ge3A_1324, %select_n3A_1310, %select_n3A_1298 : vector<512x128xi1>, vector<512x128xi32>
    %ge3A_1329 = arith.cmpf oge, %select_n3A_1300, %select_n3A_1312 : vector<512x128xf32>
    %select_n3A_1330 = arith.select %ge3A_1329, %select_n3A_1300, %select_n3A_1312 : vector<512x128xi1>, vector<512x128xf32>
    %select_n3A_1331 = arith.select %ge3A_1329, %select_n3A_1301, %select_n3A_1313 : vector<512x128xi1>, vector<512x128xi32>
    %select_n3A_1332 = arith.select %ge3A_1329, %select_n3A_1312, %select_n3A_1300 : vector<512x128xi1>, vector<512x128xf32>
    %select_n3A_1333 = arith.select %ge3A_1329, %select_n3A_1313, %select_n3A_1301 : vector<512x128xi1>, vector<512x128xi32>
    %ge3A_1334 = arith.cmpf oge, %select_n3A_1315, %select_n3A_1325 : vector<512x128xf32>
    %select_n3A_1335 = arith.select %ge3A_1334, %select_n3A_1315, %select_n3A_1325 : vector<512x128xi1>, vector<512x128xf32>
    %select_n3A_1336 = arith.select %ge3A_1334, %select_n3A_1316, %select_n3A_1326 : vector<512x128xi1>, vector<512x128xi32>
    %select_n3A_1337 = arith.select %ge3A_1334, %select_n3A_1325, %select_n3A_1315 : vector<512x128xi1>, vector<512x128xf32>
    %select_n3A_1338 = arith.select %ge3A_1334, %select_n3A_1326, %select_n3A_1316 : vector<512x128xi1>, vector<512x128xi32>
    %ge3A_1339 = arith.cmpf oge, %select_n3A_1320, %select_n3A_1330 : vector<512x128xf32>
    %select_n3A_1340 = arith.select %ge3A_1339, %select_n3A_1320, %select_n3A_1330 : vector<512x128xi1>, vector<512x128xf32>
    %select_n3A_1341 = arith.select %ge3A_1339, %select_n3A_1321, %select_n3A_1331 : vector<512x128xi1>, vector<512x128xi32>
    %select_n3A_1342 = arith.select %ge3A_1339, %select_n3A_1330, %select_n3A_1320 : vector<512x128xi1>, vector<512x128xf32>
    %select_n3A_1343 = arith.select %ge3A_1339, %select_n3A_1331, %select_n3A_1321 : vector<512x128xi1>, vector<512x128xi32>
    %ge3A_1344 = arith.cmpf oge, %select_n3A_1335, %select_n3A_1340 : vector<512x128xf32>
    %select_n3A_1345 = arith.select %ge3A_1344, %select_n3A_1335, %select_n3A_1340 : vector<512x128xi1>, vector<512x128xf32>
    %select_n3A_1346 = arith.select %ge3A_1344, %select_n3A_1336, %select_n3A_1341 : vector<512x128xi1>, vector<512x128xi32>
    %select_n3A_1347 = arith.select %ge3A_1344, %select_n3A_1340, %select_n3A_1335 : vector<512x128xi1>, vector<512x128xf32>
    %select_n3A_1348 = arith.select %ge3A_1344, %select_n3A_1341, %select_n3A_1336 : vector<512x128xi1>, vector<512x128xi32>
    %ge3A_1349 = arith.cmpf oge, %select_n3A_1337, %select_n3A_1342 : vector<512x128xf32>
    %select_n3A_1350 = arith.select %ge3A_1349, %select_n3A_1337, %select_n3A_1342 : vector<512x128xi1>, vector<512x128xf32>
    %select_n3A_1351 = arith.select %ge3A_1349, %select_n3A_1338, %select_n3A_1343 : vector<512x128xi1>, vector<512x128xi32>
    %select_n3A_1352 = arith.select %ge3A_1349, %select_n3A_1342, %select_n3A_1337 : vector<512x128xi1>, vector<512x128xf32>
    %select_n3A_1353 = arith.select %ge3A_1349, %select_n3A_1343, %select_n3A_1338 : vector<512x128xi1>, vector<512x128xi32>
    %ge3A_1354 = arith.cmpf oge, %select_n3A_1317, %select_n3A_1327 : vector<512x128xf32>
    %select_n3A_1355 = arith.select %ge3A_1354, %select_n3A_1317, %select_n3A_1327 : vector<512x128xi1>, vector<512x128xf32>
    %select_n3A_1356 = arith.select %ge3A_1354, %select_n3A_1318, %select_n3A_1328 : vector<512x128xi1>, vector<512x128xi32>
    %select_n3A_1357 = arith.select %ge3A_1354, %select_n3A_1327, %select_n3A_1317 : vector<512x128xi1>, vector<512x128xf32>
    %select_n3A_1358 = arith.select %ge3A_1354, %select_n3A_1328, %select_n3A_1318 : vector<512x128xi1>, vector<512x128xi32>
    %ge3A_1359 = arith.cmpf oge, %select_n3A_1322, %select_n3A_1332 : vector<512x128xf32>
    %select_n3A_1360 = arith.select %ge3A_1359, %select_n3A_1322, %select_n3A_1332 : vector<512x128xi1>, vector<512x128xf32>
    %select_n3A_1361 = arith.select %ge3A_1359, %select_n3A_1323, %select_n3A_1333 : vector<512x128xi1>, vector<512x128xi32>
    %select_n3A_1362 = arith.select %ge3A_1359, %select_n3A_1332, %select_n3A_1322 : vector<512x128xi1>, vector<512x128xf32>
    %select_n3A_1363 = arith.select %ge3A_1359, %select_n3A_1333, %select_n3A_1323 : vector<512x128xi1>, vector<512x128xi32>
    %ge3A_1364 = arith.cmpf oge, %select_n3A_1355, %select_n3A_1360 : vector<512x128xf32>
    %select_n3A_1365 = arith.select %ge3A_1364, %select_n3A_1355, %select_n3A_1360 : vector<512x128xi1>, vector<512x128xf32>
    %select_n3A_1366 = arith.select %ge3A_1364, %select_n3A_1356, %select_n3A_1361 : vector<512x128xi1>, vector<512x128xi32>
    %select_n3A_1367 = arith.select %ge3A_1364, %select_n3A_1360, %select_n3A_1355 : vector<512x128xi1>, vector<512x128xf32>
    %select_n3A_1368 = arith.select %ge3A_1364, %select_n3A_1361, %select_n3A_1356 : vector<512x128xi1>, vector<512x128xi32>
    %ge3A_1369 = arith.cmpf oge, %select_n3A_1357, %select_n3A_1362 : vector<512x128xf32>
    %select_n3A_1370 = arith.select %ge3A_1369, %select_n3A_1357, %select_n3A_1362 : vector<512x128xi1>, vector<512x128xf32>
    %select_n3A_1371 = arith.select %ge3A_1369, %select_n3A_1358, %select_n3A_1363 : vector<512x128xi1>, vector<512x128xi32>
    %select_n3A_1372 = arith.select %ge3A_1369, %select_n3A_1362, %select_n3A_1357 : vector<512x128xi1>, vector<512x128xf32>
    %select_n3A_1373 = arith.select %ge3A_1369, %select_n3A_1363, %select_n3A_1358 : vector<512x128xi1>, vector<512x128xi32>
    %ge3A_1374 = arith.cmpf oge, %select_n3A_1177, %select_n3A_1288 : vector<512x128xf32>
    %select_n3A_1375 = arith.select %ge3A_1374, %select_n3A_1177, %select_n3A_1288 : vector<512x128xi1>, vector<512x128xf32>
    %select_n3A_1376 = arith.select %ge3A_1374, %select_n3A_1178, %select_n3A_1289 : vector<512x128xi1>, vector<512x128xi32>
    %ge3A_1377 = arith.cmpf oge, %select_n3A_1179, %select_n3A_1286 : vector<512x128xf32>
    %select_n3A_1378 = arith.select %ge3A_1377, %select_n3A_1179, %select_n3A_1286 : vector<512x128xi1>, vector<512x128xf32>
    %select_n3A_1379 = arith.select %ge3A_1377, %select_n3A_1180, %select_n3A_1287 : vector<512x128xi1>, vector<512x128xi32>
    %ge3A_1380 = arith.cmpf oge, %select_n3A_1182, %select_n3A_1283 : vector<512x128xf32>
    %select_n3A_1381 = arith.select %ge3A_1380, %select_n3A_1182, %select_n3A_1283 : vector<512x128xi1>, vector<512x128xf32>
    %select_n3A_1382 = arith.select %ge3A_1380, %select_n3A_1183, %select_n3A_1284 : vector<512x128xi1>, vector<512x128xi32>
    %ge3A_1383 = arith.cmpf oge, %select_n3A_1184, %select_n3A_1281 : vector<512x128xf32>
    %select_n3A_1384 = arith.select %ge3A_1383, %select_n3A_1184, %select_n3A_1281 : vector<512x128xi1>, vector<512x128xf32>
    %select_n3A_1385 = arith.select %ge3A_1383, %select_n3A_1185, %select_n3A_1282 : vector<512x128xi1>, vector<512x128xi32>
    %ge3A_1386 = arith.cmpf oge, %select_n3A_1197, %select_n3A_1268 : vector<512x128xf32>
    %select_n3A_1387 = arith.select %ge3A_1386, %select_n3A_1197, %select_n3A_1268 : vector<512x128xi1>, vector<512x128xf32>
    %select_n3A_1388 = arith.select %ge3A_1386, %select_n3A_1198, %select_n3A_1269 : vector<512x128xi1>, vector<512x128xi32>
    %ge3A_1389 = arith.cmpf oge, %select_n3A_1199, %select_n3A_1266 : vector<512x128xf32>
    %select_n3A_1390 = arith.select %ge3A_1389, %select_n3A_1199, %select_n3A_1266 : vector<512x128xi1>, vector<512x128xf32>
    %select_n3A_1391 = arith.select %ge3A_1389, %select_n3A_1200, %select_n3A_1267 : vector<512x128xi1>, vector<512x128xi32>
    %ge3A_1392 = arith.cmpf oge, %select_n3A_1202, %select_n3A_1263 : vector<512x128xf32>
    %select_n3A_1393 = arith.select %ge3A_1392, %select_n3A_1202, %select_n3A_1263 : vector<512x128xi1>, vector<512x128xf32>
    %select_n3A_1394 = arith.select %ge3A_1392, %select_n3A_1203, %select_n3A_1264 : vector<512x128xi1>, vector<512x128xi32>
    %ge3A_1395 = arith.cmpf oge, %select_n3A_1204, %select_n3A_1261 : vector<512x128xf32>
    %select_n3A_1396 = arith.select %ge3A_1395, %select_n3A_1204, %select_n3A_1261 : vector<512x128xi1>, vector<512x128xf32>
    %select_n3A_1397 = arith.select %ge3A_1395, %select_n3A_1205, %select_n3A_1262 : vector<512x128xi1>, vector<512x128xi32>
    %ge3A_1398 = arith.cmpf oge, %select_n3A_1375, %select_n3A_1387 : vector<512x128xf32>
    %select_n3A_1399 = arith.select %ge3A_1398, %select_n3A_1375, %select_n3A_1387 : vector<512x128xi1>, vector<512x128xf32>
    %select_n3A_1400 = arith.select %ge3A_1398, %select_n3A_1376, %select_n3A_1388 : vector<512x128xi1>, vector<512x128xi32>
    %select_n3A_1401 = arith.select %ge3A_1398, %select_n3A_1387, %select_n3A_1375 : vector<512x128xi1>, vector<512x128xf32>
    %select_n3A_1402 = arith.select %ge3A_1398, %select_n3A_1388, %select_n3A_1376 : vector<512x128xi1>, vector<512x128xi32>
    %ge3A_1403 = arith.cmpf oge, %select_n3A_1378, %select_n3A_1390 : vector<512x128xf32>
    %select_n3A_1404 = arith.select %ge3A_1403, %select_n3A_1378, %select_n3A_1390 : vector<512x128xi1>, vector<512x128xf32>
    %select_n3A_1405 = arith.select %ge3A_1403, %select_n3A_1379, %select_n3A_1391 : vector<512x128xi1>, vector<512x128xi32>
    %select_n3A_1406 = arith.select %ge3A_1403, %select_n3A_1390, %select_n3A_1378 : vector<512x128xi1>, vector<512x128xf32>
    %select_n3A_1407 = arith.select %ge3A_1403, %select_n3A_1391, %select_n3A_1379 : vector<512x128xi1>, vector<512x128xi32>
    %ge3A_1408 = arith.cmpf oge, %select_n3A_1381, %select_n3A_1393 : vector<512x128xf32>
    %select_n3A_1409 = arith.select %ge3A_1408, %select_n3A_1381, %select_n3A_1393 : vector<512x128xi1>, vector<512x128xf32>
    %select_n3A_1410 = arith.select %ge3A_1408, %select_n3A_1382, %select_n3A_1394 : vector<512x128xi1>, vector<512x128xi32>
    %select_n3A_1411 = arith.select %ge3A_1408, %select_n3A_1393, %select_n3A_1381 : vector<512x128xi1>, vector<512x128xf32>
    %select_n3A_1412 = arith.select %ge3A_1408, %select_n3A_1394, %select_n3A_1382 : vector<512x128xi1>, vector<512x128xi32>
    %ge3A_1413 = arith.cmpf oge, %select_n3A_1384, %select_n3A_1396 : vector<512x128xf32>
    %select_n3A_1414 = arith.select %ge3A_1413, %select_n3A_1384, %select_n3A_1396 : vector<512x128xi1>, vector<512x128xf32>
    %select_n3A_1415 = arith.select %ge3A_1413, %select_n3A_1385, %select_n3A_1397 : vector<512x128xi1>, vector<512x128xi32>
    %select_n3A_1416 = arith.select %ge3A_1413, %select_n3A_1396, %select_n3A_1384 : vector<512x128xi1>, vector<512x128xf32>
    %select_n3A_1417 = arith.select %ge3A_1413, %select_n3A_1397, %select_n3A_1385 : vector<512x128xi1>, vector<512x128xi32>
    %ge3A_1418 = arith.cmpf oge, %select_n3A_1399, %select_n3A_1409 : vector<512x128xf32>
    %select_n3A_1419 = arith.select %ge3A_1418, %select_n3A_1399, %select_n3A_1409 : vector<512x128xi1>, vector<512x128xf32>
    %select_n3A_1420 = arith.select %ge3A_1418, %select_n3A_1400, %select_n3A_1410 : vector<512x128xi1>, vector<512x128xi32>
    %select_n3A_1421 = arith.select %ge3A_1418, %select_n3A_1409, %select_n3A_1399 : vector<512x128xi1>, vector<512x128xf32>
    %select_n3A_1422 = arith.select %ge3A_1418, %select_n3A_1410, %select_n3A_1400 : vector<512x128xi1>, vector<512x128xi32>
    %ge3A_1423 = arith.cmpf oge, %select_n3A_1404, %select_n3A_1414 : vector<512x128xf32>
    %select_n3A_1424 = arith.select %ge3A_1423, %select_n3A_1404, %select_n3A_1414 : vector<512x128xi1>, vector<512x128xf32>
    %select_n3A_1425 = arith.select %ge3A_1423, %select_n3A_1405, %select_n3A_1415 : vector<512x128xi1>, vector<512x128xi32>
    %select_n3A_1426 = arith.select %ge3A_1423, %select_n3A_1414, %select_n3A_1404 : vector<512x128xi1>, vector<512x128xf32>
    %select_n3A_1427 = arith.select %ge3A_1423, %select_n3A_1415, %select_n3A_1405 : vector<512x128xi1>, vector<512x128xi32>
    %ge3A_1428 = arith.cmpf oge, %select_n3A_1419, %select_n3A_1424 : vector<512x128xf32>
    %select_n3A_1429 = arith.select %ge3A_1428, %select_n3A_1419, %select_n3A_1424 : vector<512x128xi1>, vector<512x128xf32>
    %select_n3A_1430 = arith.select %ge3A_1428, %select_n3A_1420, %select_n3A_1425 : vector<512x128xi1>, vector<512x128xi32>
    %select_n3A_1431 = arith.select %ge3A_1428, %select_n3A_1424, %select_n3A_1419 : vector<512x128xi1>, vector<512x128xf32>
    %select_n3A_1432 = arith.select %ge3A_1428, %select_n3A_1425, %select_n3A_1420 : vector<512x128xi1>, vector<512x128xi32>
    %ge3A_1433 = arith.cmpf oge, %select_n3A_1421, %select_n3A_1426 : vector<512x128xf32>
    %select_n3A_1434 = arith.select %ge3A_1433, %select_n3A_1421, %select_n3A_1426 : vector<512x128xi1>, vector<512x128xf32>
    %select_n3A_1435 = arith.select %ge3A_1433, %select_n3A_1422, %select_n3A_1427 : vector<512x128xi1>, vector<512x128xi32>
    %select_n3A_1436 = arith.select %ge3A_1433, %select_n3A_1426, %select_n3A_1421 : vector<512x128xi1>, vector<512x128xf32>
    %select_n3A_1437 = arith.select %ge3A_1433, %select_n3A_1427, %select_n3A_1422 : vector<512x128xi1>, vector<512x128xi32>
    %ge3A_1438 = arith.cmpf oge, %select_n3A_1401, %select_n3A_1411 : vector<512x128xf32>
    %select_n3A_1439 = arith.select %ge3A_1438, %select_n3A_1401, %select_n3A_1411 : vector<512x128xi1>, vector<512x128xf32>
    %select_n3A_1440 = arith.select %ge3A_1438, %select_n3A_1402, %select_n3A_1412 : vector<512x128xi1>, vector<512x128xi32>
    %select_n3A_1441 = arith.select %ge3A_1438, %select_n3A_1411, %select_n3A_1401 : vector<512x128xi1>, vector<512x128xf32>
    %select_n3A_1442 = arith.select %ge3A_1438, %select_n3A_1412, %select_n3A_1402 : vector<512x128xi1>, vector<512x128xi32>
    %ge3A_1443 = arith.cmpf oge, %select_n3A_1406, %select_n3A_1416 : vector<512x128xf32>
    %select_n3A_1444 = arith.select %ge3A_1443, %select_n3A_1406, %select_n3A_1416 : vector<512x128xi1>, vector<512x128xf32>
    %select_n3A_1445 = arith.select %ge3A_1443, %select_n3A_1407, %select_n3A_1417 : vector<512x128xi1>, vector<512x128xi32>
    %select_n3A_1446 = arith.select %ge3A_1443, %select_n3A_1416, %select_n3A_1406 : vector<512x128xi1>, vector<512x128xf32>
    %select_n3A_1447 = arith.select %ge3A_1443, %select_n3A_1417, %select_n3A_1407 : vector<512x128xi1>, vector<512x128xi32>
    %ge3A_1448 = arith.cmpf oge, %select_n3A_1439, %select_n3A_1444 : vector<512x128xf32>
    %select_n3A_1449 = arith.select %ge3A_1448, %select_n3A_1439, %select_n3A_1444 : vector<512x128xi1>, vector<512x128xf32>
    %select_n3A_1450 = arith.select %ge3A_1448, %select_n3A_1440, %select_n3A_1445 : vector<512x128xi1>, vector<512x128xi32>
    %select_n3A_1451 = arith.select %ge3A_1448, %select_n3A_1444, %select_n3A_1439 : vector<512x128xi1>, vector<512x128xf32>
    %select_n3A_1452 = arith.select %ge3A_1448, %select_n3A_1445, %select_n3A_1440 : vector<512x128xi1>, vector<512x128xi32>
    %ge3A_1453 = arith.cmpf oge, %select_n3A_1441, %select_n3A_1446 : vector<512x128xf32>
    %select_n3A_1454 = arith.select %ge3A_1453, %select_n3A_1441, %select_n3A_1446 : vector<512x128xi1>, vector<512x128xf32>
    %select_n3A_1455 = arith.select %ge3A_1453, %select_n3A_1442, %select_n3A_1447 : vector<512x128xi1>, vector<512x128xi32>
    %select_n3A_1456 = arith.select %ge3A_1453, %select_n3A_1446, %select_n3A_1441 : vector<512x128xi1>, vector<512x128xf32>
    %select_n3A_1457 = arith.select %ge3A_1453, %select_n3A_1447, %select_n3A_1442 : vector<512x128xi1>, vector<512x128xi32>
    %ge3A_1458 = arith.cmpf oge, %select_n3A_1345, %select_n3A_1456 : vector<512x128xf32>
    %select_n3A_1459 = arith.select %ge3A_1458, %select_n3A_1345, %select_n3A_1456 : vector<512x128xi1>, vector<512x128xf32>
    %select_n3A_1460 = arith.select %ge3A_1458, %select_n3A_1346, %select_n3A_1457 : vector<512x128xi1>, vector<512x128xi32>
    %ge3A_1461 = arith.cmpf oge, %select_n3A_1347, %select_n3A_1454 : vector<512x128xf32>
    %select_n3A_1462 = arith.select %ge3A_1461, %select_n3A_1347, %select_n3A_1454 : vector<512x128xi1>, vector<512x128xf32>
    %select_n3A_1463 = arith.select %ge3A_1461, %select_n3A_1348, %select_n3A_1455 : vector<512x128xi1>, vector<512x128xi32>
    %ge3A_1464 = arith.cmpf oge, %select_n3A_1350, %select_n3A_1451 : vector<512x128xf32>
    %select_n3A_1465 = arith.select %ge3A_1464, %select_n3A_1350, %select_n3A_1451 : vector<512x128xi1>, vector<512x128xf32>
    %select_n3A_1466 = arith.select %ge3A_1464, %select_n3A_1351, %select_n3A_1452 : vector<512x128xi1>, vector<512x128xi32>
    %ge3A_1467 = arith.cmpf oge, %select_n3A_1352, %select_n3A_1449 : vector<512x128xf32>
    %select_n3A_1468 = arith.select %ge3A_1467, %select_n3A_1352, %select_n3A_1449 : vector<512x128xi1>, vector<512x128xf32>
    %select_n3A_1469 = arith.select %ge3A_1467, %select_n3A_1353, %select_n3A_1450 : vector<512x128xi1>, vector<512x128xi32>
    %ge3A_1470 = arith.cmpf oge, %select_n3A_1365, %select_n3A_1436 : vector<512x128xf32>
    %select_n3A_1471 = arith.select %ge3A_1470, %select_n3A_1365, %select_n3A_1436 : vector<512x128xi1>, vector<512x128xf32>
    %select_n3A_1472 = arith.select %ge3A_1470, %select_n3A_1366, %select_n3A_1437 : vector<512x128xi1>, vector<512x128xi32>
    %ge3A_1473 = arith.cmpf oge, %select_n3A_1367, %select_n3A_1434 : vector<512x128xf32>
    %select_n3A_1474 = arith.select %ge3A_1473, %select_n3A_1367, %select_n3A_1434 : vector<512x128xi1>, vector<512x128xf32>
    %select_n3A_1475 = arith.select %ge3A_1473, %select_n3A_1368, %select_n3A_1435 : vector<512x128xi1>, vector<512x128xi32>
    %ge3A_1476 = arith.cmpf oge, %select_n3A_1370, %select_n3A_1431 : vector<512x128xf32>
    %select_n3A_1477 = arith.select %ge3A_1476, %select_n3A_1370, %select_n3A_1431 : vector<512x128xi1>, vector<512x128xf32>
    %select_n3A_1478 = arith.select %ge3A_1476, %select_n3A_1371, %select_n3A_1432 : vector<512x128xi1>, vector<512x128xi32>
    %ge3A_1479 = arith.cmpf oge, %select_n3A_1372, %select_n3A_1429 : vector<512x128xf32>
    %select_n3A_1480 = arith.select %ge3A_1479, %select_n3A_1372, %select_n3A_1429 : vector<512x128xi1>, vector<512x128xf32>
    %select_n3A_1481 = arith.select %ge3A_1479, %select_n3A_1373, %select_n3A_1430 : vector<512x128xi1>, vector<512x128xi32>
    %ge3A_1482 = arith.cmpf oge, %select_n3A_1459, %select_n3A_1471 : vector<512x128xf32>
    %select_n3A_1483 = arith.select %ge3A_1482, %select_n3A_1459, %select_n3A_1471 : vector<512x128xi1>, vector<512x128xf32>
    %select_n3A_1484 = arith.select %ge3A_1482, %select_n3A_1460, %select_n3A_1472 : vector<512x128xi1>, vector<512x128xi32>
    %select_n3A_1485 = arith.select %ge3A_1482, %select_n3A_1471, %select_n3A_1459 : vector<512x128xi1>, vector<512x128xf32>
    %select_n3A_1486 = arith.select %ge3A_1482, %select_n3A_1472, %select_n3A_1460 : vector<512x128xi1>, vector<512x128xi32>
    %ge3A_1487 = arith.cmpf oge, %select_n3A_1462, %select_n3A_1474 : vector<512x128xf32>
    %select_n3A_1488 = arith.select %ge3A_1487, %select_n3A_1462, %select_n3A_1474 : vector<512x128xi1>, vector<512x128xf32>
    %select_n3A_1489 = arith.select %ge3A_1487, %select_n3A_1463, %select_n3A_1475 : vector<512x128xi1>, vector<512x128xi32>
    %select_n3A_1490 = arith.select %ge3A_1487, %select_n3A_1474, %select_n3A_1462 : vector<512x128xi1>, vector<512x128xf32>
    %select_n3A_1491 = arith.select %ge3A_1487, %select_n3A_1475, %select_n3A_1463 : vector<512x128xi1>, vector<512x128xi32>
    %ge3A_1492 = arith.cmpf oge, %select_n3A_1465, %select_n3A_1477 : vector<512x128xf32>
    %select_n3A_1493 = arith.select %ge3A_1492, %select_n3A_1465, %select_n3A_1477 : vector<512x128xi1>, vector<512x128xf32>
    %select_n3A_1494 = arith.select %ge3A_1492, %select_n3A_1466, %select_n3A_1478 : vector<512x128xi1>, vector<512x128xi32>
    %select_n3A_1495 = arith.select %ge3A_1492, %select_n3A_1477, %select_n3A_1465 : vector<512x128xi1>, vector<512x128xf32>
    %select_n3A_1496 = arith.select %ge3A_1492, %select_n3A_1478, %select_n3A_1466 : vector<512x128xi1>, vector<512x128xi32>
    %ge3A_1497 = arith.cmpf oge, %select_n3A_1468, %select_n3A_1480 : vector<512x128xf32>
    %select_n3A_1498 = arith.select %ge3A_1497, %select_n3A_1468, %select_n3A_1480 : vector<512x128xi1>, vector<512x128xf32>
    %select_n3A_1499 = arith.select %ge3A_1497, %select_n3A_1469, %select_n3A_1481 : vector<512x128xi1>, vector<512x128xi32>
    %select_n3A_1500 = arith.select %ge3A_1497, %select_n3A_1480, %select_n3A_1468 : vector<512x128xi1>, vector<512x128xf32>
    %select_n3A_1501 = arith.select %ge3A_1497, %select_n3A_1481, %select_n3A_1469 : vector<512x128xi1>, vector<512x128xi32>
    %ge3A_1502 = arith.cmpf oge, %select_n3A_1483, %select_n3A_1493 : vector<512x128xf32>
    %select_n3A_1503 = arith.select %ge3A_1502, %select_n3A_1483, %select_n3A_1493 : vector<512x128xi1>, vector<512x128xf32>
    %select_n3A_1504 = arith.select %ge3A_1502, %select_n3A_1484, %select_n3A_1494 : vector<512x128xi1>, vector<512x128xi32>
    %select_n3A_1505 = arith.select %ge3A_1502, %select_n3A_1493, %select_n3A_1483 : vector<512x128xi1>, vector<512x128xf32>
    %select_n3A_1506 = arith.select %ge3A_1502, %select_n3A_1494, %select_n3A_1484 : vector<512x128xi1>, vector<512x128xi32>
    %ge3A_1507 = arith.cmpf oge, %select_n3A_1488, %select_n3A_1498 : vector<512x128xf32>
    %select_n3A_1508 = arith.select %ge3A_1507, %select_n3A_1488, %select_n3A_1498 : vector<512x128xi1>, vector<512x128xf32>
    %select_n3A_1509 = arith.select %ge3A_1507, %select_n3A_1489, %select_n3A_1499 : vector<512x128xi1>, vector<512x128xi32>
    %select_n3A_1510 = arith.select %ge3A_1507, %select_n3A_1498, %select_n3A_1488 : vector<512x128xi1>, vector<512x128xf32>
    %select_n3A_1511 = arith.select %ge3A_1507, %select_n3A_1499, %select_n3A_1489 : vector<512x128xi1>, vector<512x128xi32>
    %ge3A_1512 = arith.cmpf oge, %select_n3A_1503, %select_n3A_1508 : vector<512x128xf32>
    %select_n3A_1513 = arith.select %ge3A_1512, %select_n3A_1503, %select_n3A_1508 : vector<512x128xi1>, vector<512x128xf32>
    %select_n3A_1514 = arith.select %ge3A_1512, %select_n3A_1504, %select_n3A_1509 : vector<512x128xi1>, vector<512x128xi32>
    %select_n3A_1515 = arith.select %ge3A_1512, %select_n3A_1508, %select_n3A_1503 : vector<512x128xi1>, vector<512x128xf32>
    %select_n3A_1516 = arith.select %ge3A_1512, %select_n3A_1509, %select_n3A_1504 : vector<512x128xi1>, vector<512x128xi32>
    %ge3A_1517 = arith.cmpf oge, %select_n3A_1505, %select_n3A_1510 : vector<512x128xf32>
    %select_n3A_1518 = arith.select %ge3A_1517, %select_n3A_1505, %select_n3A_1510 : vector<512x128xi1>, vector<512x128xf32>
    %select_n3A_1519 = arith.select %ge3A_1517, %select_n3A_1506, %select_n3A_1511 : vector<512x128xi1>, vector<512x128xi32>
    %select_n3A_1520 = arith.select %ge3A_1517, %select_n3A_1510, %select_n3A_1505 : vector<512x128xi1>, vector<512x128xf32>
    %select_n3A_1521 = arith.select %ge3A_1517, %select_n3A_1511, %select_n3A_1506 : vector<512x128xi1>, vector<512x128xi32>
    %ge3A_1522 = arith.cmpf oge, %select_n3A_1485, %select_n3A_1495 : vector<512x128xf32>
    %select_n3A_1523 = arith.select %ge3A_1522, %select_n3A_1485, %select_n3A_1495 : vector<512x128xi1>, vector<512x128xf32>
    %select_n3A_1524 = arith.select %ge3A_1522, %select_n3A_1486, %select_n3A_1496 : vector<512x128xi1>, vector<512x128xi32>
    %select_n3A_1525 = arith.select %ge3A_1522, %select_n3A_1495, %select_n3A_1485 : vector<512x128xi1>, vector<512x128xf32>
    %select_n3A_1526 = arith.select %ge3A_1522, %select_n3A_1496, %select_n3A_1486 : vector<512x128xi1>, vector<512x128xi32>
    %ge3A_1527 = arith.cmpf oge, %select_n3A_1490, %select_n3A_1500 : vector<512x128xf32>
    %select_n3A_1528 = arith.select %ge3A_1527, %select_n3A_1490, %select_n3A_1500 : vector<512x128xi1>, vector<512x128xf32>
    %select_n3A_1529 = arith.select %ge3A_1527, %select_n3A_1491, %select_n3A_1501 : vector<512x128xi1>, vector<512x128xi32>
    %select_n3A_1530 = arith.select %ge3A_1527, %select_n3A_1500, %select_n3A_1490 : vector<512x128xi1>, vector<512x128xf32>
    %select_n3A_1531 = arith.select %ge3A_1527, %select_n3A_1501, %select_n3A_1491 : vector<512x128xi1>, vector<512x128xi32>
    %ge3A_1532 = arith.cmpf oge, %select_n3A_1523, %select_n3A_1528 : vector<512x128xf32>
    %select_n3A_1533 = arith.select %ge3A_1532, %select_n3A_1523, %select_n3A_1528 : vector<512x128xi1>, vector<512x128xf32>
    %select_n3A_1534 = arith.select %ge3A_1532, %select_n3A_1524, %select_n3A_1529 : vector<512x128xi1>, vector<512x128xi32>
    %select_n3A_1535 = arith.select %ge3A_1532, %select_n3A_1528, %select_n3A_1523 : vector<512x128xi1>, vector<512x128xf32>
    %select_n3A_1536 = arith.select %ge3A_1532, %select_n3A_1529, %select_n3A_1524 : vector<512x128xi1>, vector<512x128xi32>
    %ge3A_1537 = arith.cmpf oge, %select_n3A_1525, %select_n3A_1530 : vector<512x128xf32>
    %select_n3A_1538 = arith.select %ge3A_1537, %select_n3A_1525, %select_n3A_1530 : vector<512x128xi1>, vector<512x128xf32>
    %select_n3A_1539 = arith.select %ge3A_1537, %select_n3A_1526, %select_n3A_1531 : vector<512x128xi1>, vector<512x128xi32>
    %select_n3A_1540 = arith.select %ge3A_1537, %select_n3A_1530, %select_n3A_1525 : vector<512x128xi1>, vector<512x128xf32>
    %select_n3A_1541 = arith.select %ge3A_1537, %select_n3A_1531, %select_n3A_1526 : vector<512x128xi1>, vector<512x128xi32>
    %iota3A = tpu.iota {dimensions = array<i32: 1>} : vector<512x128xi32>
    %mul3A = arith.constant 128 : i32
    %mul3A_1542 = vector.broadcast %mul3A : i32 to vector<512x128xi32>
    %mul3A_1543 = arith.muli %select_n3A_1514, %mul3A_1542 : vector<512x128xi32>
    %add3A = arith.addi %mul3A_1543, %iota3A : vector<512x128xi32>
    %mul3A_1544 = arith.constant 128 : i32
    %mul3A_1545 = vector.broadcast %mul3A_1544 : i32 to vector<512x128xi32>
    %mul3A_1546 = arith.muli %select_n3A_1516, %mul3A_1545 : vector<512x128xi32>
    %add3A_1547 = arith.addi %mul3A_1546, %iota3A : vector<512x128xi32>
    %mul3A_1548 = arith.constant 128 : i32
    %mul3A_1549 = vector.broadcast %mul3A_1548 : i32 to vector<512x128xi32>
    %mul3A_1550 = arith.muli %select_n3A_1519, %mul3A_1549 : vector<512x128xi32>
    %add3A_1551 = arith.addi %mul3A_1550, %iota3A : vector<512x128xi32>
    %mul3A_1552 = arith.constant 128 : i32
    %mul3A_1553 = vector.broadcast %mul3A_1552 : i32 to vector<512x128xi32>
    %mul3A_1554 = arith.muli %select_n3A_1521, %mul3A_1553 : vector<512x128xi32>
    %add3A_1555 = arith.addi %mul3A_1554, %iota3A : vector<512x128xi32>
    %mul3A_1556 = arith.constant 128 : i32
    %mul3A_1557 = vector.broadcast %mul3A_1556 : i32 to vector<512x128xi32>
    %mul3A_1558 = arith.muli %select_n3A_1534, %mul3A_1557 : vector<512x128xi32>
    %add3A_1559 = arith.addi %mul3A_1558, %iota3A : vector<512x128xi32>
    %mul3A_1560 = arith.constant 128 : i32
    %mul3A_1561 = vector.broadcast %mul3A_1560 : i32 to vector<512x128xi32>
    %mul3A_1562 = arith.muli %select_n3A_1536, %mul3A_1561 : vector<512x128xi32>
    %add3A_1563 = arith.addi %mul3A_1562, %iota3A : vector<512x128xi32>
    %mul3A_1564 = arith.constant 128 : i32
    %mul3A_1565 = vector.broadcast %mul3A_1564 : i32 to vector<512x128xi32>
    %mul3A_1566 = arith.muli %select_n3A_1539, %mul3A_1565 : vector<512x128xi32>
    %add3A_1567 = arith.addi %mul3A_1566, %iota3A : vector<512x128xi32>
    %mul3A_1568 = arith.constant 128 : i32
    %mul3A_1569 = vector.broadcast %mul3A_1568 : i32 to vector<512x128xi32>
    %mul3A_1570 = arith.muli %select_n3A_1541, %mul3A_1569 : vector<512x128xi32>
    %add3A_1571 = arith.addi %mul3A_1570, %iota3A : vector<512x128xi32>
    %reduce_max3A = arith.constant dense<0xFF800000> : vector<512xf32>
    %reduce_max3A_1572 = vector.multi_reduction <maximumf>, %select_n3A_1513, %reduce_max3A [1] : vector<512x128xf32> to vector<512xf32>
    %broadcast_in_dim3A_1573 = vector.shape_cast %reduce_max3A_1572 : vector<512xf32> to vector<512x1xf32>
    %eq3A = vector.broadcast %broadcast_in_dim3A_1573 : vector<512x1xf32> to vector<512x128xf32>
    %eq3A_1574 = arith.cmpf oeq, %select_n3A_1513, %eq3A : vector<512x128xf32>
    %jit3A = arith.constant 1073741824 : i32
    %broadcast_in_dim3A_1575 = vector.broadcast %jit3A : i32 to vector<512x128xi32>
    %select_n3A_1576 = arith.select %eq3A_1574, %add3A, %broadcast_in_dim3A_1575 : vector<512x128xi1>, vector<512x128xi32>
    %reduce_min3A = arith.constant dense<2147483647> : vector<512xi32>
    %reduce_min3A_1577 = vector.multi_reduction <minsi>, %select_n3A_1576, %reduce_min3A [1] : vector<512x128xi32> to vector<512xi32>
    %broadcast_in_dim3A_1578 = vector.shape_cast %reduce_min3A_1577 : vector<512xi32> to vector<512x1xi32>
    %eq3A_1579 = vector.broadcast %broadcast_in_dim3A_1578 : vector<512x1xi32> to vector<512x128xi32>
    %eq3A_1580 = arith.cmpi eq, %add3A, %eq3A_1579 : vector<512x128xi32>
    %select_n3A_1581 = arith.select %eq3A_1580, %select_n3A_1515, %select_n3A_1513 : vector<512x128xi1>, vector<512x128xf32>
    %select_n3A_1582 = arith.select %eq3A_1580, %add3A_1547, %add3A : vector<512x128xi1>, vector<512x128xi32>
    %select_n3A_1583 = arith.select %eq3A_1580, %select_n3A_1518, %select_n3A_1515 : vector<512x128xi1>, vector<512x128xf32>
    %select_n3A_1584 = arith.select %eq3A_1580, %add3A_1551, %add3A_1547 : vector<512x128xi1>, vector<512x128xi32>
    %select_n3A_1585 = arith.select %eq3A_1580, %select_n3A_1520, %select_n3A_1518 : vector<512x128xi1>, vector<512x128xf32>
    %select_n3A_1586 = arith.select %eq3A_1580, %add3A_1555, %add3A_1551 : vector<512x128xi1>, vector<512x128xi32>
    %select_n3A_1587 = arith.select %eq3A_1580, %select_n3A_1533, %select_n3A_1520 : vector<512x128xi1>, vector<512x128xf32>
    %select_n3A_1588 = arith.select %eq3A_1580, %add3A_1559, %add3A_1555 : vector<512x128xi1>, vector<512x128xi32>
    %select_n3A_1589 = arith.select %eq3A_1580, %select_n3A_1535, %select_n3A_1533 : vector<512x128xi1>, vector<512x128xf32>
    %select_n3A_1590 = arith.select %eq3A_1580, %add3A_1563, %add3A_1559 : vector<512x128xi1>, vector<512x128xi32>
    %select_n3A_1591 = arith.select %eq3A_1580, %select_n3A_1538, %select_n3A_1535 : vector<512x128xi1>, vector<512x128xf32>
    %select_n3A_1592 = arith.select %eq3A_1580, %add3A_1567, %add3A_1563 : vector<512x128xi1>, vector<512x128xi32>
    %select_n3A_1593 = arith.select %eq3A_1580, %select_n3A_1540, %select_n3A_1538 : vector<512x128xi1>, vector<512x128xf32>
    %select_n3A_1594 = arith.select %eq3A_1580, %add3A_1571, %add3A_1567 : vector<512x128xi1>, vector<512x128xi32>
    %jit3A_1595 = arith.constant -2.000000e+00 : f32
    %broadcast_in_dim3A_1596 = vector.broadcast %jit3A_1595 : f32 to vector<512x128xf32>
    %select_n3A_1597 = arith.select %eq3A_1580, %broadcast_in_dim3A_1596, %select_n3A_1540 : vector<512x128xi1>, vector<512x128xf32>
    %reduce_max3A_1598 = arith.constant dense<0xFF800000> : vector<512xf32>
    %reduce_max3A_1599 = vector.multi_reduction <maximumf>, %select_n3A_1581, %reduce_max3A_1598 [1] : vector<512x128xf32> to vector<512xf32>
    %broadcast_in_dim3A_1600 = vector.shape_cast %reduce_max3A_1599 : vector<512xf32> to vector<512x1xf32>
    %eq3A_1601 = vector.broadcast %broadcast_in_dim3A_1600 : vector<512x1xf32> to vector<512x128xf32>
    %eq3A_1602 = arith.cmpf oeq, %select_n3A_1581, %eq3A_1601 : vector<512x128xf32>
    %jit3A_1603 = arith.constant 1073741824 : i32
    %broadcast_in_dim3A_1604 = vector.broadcast %jit3A_1603 : i32 to vector<512x128xi32>
    %select_n3A_1605 = arith.select %eq3A_1602, %select_n3A_1582, %broadcast_in_dim3A_1604 : vector<512x128xi1>, vector<512x128xi32>
    %reduce_min3A_1606 = arith.constant dense<2147483647> : vector<512xi32>
    %reduce_min3A_1607 = vector.multi_reduction <minsi>, %select_n3A_1605, %reduce_min3A_1606 [1] : vector<512x128xi32> to vector<512xi32>
    %broadcast_in_dim3A_1608 = vector.shape_cast %reduce_min3A_1607 : vector<512xi32> to vector<512x1xi32>
    %eq3A_1609 = vector.broadcast %broadcast_in_dim3A_1608 : vector<512x1xi32> to vector<512x128xi32>
    %eq3A_1610 = arith.cmpi eq, %select_n3A_1582, %eq3A_1609 : vector<512x128xi32>
    %select_n3A_1611 = arith.select %eq3A_1610, %select_n3A_1583, %select_n3A_1581 : vector<512x128xi1>, vector<512x128xf32>
    %select_n3A_1612 = arith.select %eq3A_1610, %select_n3A_1584, %select_n3A_1582 : vector<512x128xi1>, vector<512x128xi32>
    %select_n3A_1613 = arith.select %eq3A_1610, %select_n3A_1585, %select_n3A_1583 : vector<512x128xi1>, vector<512x128xf32>
    %select_n3A_1614 = arith.select %eq3A_1610, %select_n3A_1586, %select_n3A_1584 : vector<512x128xi1>, vector<512x128xi32>
    %select_n3A_1615 = arith.select %eq3A_1610, %select_n3A_1587, %select_n3A_1585 : vector<512x128xi1>, vector<512x128xf32>
    %select_n3A_1616 = arith.select %eq3A_1610, %select_n3A_1588, %select_n3A_1586 : vector<512x128xi1>, vector<512x128xi32>
    %select_n3A_1617 = arith.select %eq3A_1610, %select_n3A_1589, %select_n3A_1587 : vector<512x128xi1>, vector<512x128xf32>
    %select_n3A_1618 = arith.select %eq3A_1610, %select_n3A_1590, %select_n3A_1588 : vector<512x128xi1>, vector<512x128xi32>
    %select_n3A_1619 = arith.select %eq3A_1610, %select_n3A_1591, %select_n3A_1589 : vector<512x128xi1>, vector<512x128xf32>
    %select_n3A_1620 = arith.select %eq3A_1610, %select_n3A_1592, %select_n3A_1590 : vector<512x128xi1>, vector<512x128xi32>
    %select_n3A_1621 = arith.select %eq3A_1610, %select_n3A_1593, %select_n3A_1591 : vector<512x128xi1>, vector<512x128xf32>
    %select_n3A_1622 = arith.select %eq3A_1610, %select_n3A_1594, %select_n3A_1592 : vector<512x128xi1>, vector<512x128xi32>
    %select_n3A_1623 = arith.select %eq3A_1610, %select_n3A_1597, %select_n3A_1593 : vector<512x128xi1>, vector<512x128xf32>
    %select_n3A_1624 = arith.select %eq3A_1610, %add3A_1571, %select_n3A_1594 : vector<512x128xi1>, vector<512x128xi32>
    %jit3A_1625 = arith.constant -2.000000e+00 : f32
    %broadcast_in_dim3A_1626 = vector.broadcast %jit3A_1625 : f32 to vector<512x128xf32>
    %select_n3A_1627 = arith.select %eq3A_1610, %broadcast_in_dim3A_1626, %select_n3A_1597 : vector<512x128xi1>, vector<512x128xf32>
    %reduce_max3A_1628 = arith.constant dense<0xFF800000> : vector<512xf32>
    %reduce_max3A_1629 = vector.multi_reduction <maximumf>, %select_n3A_1611, %reduce_max3A_1628 [1] : vector<512x128xf32> to vector<512xf32>
    %broadcast_in_dim3A_1630 = vector.shape_cast %reduce_max3A_1629 : vector<512xf32> to vector<512x1xf32>
    %eq3A_1631 = vector.broadcast %broadcast_in_dim3A_1630 : vector<512x1xf32> to vector<512x128xf32>
    %eq3A_1632 = arith.cmpf oeq, %select_n3A_1611, %eq3A_1631 : vector<512x128xf32>
    %jit3A_1633 = arith.constant 1073741824 : i32
    %broadcast_in_dim3A_1634 = vector.broadcast %jit3A_1633 : i32 to vector<512x128xi32>
    %select_n3A_1635 = arith.select %eq3A_1632, %select_n3A_1612, %broadcast_in_dim3A_1634 : vector<512x128xi1>, vector<512x128xi32>
    %reduce_min3A_1636 = arith.constant dense<2147483647> : vector<512xi32>
    %reduce_min3A_1637 = vector.multi_reduction <minsi>, %select_n3A_1635, %reduce_min3A_1636 [1] : vector<512x128xi32> to vector<512xi32>
    %broadcast_in_dim3A_1638 = vector.shape_cast %reduce_min3A_1637 : vector<512xi32> to vector<512x1xi32>
    %eq3A_1639 = vector.broadcast %broadcast_in_dim3A_1638 : vector<512x1xi32> to vector<512x128xi32>
    %eq3A_1640 = arith.cmpi eq, %select_n3A_1612, %eq3A_1639 : vector<512x128xi32>
    %select_n3A_1641 = arith.select %eq3A_1640, %select_n3A_1613, %select_n3A_1611 : vector<512x128xi1>, vector<512x128xf32>
    %select_n3A_1642 = arith.select %eq3A_1640, %select_n3A_1614, %select_n3A_1612 : vector<512x128xi1>, vector<512x128xi32>
    %select_n3A_1643 = arith.select %eq3A_1640, %select_n3A_1615, %select_n3A_1613 : vector<512x128xi1>, vector<512x128xf32>
    %select_n3A_1644 = arith.select %eq3A_1640, %select_n3A_1616, %select_n3A_1614 : vector<512x128xi1>, vector<512x128xi32>
    %select_n3A_1645 = arith.select %eq3A_1640, %select_n3A_1617, %select_n3A_1615 : vector<512x128xi1>, vector<512x128xf32>
    %select_n3A_1646 = arith.select %eq3A_1640, %select_n3A_1618, %select_n3A_1616 : vector<512x128xi1>, vector<512x128xi32>
    %select_n3A_1647 = arith.select %eq3A_1640, %select_n3A_1619, %select_n3A_1617 : vector<512x128xi1>, vector<512x128xf32>
    %select_n3A_1648 = arith.select %eq3A_1640, %select_n3A_1620, %select_n3A_1618 : vector<512x128xi1>, vector<512x128xi32>
    %select_n3A_1649 = arith.select %eq3A_1640, %select_n3A_1621, %select_n3A_1619 : vector<512x128xi1>, vector<512x128xf32>
    %select_n3A_1650 = arith.select %eq3A_1640, %select_n3A_1622, %select_n3A_1620 : vector<512x128xi1>, vector<512x128xi32>
    %select_n3A_1651 = arith.select %eq3A_1640, %select_n3A_1623, %select_n3A_1621 : vector<512x128xi1>, vector<512x128xf32>
    %select_n3A_1652 = arith.select %eq3A_1640, %select_n3A_1624, %select_n3A_1622 : vector<512x128xi1>, vector<512x128xi32>
    %select_n3A_1653 = arith.select %eq3A_1640, %select_n3A_1627, %select_n3A_1623 : vector<512x128xi1>, vector<512x128xf32>
    %select_n3A_1654 = arith.select %eq3A_1640, %add3A_1571, %select_n3A_1624 : vector<512x128xi1>, vector<512x128xi32>
    %jit3A_1655 = arith.constant -2.000000e+00 : f32
    %broadcast_in_dim3A_1656 = vector.broadcast %jit3A_1655 : f32 to vector<512x128xf32>
    %select_n3A_1657 = arith.select %eq3A_1640, %broadcast_in_dim3A_1656, %select_n3A_1627 : vector<512x128xi1>, vector<512x128xf32>
    %reduce_max3A_1658 = arith.constant dense<0xFF800000> : vector<512xf32>
    %reduce_max3A_1659 = vector.multi_reduction <maximumf>, %select_n3A_1641, %reduce_max3A_1658 [1] : vector<512x128xf32> to vector<512xf32>
    %broadcast_in_dim3A_1660 = vector.shape_cast %reduce_max3A_1659 : vector<512xf32> to vector<512x1xf32>
    %eq3A_1661 = vector.broadcast %broadcast_in_dim3A_1660 : vector<512x1xf32> to vector<512x128xf32>
    %eq3A_1662 = arith.cmpf oeq, %select_n3A_1641, %eq3A_1661 : vector<512x128xf32>
    %jit3A_1663 = arith.constant 1073741824 : i32
    %broadcast_in_dim3A_1664 = vector.broadcast %jit3A_1663 : i32 to vector<512x128xi32>
    %select_n3A_1665 = arith.select %eq3A_1662, %select_n3A_1642, %broadcast_in_dim3A_1664 : vector<512x128xi1>, vector<512x128xi32>
    %reduce_min3A_1666 = arith.constant dense<2147483647> : vector<512xi32>
    %reduce_min3A_1667 = vector.multi_reduction <minsi>, %select_n3A_1665, %reduce_min3A_1666 [1] : vector<512x128xi32> to vector<512xi32>
    %broadcast_in_dim3A_1668 = vector.shape_cast %reduce_min3A_1667 : vector<512xi32> to vector<512x1xi32>
    %eq3A_1669 = vector.broadcast %broadcast_in_dim3A_1668 : vector<512x1xi32> to vector<512x128xi32>
    %eq3A_1670 = arith.cmpi eq, %select_n3A_1642, %eq3A_1669 : vector<512x128xi32>
    %select_n3A_1671 = arith.select %eq3A_1670, %select_n3A_1643, %select_n3A_1641 : vector<512x128xi1>, vector<512x128xf32>
    %select_n3A_1672 = arith.select %eq3A_1670, %select_n3A_1644, %select_n3A_1642 : vector<512x128xi1>, vector<512x128xi32>
    %select_n3A_1673 = arith.select %eq3A_1670, %select_n3A_1645, %select_n3A_1643 : vector<512x128xi1>, vector<512x128xf32>
    %select_n3A_1674 = arith.select %eq3A_1670, %select_n3A_1646, %select_n3A_1644 : vector<512x128xi1>, vector<512x128xi32>
    %select_n3A_1675 = arith.select %eq3A_1670, %select_n3A_1647, %select_n3A_1645 : vector<512x128xi1>, vector<512x128xf32>
    %select_n3A_1676 = arith.select %eq3A_1670, %select_n3A_1648, %select_n3A_1646 : vector<512x128xi1>, vector<512x128xi32>
    %select_n3A_1677 = arith.select %eq3A_1670, %select_n3A_1649, %select_n3A_1647 : vector<512x128xi1>, vector<512x128xf32>
    %select_n3A_1678 = arith.select %eq3A_1670, %select_n3A_1650, %select_n3A_1648 : vector<512x128xi1>, vector<512x128xi32>
    %select_n3A_1679 = arith.select %eq3A_1670, %select_n3A_1651, %select_n3A_1649 : vector<512x128xi1>, vector<512x128xf32>
    %select_n3A_1680 = arith.select %eq3A_1670, %select_n3A_1652, %select_n3A_1650 : vector<512x128xi1>, vector<512x128xi32>
    %select_n3A_1681 = arith.select %eq3A_1670, %select_n3A_1653, %select_n3A_1651 : vector<512x128xi1>, vector<512x128xf32>
    %select_n3A_1682 = arith.select %eq3A_1670, %select_n3A_1654, %select_n3A_1652 : vector<512x128xi1>, vector<512x128xi32>
    %select_n3A_1683 = arith.select %eq3A_1670, %select_n3A_1657, %select_n3A_1653 : vector<512x128xi1>, vector<512x128xf32>
    %select_n3A_1684 = arith.select %eq3A_1670, %add3A_1571, %select_n3A_1654 : vector<512x128xi1>, vector<512x128xi32>
    %jit3A_1685 = arith.constant -2.000000e+00 : f32
    %broadcast_in_dim3A_1686 = vector.broadcast %jit3A_1685 : f32 to vector<512x128xf32>
    %select_n3A_1687 = arith.select %eq3A_1670, %broadcast_in_dim3A_1686, %select_n3A_1657 : vector<512x128xi1>, vector<512x128xf32>
    %reduce_max3A_1688 = arith.constant dense<0xFF800000> : vector<512xf32>
    %reduce_max3A_1689 = vector.multi_reduction <maximumf>, %select_n3A_1671, %reduce_max3A_1688 [1] : vector<512x128xf32> to vector<512xf32>
    %broadcast_in_dim3A_1690 = vector.shape_cast %reduce_max3A_1689 : vector<512xf32> to vector<512x1xf32>
    %eq3A_1691 = vector.broadcast %broadcast_in_dim3A_1690 : vector<512x1xf32> to vector<512x128xf32>
    %eq3A_1692 = arith.cmpf oeq, %select_n3A_1671, %eq3A_1691 : vector<512x128xf32>
    %jit3A_1693 = arith.constant 1073741824 : i32
    %broadcast_in_dim3A_1694 = vector.broadcast %jit3A_1693 : i32 to vector<512x128xi32>
    %select_n3A_1695 = arith.select %eq3A_1692, %select_n3A_1672, %broadcast_in_dim3A_1694 : vector<512x128xi1>, vector<512x128xi32>
    %reduce_min3A_1696 = arith.constant dense<2147483647> : vector<512xi32>
    %reduce_min3A_1697 = vector.multi_reduction <minsi>, %select_n3A_1695, %reduce_min3A_1696 [1] : vector<512x128xi32> to vector<512xi32>
    %broadcast_in_dim3A_1698 = vector.shape_cast %reduce_min3A_1697 : vector<512xi32> to vector<512x1xi32>
    %eq3A_1699 = vector.broadcast %broadcast_in_dim3A_1698 : vector<512x1xi32> to vector<512x128xi32>
    %eq3A_1700 = arith.cmpi eq, %select_n3A_1672, %eq3A_1699 : vector<512x128xi32>
    %select_n3A_1701 = arith.select %eq3A_1700, %select_n3A_1673, %select_n3A_1671 : vector<512x128xi1>, vector<512x128xf32>
    %select_n3A_1702 = arith.select %eq3A_1700, %select_n3A_1674, %select_n3A_1672 : vector<512x128xi1>, vector<512x128xi32>
    %select_n3A_1703 = arith.select %eq3A_1700, %select_n3A_1675, %select_n3A_1673 : vector<512x128xi1>, vector<512x128xf32>
    %select_n3A_1704 = arith.select %eq3A_1700, %select_n3A_1676, %select_n3A_1674 : vector<512x128xi1>, vector<512x128xi32>
    %select_n3A_1705 = arith.select %eq3A_1700, %select_n3A_1677, %select_n3A_1675 : vector<512x128xi1>, vector<512x128xf32>
    %select_n3A_1706 = arith.select %eq3A_1700, %select_n3A_1678, %select_n3A_1676 : vector<512x128xi1>, vector<512x128xi32>
    %select_n3A_1707 = arith.select %eq3A_1700, %select_n3A_1679, %select_n3A_1677 : vector<512x128xi1>, vector<512x128xf32>
    %select_n3A_1708 = arith.select %eq3A_1700, %select_n3A_1680, %select_n3A_1678 : vector<512x128xi1>, vector<512x128xi32>
    %select_n3A_1709 = arith.select %eq3A_1700, %select_n3A_1681, %select_n3A_1679 : vector<512x128xi1>, vector<512x128xf32>
    %select_n3A_1710 = arith.select %eq3A_1700, %select_n3A_1682, %select_n3A_1680 : vector<512x128xi1>, vector<512x128xi32>
    %select_n3A_1711 = arith.select %eq3A_1700, %select_n3A_1683, %select_n3A_1681 : vector<512x128xi1>, vector<512x128xf32>
    %select_n3A_1712 = arith.select %eq3A_1700, %select_n3A_1684, %select_n3A_1682 : vector<512x128xi1>, vector<512x128xi32>
    %select_n3A_1713 = arith.select %eq3A_1700, %select_n3A_1687, %select_n3A_1683 : vector<512x128xi1>, vector<512x128xf32>
    %select_n3A_1714 = arith.select %eq3A_1700, %add3A_1571, %select_n3A_1684 : vector<512x128xi1>, vector<512x128xi32>
    %jit3A_1715 = arith.constant -2.000000e+00 : f32
    %broadcast_in_dim3A_1716 = vector.broadcast %jit3A_1715 : f32 to vector<512x128xf32>
    %select_n3A_1717 = arith.select %eq3A_1700, %broadcast_in_dim3A_1716, %select_n3A_1687 : vector<512x128xi1>, vector<512x128xf32>
    %reduce_max3A_1718 = arith.constant dense<0xFF800000> : vector<512xf32>
    %reduce_max3A_1719 = vector.multi_reduction <maximumf>, %select_n3A_1701, %reduce_max3A_1718 [1] : vector<512x128xf32> to vector<512xf32>
    %broadcast_in_dim3A_1720 = vector.shape_cast %reduce_max3A_1719 : vector<512xf32> to vector<512x1xf32>
    %eq3A_1721 = vector.broadcast %broadcast_in_dim3A_1720 : vector<512x1xf32> to vector<512x128xf32>
    %eq3A_1722 = arith.cmpf oeq, %select_n3A_1701, %eq3A_1721 : vector<512x128xf32>
    %jit3A_1723 = arith.constant 1073741824 : i32
    %broadcast_in_dim3A_1724 = vector.broadcast %jit3A_1723 : i32 to vector<512x128xi32>
    %select_n3A_1725 = arith.select %eq3A_1722, %select_n3A_1702, %broadcast_in_dim3A_1724 : vector<512x128xi1>, vector<512x128xi32>
    %reduce_min3A_1726 = arith.constant dense<2147483647> : vector<512xi32>
    %reduce_min3A_1727 = vector.multi_reduction <minsi>, %select_n3A_1725, %reduce_min3A_1726 [1] : vector<512x128xi32> to vector<512xi32>
    %broadcast_in_dim3A_1728 = vector.shape_cast %reduce_min3A_1727 : vector<512xi32> to vector<512x1xi32>
    %eq3A_1729 = vector.broadcast %broadcast_in_dim3A_1728 : vector<512x1xi32> to vector<512x128xi32>
    %eq3A_1730 = arith.cmpi eq, %select_n3A_1702, %eq3A_1729 : vector<512x128xi32>
    %select_n3A_1731 = arith.select %eq3A_1730, %select_n3A_1703, %select_n3A_1701 : vector<512x128xi1>, vector<512x128xf32>
    %select_n3A_1732 = arith.select %eq3A_1730, %select_n3A_1704, %select_n3A_1702 : vector<512x128xi1>, vector<512x128xi32>
    %select_n3A_1733 = arith.select %eq3A_1730, %select_n3A_1705, %select_n3A_1703 : vector<512x128xi1>, vector<512x128xf32>
    %select_n3A_1734 = arith.select %eq3A_1730, %select_n3A_1706, %select_n3A_1704 : vector<512x128xi1>, vector<512x128xi32>
    %select_n3A_1735 = arith.select %eq3A_1730, %select_n3A_1707, %select_n3A_1705 : vector<512x128xi1>, vector<512x128xf32>
    %select_n3A_1736 = arith.select %eq3A_1730, %select_n3A_1708, %select_n3A_1706 : vector<512x128xi1>, vector<512x128xi32>
    %select_n3A_1737 = arith.select %eq3A_1730, %select_n3A_1709, %select_n3A_1707 : vector<512x128xi1>, vector<512x128xf32>
    %select_n3A_1738 = arith.select %eq3A_1730, %select_n3A_1710, %select_n3A_1708 : vector<512x128xi1>, vector<512x128xi32>
    %select_n3A_1739 = arith.select %eq3A_1730, %select_n3A_1711, %select_n3A_1709 : vector<512x128xi1>, vector<512x128xf32>
    %select_n3A_1740 = arith.select %eq3A_1730, %select_n3A_1712, %select_n3A_1710 : vector<512x128xi1>, vector<512x128xi32>
    %select_n3A_1741 = arith.select %eq3A_1730, %select_n3A_1713, %select_n3A_1711 : vector<512x128xi1>, vector<512x128xf32>
    %select_n3A_1742 = arith.select %eq3A_1730, %select_n3A_1714, %select_n3A_1712 : vector<512x128xi1>, vector<512x128xi32>
    %select_n3A_1743 = arith.select %eq3A_1730, %select_n3A_1717, %select_n3A_1713 : vector<512x128xi1>, vector<512x128xf32>
    %select_n3A_1744 = arith.select %eq3A_1730, %add3A_1571, %select_n3A_1714 : vector<512x128xi1>, vector<512x128xi32>
    %jit3A_1745 = arith.constant -2.000000e+00 : f32
    %broadcast_in_dim3A_1746 = vector.broadcast %jit3A_1745 : f32 to vector<512x128xf32>
    %select_n3A_1747 = arith.select %eq3A_1730, %broadcast_in_dim3A_1746, %select_n3A_1717 : vector<512x128xi1>, vector<512x128xf32>
    %reduce_max3A_1748 = arith.constant dense<0xFF800000> : vector<512xf32>
    %reduce_max3A_1749 = vector.multi_reduction <maximumf>, %select_n3A_1731, %reduce_max3A_1748 [1] : vector<512x128xf32> to vector<512xf32>
    %broadcast_in_dim3A_1750 = vector.shape_cast %reduce_max3A_1749 : vector<512xf32> to vector<512x1xf32>
    %eq3A_1751 = vector.broadcast %broadcast_in_dim3A_1750 : vector<512x1xf32> to vector<512x128xf32>
    %eq3A_1752 = arith.cmpf oeq, %select_n3A_1731, %eq3A_1751 : vector<512x128xf32>
    %jit3A_1753 = arith.constant 1073741824 : i32
    %broadcast_in_dim3A_1754 = vector.broadcast %jit3A_1753 : i32 to vector<512x128xi32>
    %select_n3A_1755 = arith.select %eq3A_1752, %select_n3A_1732, %broadcast_in_dim3A_1754 : vector<512x128xi1>, vector<512x128xi32>
    %reduce_min3A_1756 = arith.constant dense<2147483647> : vector<512xi32>
    %reduce_min3A_1757 = vector.multi_reduction <minsi>, %select_n3A_1755, %reduce_min3A_1756 [1] : vector<512x128xi32> to vector<512xi32>
    %broadcast_in_dim3A_1758 = vector.shape_cast %reduce_min3A_1757 : vector<512xi32> to vector<512x1xi32>
    %eq3A_1759 = vector.broadcast %broadcast_in_dim3A_1758 : vector<512x1xi32> to vector<512x128xi32>
    %eq3A_1760 = arith.cmpi eq, %select_n3A_1732, %eq3A_1759 : vector<512x128xi32>
    %select_n3A_1761 = arith.select %eq3A_1760, %select_n3A_1733, %select_n3A_1731 : vector<512x128xi1>, vector<512x128xf32>
    %select_n3A_1762 = arith.select %eq3A_1760, %select_n3A_1734, %select_n3A_1732 : vector<512x128xi1>, vector<512x128xi32>
    %select_n3A_1763 = arith.select %eq3A_1760, %select_n3A_1735, %select_n3A_1733 : vector<512x128xi1>, vector<512x128xf32>
    %select_n3A_1764 = arith.select %eq3A_1760, %select_n3A_1736, %select_n3A_1734 : vector<512x128xi1>, vector<512x128xi32>
    %select_n3A_1765 = arith.select %eq3A_1760, %select_n3A_1737, %select_n3A_1735 : vector<512x128xi1>, vector<512x128xf32>
    %select_n3A_1766 = arith.select %eq3A_1760, %select_n3A_1738, %select_n3A_1736 : vector<512x128xi1>, vector<512x128xi32>
    %select_n3A_1767 = arith.select %eq3A_1760, %select_n3A_1739, %select_n3A_1737 : vector<512x128xi1>, vector<512x128xf32>
    %select_n3A_1768 = arith.select %eq3A_1760, %select_n3A_1740, %select_n3A_1738 : vector<512x128xi1>, vector<512x128xi32>
    %select_n3A_1769 = arith.select %eq3A_1760, %select_n3A_1741, %select_n3A_1739 : vector<512x128xi1>, vector<512x128xf32>
    %select_n3A_1770 = arith.select %eq3A_1760, %select_n3A_1742, %select_n3A_1740 : vector<512x128xi1>, vector<512x128xi32>
    %select_n3A_1771 = arith.select %eq3A_1760, %select_n3A_1743, %select_n3A_1741 : vector<512x128xi1>, vector<512x128xf32>
    %select_n3A_1772 = arith.select %eq3A_1760, %select_n3A_1744, %select_n3A_1742 : vector<512x128xi1>, vector<512x128xi32>
    %select_n3A_1773 = arith.select %eq3A_1760, %select_n3A_1747, %select_n3A_1743 : vector<512x128xi1>, vector<512x128xf32>
    %select_n3A_1774 = arith.select %eq3A_1760, %add3A_1571, %select_n3A_1744 : vector<512x128xi1>, vector<512x128xi32>
    %jit3A_1775 = arith.constant -2.000000e+00 : f32
    %broadcast_in_dim3A_1776 = vector.broadcast %jit3A_1775 : f32 to vector<512x128xf32>
    %select_n3A_1777 = arith.select %eq3A_1760, %broadcast_in_dim3A_1776, %select_n3A_1747 : vector<512x128xi1>, vector<512x128xf32>
    %reduce_max3A_1778 = arith.constant dense<0xFF800000> : vector<512xf32>
    %reduce_max3A_1779 = vector.multi_reduction <maximumf>, %select_n3A_1761, %reduce_max3A_1778 [1] : vector<512x128xf32> to vector<512xf32>
    %broadcast_in_dim3A_1780 = vector.shape_cast %reduce_max3A_1779 : vector<512xf32> to vector<512x1xf32>
    %eq3A_1781 = vector.broadcast %broadcast_in_dim3A_1780 : vector<512x1xf32> to vector<512x128xf32>
    %eq3A_1782 = arith.cmpf oeq, %select_n3A_1761, %eq3A_1781 : vector<512x128xf32>
    %jit3A_1783 = arith.constant 1073741824 : i32
    %broadcast_in_dim3A_1784 = vector.broadcast %jit3A_1783 : i32 to vector<512x128xi32>
    %select_n3A_1785 = arith.select %eq3A_1782, %select_n3A_1762, %broadcast_in_dim3A_1784 : vector<512x128xi1>, vector<512x128xi32>
    %reduce_min3A_1786 = arith.constant dense<2147483647> : vector<512xi32>
    %reduce_min3A_1787 = vector.multi_reduction <minsi>, %select_n3A_1785, %reduce_min3A_1786 [1] : vector<512x128xi32> to vector<512xi32>
    %broadcast_in_dim3A_1788 = vector.shape_cast %reduce_min3A_1787 : vector<512xi32> to vector<512x1xi32>
    %eq3A_1789 = vector.broadcast %broadcast_in_dim3A_1788 : vector<512x1xi32> to vector<512x128xi32>
    %eq3A_1790 = arith.cmpi eq, %select_n3A_1762, %eq3A_1789 : vector<512x128xi32>
    %select_n3A_1791 = arith.select %eq3A_1790, %select_n3A_1763, %select_n3A_1761 : vector<512x128xi1>, vector<512x128xf32>
    %select_n3A_1792 = arith.select %eq3A_1790, %select_n3A_1764, %select_n3A_1762 : vector<512x128xi1>, vector<512x128xi32>
    %select_n3A_1793 = arith.select %eq3A_1790, %select_n3A_1765, %select_n3A_1763 : vector<512x128xi1>, vector<512x128xf32>
    %select_n3A_1794 = arith.select %eq3A_1790, %select_n3A_1766, %select_n3A_1764 : vector<512x128xi1>, vector<512x128xi32>
    %select_n3A_1795 = arith.select %eq3A_1790, %select_n3A_1767, %select_n3A_1765 : vector<512x128xi1>, vector<512x128xf32>
    %select_n3A_1796 = arith.select %eq3A_1790, %select_n3A_1768, %select_n3A_1766 : vector<512x128xi1>, vector<512x128xi32>
    %select_n3A_1797 = arith.select %eq3A_1790, %select_n3A_1769, %select_n3A_1767 : vector<512x128xi1>, vector<512x128xf32>
    %select_n3A_1798 = arith.select %eq3A_1790, %select_n3A_1770, %select_n3A_1768 : vector<512x128xi1>, vector<512x128xi32>
    %select_n3A_1799 = arith.select %eq3A_1790, %select_n3A_1771, %select_n3A_1769 : vector<512x128xi1>, vector<512x128xf32>
    %select_n3A_1800 = arith.select %eq3A_1790, %select_n3A_1772, %select_n3A_1770 : vector<512x128xi1>, vector<512x128xi32>
    %select_n3A_1801 = arith.select %eq3A_1790, %select_n3A_1773, %select_n3A_1771 : vector<512x128xi1>, vector<512x128xf32>
    %select_n3A_1802 = arith.select %eq3A_1790, %select_n3A_1774, %select_n3A_1772 : vector<512x128xi1>, vector<512x128xi32>
    %select_n3A_1803 = arith.select %eq3A_1790, %select_n3A_1777, %select_n3A_1773 : vector<512x128xi1>, vector<512x128xf32>
    %select_n3A_1804 = arith.select %eq3A_1790, %add3A_1571, %select_n3A_1774 : vector<512x128xi1>, vector<512x128xi32>
    %jit3A_1805 = arith.constant -2.000000e+00 : f32
    %broadcast_in_dim3A_1806 = vector.broadcast %jit3A_1805 : f32 to vector<512x128xf32>
    %select_n3A_1807 = arith.select %eq3A_1790, %broadcast_in_dim3A_1806, %select_n3A_1777 : vector<512x128xi1>, vector<512x128xf32>
    %reduce_max3A_1808 = arith.constant dense<0xFF800000> : vector<512xf32>
    %reduce_max3A_1809 = vector.multi_reduction <maximumf>, %select_n3A_1791, %reduce_max3A_1808 [1] : vector<512x128xf32> to vector<512xf32>
    %broadcast_in_dim3A_1810 = vector.shape_cast %reduce_max3A_1809 : vector<512xf32> to vector<512x1xf32>
    %eq3A_1811 = vector.broadcast %broadcast_in_dim3A_1810 : vector<512x1xf32> to vector<512x128xf32>
    %eq3A_1812 = arith.cmpf oeq, %select_n3A_1791, %eq3A_1811 : vector<512x128xf32>
    %jit3A_1813 = arith.constant 1073741824 : i32
    %broadcast_in_dim3A_1814 = vector.broadcast %jit3A_1813 : i32 to vector<512x128xi32>
    %select_n3A_1815 = arith.select %eq3A_1812, %select_n3A_1792, %broadcast_in_dim3A_1814 : vector<512x128xi1>, vector<512x128xi32>
    %reduce_min3A_1816 = arith.constant dense<2147483647> : vector<512xi32>
    %reduce_min3A_1817 = vector.multi_reduction <minsi>, %select_n3A_1815, %reduce_min3A_1816 [1] : vector<512x128xi32> to vector<512xi32>
    %broadcast_in_dim3A_1818 = vector.shape_cast %reduce_min3A_1817 : vector<512xi32> to vector<512x1xi32>
    %eq3A_1819 = vector.broadcast %broadcast_in_dim3A_1818 : vector<512x1xi32> to vector<512x128xi32>
    %eq3A_1820 = arith.cmpi eq, %select_n3A_1792, %eq3A_1819 : vector<512x128xi32>
    %select_n3A_1821 = arith.select %eq3A_1820, %select_n3A_1793, %select_n3A_1791 : vector<512x128xi1>, vector<512x128xf32>
    %select_n3A_1822 = arith.select %eq3A_1820, %select_n3A_1794, %select_n3A_1792 : vector<512x128xi1>, vector<512x128xi32>
    %select_n3A_1823 = arith.select %eq3A_1820, %select_n3A_1795, %select_n3A_1793 : vector<512x128xi1>, vector<512x128xf32>
    %select_n3A_1824 = arith.select %eq3A_1820, %select_n3A_1796, %select_n3A_1794 : vector<512x128xi1>, vector<512x128xi32>
    %select_n3A_1825 = arith.select %eq3A_1820, %select_n3A_1797, %select_n3A_1795 : vector<512x128xi1>, vector<512x128xf32>
    %select_n3A_1826 = arith.select %eq3A_1820, %select_n3A_1798, %select_n3A_1796 : vector<512x128xi1>, vector<512x128xi32>
    %select_n3A_1827 = arith.select %eq3A_1820, %select_n3A_1799, %select_n3A_1797 : vector<512x128xi1>, vector<512x128xf32>
    %select_n3A_1828 = arith.select %eq3A_1820, %select_n3A_1800, %select_n3A_1798 : vector<512x128xi1>, vector<512x128xi32>
    %select_n3A_1829 = arith.select %eq3A_1820, %select_n3A_1801, %select_n3A_1799 : vector<512x128xi1>, vector<512x128xf32>
    %select_n3A_1830 = arith.select %eq3A_1820, %select_n3A_1802, %select_n3A_1800 : vector<512x128xi1>, vector<512x128xi32>
    %select_n3A_1831 = arith.select %eq3A_1820, %select_n3A_1803, %select_n3A_1801 : vector<512x128xi1>, vector<512x128xf32>
    %select_n3A_1832 = arith.select %eq3A_1820, %select_n3A_1804, %select_n3A_1802 : vector<512x128xi1>, vector<512x128xi32>
    %select_n3A_1833 = arith.select %eq3A_1820, %select_n3A_1807, %select_n3A_1803 : vector<512x128xi1>, vector<512x128xf32>
    %select_n3A_1834 = arith.select %eq3A_1820, %add3A_1571, %select_n3A_1804 : vector<512x128xi1>, vector<512x128xi32>
    %jit3A_1835 = arith.constant -2.000000e+00 : f32
    %broadcast_in_dim3A_1836 = vector.broadcast %jit3A_1835 : f32 to vector<512x128xf32>
    %select_n3A_1837 = arith.select %eq3A_1820, %broadcast_in_dim3A_1836, %select_n3A_1807 : vector<512x128xi1>, vector<512x128xf32>
    %reduce_max3A_1838 = arith.constant dense<0xFF800000> : vector<512xf32>
    %reduce_max3A_1839 = vector.multi_reduction <maximumf>, %select_n3A_1821, %reduce_max3A_1838 [1] : vector<512x128xf32> to vector<512xf32>
    %broadcast_in_dim3A_1840 = vector.shape_cast %reduce_max3A_1839 : vector<512xf32> to vector<512x1xf32>
    %eq3A_1841 = vector.broadcast %broadcast_in_dim3A_1840 : vector<512x1xf32> to vector<512x128xf32>
    %eq3A_1842 = arith.cmpf oeq, %select_n3A_1821, %eq3A_1841 : vector<512x128xf32>
    %jit3A_1843 = arith.constant 1073741824 : i32
    %broadcast_in_dim3A_1844 = vector.broadcast %jit3A_1843 : i32 to vector<512x128xi32>
    %select_n3A_1845 = arith.select %eq3A_1842, %select_n3A_1822, %broadcast_in_dim3A_1844 : vector<512x128xi1>, vector<512x128xi32>
    %reduce_min3A_1846 = arith.constant dense<2147483647> : vector<512xi32>
    %reduce_min3A_1847 = vector.multi_reduction <minsi>, %select_n3A_1845, %reduce_min3A_1846 [1] : vector<512x128xi32> to vector<512xi32>
    %broadcast_in_dim3A_1848 = vector.shape_cast %reduce_min3A_1847 : vector<512xi32> to vector<512x1xi32>
    %eq3A_1849 = vector.broadcast %broadcast_in_dim3A_1848 : vector<512x1xi32> to vector<512x128xi32>
    %eq3A_1850 = arith.cmpi eq, %select_n3A_1822, %eq3A_1849 : vector<512x128xi32>
    %select_n3A_1851 = arith.select %eq3A_1850, %select_n3A_1823, %select_n3A_1821 : vector<512x128xi1>, vector<512x128xf32>
    %select_n3A_1852 = arith.select %eq3A_1850, %select_n3A_1824, %select_n3A_1822 : vector<512x128xi1>, vector<512x128xi32>
    %select_n3A_1853 = arith.select %eq3A_1850, %select_n3A_1825, %select_n3A_1823 : vector<512x128xi1>, vector<512x128xf32>
    %select_n3A_1854 = arith.select %eq3A_1850, %select_n3A_1826, %select_n3A_1824 : vector<512x128xi1>, vector<512x128xi32>
    %select_n3A_1855 = arith.select %eq3A_1850, %select_n3A_1827, %select_n3A_1825 : vector<512x128xi1>, vector<512x128xf32>
    %select_n3A_1856 = arith.select %eq3A_1850, %select_n3A_1828, %select_n3A_1826 : vector<512x128xi1>, vector<512x128xi32>
    %select_n3A_1857 = arith.select %eq3A_1850, %select_n3A_1829, %select_n3A_1827 : vector<512x128xi1>, vector<512x128xf32>
    %select_n3A_1858 = arith.select %eq3A_1850, %select_n3A_1830, %select_n3A_1828 : vector<512x128xi1>, vector<512x128xi32>
    %select_n3A_1859 = arith.select %eq3A_1850, %select_n3A_1831, %select_n3A_1829 : vector<512x128xi1>, vector<512x128xf32>
    %select_n3A_1860 = arith.select %eq3A_1850, %select_n3A_1832, %select_n3A_1830 : vector<512x128xi1>, vector<512x128xi32>
    %select_n3A_1861 = arith.select %eq3A_1850, %select_n3A_1833, %select_n3A_1831 : vector<512x128xi1>, vector<512x128xf32>
    %select_n3A_1862 = arith.select %eq3A_1850, %select_n3A_1834, %select_n3A_1832 : vector<512x128xi1>, vector<512x128xi32>
    %select_n3A_1863 = arith.select %eq3A_1850, %select_n3A_1837, %select_n3A_1833 : vector<512x128xi1>, vector<512x128xf32>
    %select_n3A_1864 = arith.select %eq3A_1850, %add3A_1571, %select_n3A_1834 : vector<512x128xi1>, vector<512x128xi32>
    %reduce_max3A_1865 = arith.constant dense<0xFF800000> : vector<512xf32>
    %reduce_max3A_1866 = vector.multi_reduction <maximumf>, %select_n3A_1851, %reduce_max3A_1865 [1] : vector<512x128xf32> to vector<512xf32>
    %broadcast_in_dim3A_1867 = vector.shape_cast %reduce_max3A_1866 : vector<512xf32> to vector<512x1xf32>
    %eq3A_1868 = vector.broadcast %broadcast_in_dim3A_1867 : vector<512x1xf32> to vector<512x128xf32>
    %eq3A_1869 = arith.cmpf oeq, %select_n3A_1851, %eq3A_1868 : vector<512x128xf32>
    %jit3A_1870 = arith.constant 1073741824 : i32
    %broadcast_in_dim3A_1871 = vector.broadcast %jit3A_1870 : i32 to vector<512x128xi32>
    %select_n3A_1872 = arith.select %eq3A_1869, %select_n3A_1852, %broadcast_in_dim3A_1871 : vector<512x128xi1>, vector<512x128xi32>
    %reduce_min3A_1873 = arith.constant dense<2147483647> : vector<512xi32>
    %reduce_min3A_1874 = vector.multi_reduction <minsi>, %select_n3A_1872, %reduce_min3A_1873 [1] : vector<512x128xi32> to vector<512xi32>
    %broadcast_in_dim3A_1875 = vector.shape_cast %reduce_min3A_1874 : vector<512xi32> to vector<512x1xi32>
    %eq3A_1876 = vector.broadcast %broadcast_in_dim3A_1875 : vector<512x1xi32> to vector<512x128xi32>
    %eq3A_1877 = arith.cmpi eq, %select_n3A_1852, %eq3A_1876 : vector<512x128xi32>
    %select_n3A_1878 = arith.select %eq3A_1877, %select_n3A_1853, %select_n3A_1851 : vector<512x128xi1>, vector<512x128xf32>
    %select_n3A_1879 = arith.select %eq3A_1877, %select_n3A_1854, %select_n3A_1852 : vector<512x128xi1>, vector<512x128xi32>
    %select_n3A_1880 = arith.select %eq3A_1877, %select_n3A_1855, %select_n3A_1853 : vector<512x128xi1>, vector<512x128xf32>
    %select_n3A_1881 = arith.select %eq3A_1877, %select_n3A_1856, %select_n3A_1854 : vector<512x128xi1>, vector<512x128xi32>
    %select_n3A_1882 = arith.select %eq3A_1877, %select_n3A_1857, %select_n3A_1855 : vector<512x128xi1>, vector<512x128xf32>
    %select_n3A_1883 = arith.select %eq3A_1877, %select_n3A_1858, %select_n3A_1856 : vector<512x128xi1>, vector<512x128xi32>
    %select_n3A_1884 = arith.select %eq3A_1877, %select_n3A_1859, %select_n3A_1857 : vector<512x128xi1>, vector<512x128xf32>
    %select_n3A_1885 = arith.select %eq3A_1877, %select_n3A_1860, %select_n3A_1858 : vector<512x128xi1>, vector<512x128xi32>
    %select_n3A_1886 = arith.select %eq3A_1877, %select_n3A_1861, %select_n3A_1859 : vector<512x128xi1>, vector<512x128xf32>
    %select_n3A_1887 = arith.select %eq3A_1877, %select_n3A_1862, %select_n3A_1860 : vector<512x128xi1>, vector<512x128xi32>
    %select_n3A_1888 = arith.select %eq3A_1877, %select_n3A_1863, %select_n3A_1861 : vector<512x128xi1>, vector<512x128xf32>
    %select_n3A_1889 = arith.select %eq3A_1877, %select_n3A_1864, %select_n3A_1862 : vector<512x128xi1>, vector<512x128xi32>
    %reduce_max3A_1890 = arith.constant dense<0xFF800000> : vector<512xf32>
    %reduce_max3A_1891 = vector.multi_reduction <maximumf>, %select_n3A_1878, %reduce_max3A_1890 [1] : vector<512x128xf32> to vector<512xf32>
    %broadcast_in_dim3A_1892 = vector.shape_cast %reduce_max3A_1891 : vector<512xf32> to vector<512x1xf32>
    %eq3A_1893 = vector.broadcast %broadcast_in_dim3A_1892 : vector<512x1xf32> to vector<512x128xf32>
    %eq3A_1894 = arith.cmpf oeq, %select_n3A_1878, %eq3A_1893 : vector<512x128xf32>
    %jit3A_1895 = arith.constant 1073741824 : i32
    %broadcast_in_dim3A_1896 = vector.broadcast %jit3A_1895 : i32 to vector<512x128xi32>
    %select_n3A_1897 = arith.select %eq3A_1894, %select_n3A_1879, %broadcast_in_dim3A_1896 : vector<512x128xi1>, vector<512x128xi32>
    %reduce_min3A_1898 = arith.constant dense<2147483647> : vector<512xi32>
    %reduce_min3A_1899 = vector.multi_reduction <minsi>, %select_n3A_1897, %reduce_min3A_1898 [1] : vector<512x128xi32> to vector<512xi32>
    %broadcast_in_dim3A_1900 = vector.shape_cast %reduce_min3A_1899 : vector<512xi32> to vector<512x1xi32>
    %eq3A_1901 = vector.broadcast %broadcast_in_dim3A_1900 : vector<512x1xi32> to vector<512x128xi32>
    %eq3A_1902 = arith.cmpi eq, %select_n3A_1879, %eq3A_1901 : vector<512x128xi32>
    %select_n3A_1903 = arith.select %eq3A_1902, %select_n3A_1880, %select_n3A_1878 : vector<512x128xi1>, vector<512x128xf32>
    %select_n3A_1904 = arith.select %eq3A_1902, %select_n3A_1881, %select_n3A_1879 : vector<512x128xi1>, vector<512x128xi32>
    %select_n3A_1905 = arith.select %eq3A_1902, %select_n3A_1882, %select_n3A_1880 : vector<512x128xi1>, vector<512x128xf32>
    %select_n3A_1906 = arith.select %eq3A_1902, %select_n3A_1883, %select_n3A_1881 : vector<512x128xi1>, vector<512x128xi32>
    %select_n3A_1907 = arith.select %eq3A_1902, %select_n3A_1884, %select_n3A_1882 : vector<512x128xi1>, vector<512x128xf32>
    %select_n3A_1908 = arith.select %eq3A_1902, %select_n3A_1885, %select_n3A_1883 : vector<512x128xi1>, vector<512x128xi32>
    %select_n3A_1909 = arith.select %eq3A_1902, %select_n3A_1886, %select_n3A_1884 : vector<512x128xi1>, vector<512x128xf32>
    %select_n3A_1910 = arith.select %eq3A_1902, %select_n3A_1887, %select_n3A_1885 : vector<512x128xi1>, vector<512x128xi32>
    %select_n3A_1911 = arith.select %eq3A_1902, %select_n3A_1888, %select_n3A_1886 : vector<512x128xi1>, vector<512x128xf32>
    %select_n3A_1912 = arith.select %eq3A_1902, %select_n3A_1889, %select_n3A_1887 : vector<512x128xi1>, vector<512x128xi32>
    %reduce_max3A_1913 = arith.constant dense<0xFF800000> : vector<512xf32>
    %reduce_max3A_1914 = vector.multi_reduction <maximumf>, %select_n3A_1903, %reduce_max3A_1913 [1] : vector<512x128xf32> to vector<512xf32>
    %broadcast_in_dim3A_1915 = vector.shape_cast %reduce_max3A_1914 : vector<512xf32> to vector<512x1xf32>
    %eq3A_1916 = vector.broadcast %broadcast_in_dim3A_1915 : vector<512x1xf32> to vector<512x128xf32>
    %eq3A_1917 = arith.cmpf oeq, %select_n3A_1903, %eq3A_1916 : vector<512x128xf32>
    %jit3A_1918 = arith.constant 1073741824 : i32
    %broadcast_in_dim3A_1919 = vector.broadcast %jit3A_1918 : i32 to vector<512x128xi32>
    %select_n3A_1920 = arith.select %eq3A_1917, %select_n3A_1904, %broadcast_in_dim3A_1919 : vector<512x128xi1>, vector<512x128xi32>
    %reduce_min3A_1921 = arith.constant dense<2147483647> : vector<512xi32>
    %reduce_min3A_1922 = vector.multi_reduction <minsi>, %select_n3A_1920, %reduce_min3A_1921 [1] : vector<512x128xi32> to vector<512xi32>
    %broadcast_in_dim3A_1923 = vector.shape_cast %reduce_min3A_1922 : vector<512xi32> to vector<512x1xi32>
    %eq3A_1924 = vector.broadcast %broadcast_in_dim3A_1923 : vector<512x1xi32> to vector<512x128xi32>
    %eq3A_1925 = arith.cmpi eq, %select_n3A_1904, %eq3A_1924 : vector<512x128xi32>
    %select_n3A_1926 = arith.select %eq3A_1925, %select_n3A_1905, %select_n3A_1903 : vector<512x128xi1>, vector<512x128xf32>
    %select_n3A_1927 = arith.select %eq3A_1925, %select_n3A_1906, %select_n3A_1904 : vector<512x128xi1>, vector<512x128xi32>
    %select_n3A_1928 = arith.select %eq3A_1925, %select_n3A_1907, %select_n3A_1905 : vector<512x128xi1>, vector<512x128xf32>
    %select_n3A_1929 = arith.select %eq3A_1925, %select_n3A_1908, %select_n3A_1906 : vector<512x128xi1>, vector<512x128xi32>
    %select_n3A_1930 = arith.select %eq3A_1925, %select_n3A_1909, %select_n3A_1907 : vector<512x128xi1>, vector<512x128xf32>
    %select_n3A_1931 = arith.select %eq3A_1925, %select_n3A_1910, %select_n3A_1908 : vector<512x128xi1>, vector<512x128xi32>
    %select_n3A_1932 = arith.select %eq3A_1925, %select_n3A_1911, %select_n3A_1909 : vector<512x128xi1>, vector<512x128xf32>
    %select_n3A_1933 = arith.select %eq3A_1925, %select_n3A_1912, %select_n3A_1910 : vector<512x128xi1>, vector<512x128xi32>
    %reduce_max3A_1934 = arith.constant dense<0xFF800000> : vector<512xf32>
    %reduce_max3A_1935 = vector.multi_reduction <maximumf>, %select_n3A_1926, %reduce_max3A_1934 [1] : vector<512x128xf32> to vector<512xf32>
    %broadcast_in_dim3A_1936 = vector.shape_cast %reduce_max3A_1935 : vector<512xf32> to vector<512x1xf32>
    %eq3A_1937 = vector.broadcast %broadcast_in_dim3A_1936 : vector<512x1xf32> to vector<512x128xf32>
    %eq3A_1938 = arith.cmpf oeq, %select_n3A_1926, %eq3A_1937 : vector<512x128xf32>
    %jit3A_1939 = arith.constant 1073741824 : i32
    %broadcast_in_dim3A_1940 = vector.broadcast %jit3A_1939 : i32 to vector<512x128xi32>
    %select_n3A_1941 = arith.select %eq3A_1938, %select_n3A_1927, %broadcast_in_dim3A_1940 : vector<512x128xi1>, vector<512x128xi32>
    %reduce_min3A_1942 = arith.constant dense<2147483647> : vector<512xi32>
    %reduce_min3A_1943 = vector.multi_reduction <minsi>, %select_n3A_1941, %reduce_min3A_1942 [1] : vector<512x128xi32> to vector<512xi32>
    %broadcast_in_dim3A_1944 = vector.shape_cast %reduce_min3A_1943 : vector<512xi32> to vector<512x1xi32>
    %eq3A_1945 = vector.broadcast %broadcast_in_dim3A_1944 : vector<512x1xi32> to vector<512x128xi32>
    %eq3A_1946 = arith.cmpi eq, %select_n3A_1927, %eq3A_1945 : vector<512x128xi32>
    %select_n3A_1947 = arith.select %eq3A_1946, %select_n3A_1928, %select_n3A_1926 : vector<512x128xi1>, vector<512x128xf32>
    %select_n3A_1948 = arith.select %eq3A_1946, %select_n3A_1929, %select_n3A_1927 : vector<512x128xi1>, vector<512x128xi32>
    %select_n3A_1949 = arith.select %eq3A_1946, %select_n3A_1930, %select_n3A_1928 : vector<512x128xi1>, vector<512x128xf32>
    %select_n3A_1950 = arith.select %eq3A_1946, %select_n3A_1931, %select_n3A_1929 : vector<512x128xi1>, vector<512x128xi32>
    %select_n3A_1951 = arith.select %eq3A_1946, %select_n3A_1932, %select_n3A_1930 : vector<512x128xi1>, vector<512x128xf32>
    %select_n3A_1952 = arith.select %eq3A_1946, %select_n3A_1933, %select_n3A_1931 : vector<512x128xi1>, vector<512x128xi32>
    %reduce_max3A_1953 = arith.constant dense<0xFF800000> : vector<512xf32>
    %reduce_max3A_1954 = vector.multi_reduction <maximumf>, %select_n3A_1947, %reduce_max3A_1953 [1] : vector<512x128xf32> to vector<512xf32>
    %broadcast_in_dim3A_1955 = vector.shape_cast %reduce_max3A_1954 : vector<512xf32> to vector<512x1xf32>
    %eq3A_1956 = vector.broadcast %broadcast_in_dim3A_1955 : vector<512x1xf32> to vector<512x128xf32>
    %eq3A_1957 = arith.cmpf oeq, %select_n3A_1947, %eq3A_1956 : vector<512x128xf32>
    %jit3A_1958 = arith.constant 1073741824 : i32
    %broadcast_in_dim3A_1959 = vector.broadcast %jit3A_1958 : i32 to vector<512x128xi32>
    %select_n3A_1960 = arith.select %eq3A_1957, %select_n3A_1948, %broadcast_in_dim3A_1959 : vector<512x128xi1>, vector<512x128xi32>
    %reduce_min3A_1961 = arith.constant dense<2147483647> : vector<512xi32>
    %reduce_min3A_1962 = vector.multi_reduction <minsi>, %select_n3A_1960, %reduce_min3A_1961 [1] : vector<512x128xi32> to vector<512xi32>
    %broadcast_in_dim3A_1963 = vector.shape_cast %reduce_min3A_1962 : vector<512xi32> to vector<512x1xi32>
    %eq3A_1964 = vector.broadcast %broadcast_in_dim3A_1963 : vector<512x1xi32> to vector<512x128xi32>
    %eq3A_1965 = arith.cmpi eq, %select_n3A_1948, %eq3A_1964 : vector<512x128xi32>
    %select_n3A_1966 = arith.select %eq3A_1965, %select_n3A_1949, %select_n3A_1947 : vector<512x128xi1>, vector<512x128xf32>
    %select_n3A_1967 = arith.select %eq3A_1965, %select_n3A_1950, %select_n3A_1948 : vector<512x128xi1>, vector<512x128xi32>
    %select_n3A_1968 = arith.select %eq3A_1965, %select_n3A_1951, %select_n3A_1949 : vector<512x128xi1>, vector<512x128xf32>
    %select_n3A_1969 = arith.select %eq3A_1965, %select_n3A_1952, %select_n3A_1950 : vector<512x128xi1>, vector<512x128xi32>
    %reduce_max3A_1970 = arith.constant dense<0xFF800000> : vector<512xf32>
    %reduce_max3A_1971 = vector.multi_reduction <maximumf>, %select_n3A_1966, %reduce_max3A_1970 [1] : vector<512x128xf32> to vector<512xf32>
    %broadcast_in_dim3A_1972 = vector.shape_cast %reduce_max3A_1971 : vector<512xf32> to vector<512x1xf32>
    %eq3A_1973 = vector.broadcast %broadcast_in_dim3A_1972 : vector<512x1xf32> to vector<512x128xf32>
    %eq3A_1974 = arith.cmpf oeq, %select_n3A_1966, %eq3A_1973 : vector<512x128xf32>
    %jit3A_1975 = arith.constant 1073741824 : i32
    %broadcast_in_dim3A_1976 = vector.broadcast %jit3A_1975 : i32 to vector<512x128xi32>
    %select_n3A_1977 = arith.select %eq3A_1974, %select_n3A_1967, %broadcast_in_dim3A_1976 : vector<512x128xi1>, vector<512x128xi32>
    %reduce_min3A_1978 = arith.constant dense<2147483647> : vector<512xi32>
    %reduce_min3A_1979 = vector.multi_reduction <minsi>, %select_n3A_1977, %reduce_min3A_1978 [1] : vector<512x128xi32> to vector<512xi32>
    %broadcast_in_dim3A_1980 = vector.shape_cast %reduce_min3A_1979 : vector<512xi32> to vector<512x1xi32>
    %eq3A_1981 = vector.broadcast %broadcast_in_dim3A_1980 : vector<512x1xi32> to vector<512x128xi32>
    %eq3A_1982 = arith.cmpi eq, %select_n3A_1967, %eq3A_1981 : vector<512x128xi32>
    %select_n3A_1983 = arith.select %eq3A_1982, %select_n3A_1968, %select_n3A_1966 : vector<512x128xi1>, vector<512x128xf32>
    %select_n3A_1984 = arith.select %eq3A_1982, %select_n3A_1969, %select_n3A_1967 : vector<512x128xi1>, vector<512x128xi32>
    %reduce_max3A_1985 = arith.constant dense<0xFF800000> : vector<512xf32>
    %reduce_max3A_1986 = vector.multi_reduction <maximumf>, %select_n3A_1983, %reduce_max3A_1985 [1] : vector<512x128xf32> to vector<512xf32>
    %broadcast_in_dim3A_1987 = vector.shape_cast %reduce_max3A_1986 : vector<512xf32> to vector<512x1xf32>
    %eq3A_1988 = vector.broadcast %broadcast_in_dim3A_1987 : vector<512x1xf32> to vector<512x128xf32>
    %eq3A_1989 = arith.cmpf oeq, %select_n3A_1983, %eq3A_1988 : vector<512x128xf32>
    %jit3A_1990 = arith.constant 1073741824 : i32
    %broadcast_in_dim3A_1991 = vector.broadcast %jit3A_1990 : i32 to vector<512x128xi32>
    %select_n3A_1992 = arith.select %eq3A_1989, %select_n3A_1984, %broadcast_in_dim3A_1991 : vector<512x128xi1>, vector<512x128xi32>
    %reduce_min3A_1993 = arith.constant dense<2147483647> : vector<512xi32>
    %reduce_min3A_1994 = vector.multi_reduction <minsi>, %select_n3A_1992, %reduce_min3A_1993 [1] : vector<512x128xi32> to vector<512xi32>
    %broadcast_in_dim3A_1995 = vector.shape_cast %reduce_min3A_1994 : vector<512xi32> to vector<512x1xi32>
    %concatenate3A = tpu.concatenate %broadcast_in_dim3A_1600, %broadcast_in_dim3A_1630, %broadcast_in_dim3A_1660, %broadcast_in_dim3A_1690, %broadcast_in_dim3A_1720, %broadcast_in_dim3A_1750, %broadcast_in_dim3A_1780, %broadcast_in_dim3A_1810, %broadcast_in_dim3A_1840, %broadcast_in_dim3A_1867, %broadcast_in_dim3A_1892, %broadcast_in_dim3A_1915, %broadcast_in_dim3A_1936, %broadcast_in_dim3A_1955, %broadcast_in_dim3A_1972, %broadcast_in_dim3A_1987 in 1 : vector<512x1xf32>, vector<512x1xf32>, vector<512x1xf32>, vector<512x1xf32>, vector<512x1xf32>, vector<512x1xf32>, vector<512x1xf32>, vector<512x1xf32>, vector<512x1xf32>, vector<512x1xf32>, vector<512x1xf32>, vector<512x1xf32>, vector<512x1xf32>, vector<512x1xf32>, vector<512x1xf32>, vector<512x1xf32> -> vector<512x16xf32>
    %swap3A = arith.constant 0 : index
    %swap3A_1996 = arith.constant 0 : index
    %swap3A_1997 = vector.load %arg3[%swap3A, %swap3A_1996] : memref<512x16xf32, #tpu.memory_space<vmem>>, vector<512x16xf32>
    tpu.vector_store %arg3[%swap3A, %swap3A_1996], %concatenate3A {strides = array<i32>} : memref<512x16xf32, #tpu.memory_space<vmem>>, vector<512x16xf32>,
    %concatenate3A_1998 = tpu.concatenate %broadcast_in_dim3A_1608, %broadcast_in_dim3A_1638, %broadcast_in_dim3A_1668, %broadcast_in_dim3A_1698, %broadcast_in_dim3A_1728, %broadcast_in_dim3A_1758, %broadcast_in_dim3A_1788, %broadcast_in_dim3A_1818, %broadcast_in_dim3A_1848, %broadcast_in_dim3A_1875, %broadcast_in_dim3A_1900, %broadcast_in_dim3A_1923, %broadcast_in_dim3A_1944, %broadcast_in_dim3A_1963, %broadcast_in_dim3A_1980, %broadcast_in_dim3A_1995 in 1 : vector<512x1xi32>, vector<512x1xi32>, vector<512x1xi32>, vector<512x1xi32>, vector<512x1xi32>, vector<512x1xi32>, vector<512x1xi32>, vector<512x1xi32>, vector<512x1xi32>, vector<512x1xi32>, vector<512x1xi32>, vector<512x1xi32>, vector<512x1xi32>, vector<512x1xi32>, vector<512x1xi32>, vector<512x1xi32> -> vector<512x16xi32>
    %swap3A_1999 = arith.constant 0 : index
    %swap3A_2000 = arith.constant 0 : index
    %swap3A_2001 = vector.load %arg4[%swap3A_1999, %swap3A_2000] : memref<512x16xi32, #tpu.memory_space<vmem>>, vector<512x16xi32>
    tpu.vector_store %arg4[%swap3A_1999, %swap3A_2000], %concatenate3A_1998 {strides = array<i32>} : memref<512x16xi32, #tpu.memory_space<vmem>>, vector<512x16xi32>,
    return
  }
  func.func @transform_0(%arg0: i32) -> (i32, i32) {
    %c0_i32 = arith.constant 0 : i32
    %c0_i32_0 = arith.constant 0 : i32
    return %arg0, %c0_i32 : i32, i32
  }
  func.func @transform_1(%arg0: i32) -> (i32, i32) {
    %c0_i32 = arith.constant 0 : i32
    %c0_i32_0 = arith.constant 0 : i32
    %c0_i32_1 = arith.constant 0 : i32
    return %c0_i32, %c0_i32_0 : i32, i32
  }
  func.func @transform_2(%arg0: i32) -> (i32, i32) {
    %c0_i32 = arith.constant 0 : i32
    %c0_i32_0 = arith.constant 0 : i32
    return %arg0, %c0_i32 : i32, i32
  }
  func.func @transform_3(%arg0: i32) -> (i32, i32) {
    %c0_i32 = arith.constant 0 : i32
    %c0_i32_0 = arith.constant 0 : i32
    return %arg0, %c0_i32 : i32, i32
  }
}

</mosaic_0001>

<sc_bundles>
// kernel: kernel.5.cloned.1.call-start
scs
__scs_entry_jumppad:
0x0: {  	(pc) =	sbr.rel $0x88, $3  }
0x1: {  	(tag) =	ssettag $0x0;
	lr =	simm.s32 $0x1  }
0x2: {  	[smem:$0x3F9D] =	sst lr;
	_ =	strace $0xD0000000  }
0x3: {  	_ = 	snop  }
0x4: {  	_ = 	snop  }
0x5: {  	_ = 	snop  }
0x6: {  	_ = 	snop  }
0x7: {  	_ = 	snop  }
__scs_overlays_trampoline_lowered:
0x8: {  	[smem:$0x3FAC] =	sst s0  }
0x9: {  	[smem:$0x3FAD] =	sst s1  }
0xa: {  	[smem:$0x3FAE] =	sst s2  }
0xb: {  	[smem:$0x3FAF] =	sst s3  }
0xc: {  	[smem:$0x3FB0] =	sst s4  }
0xd: {  	[smem:$0x3FB1] =	sst s5  }
0xe: {  	[smem:$0x3FB2] =	sst s6  }
0xf: {  	[smem:$0x3FB3] =	sst s7  }
0x10: {  	[smem:$0x3FB4] =	sst s8  }
0x11: {  	[smem:$0x3FB5] =	sst s9;
	s0 =	simm.s32 @!p0 $0x0  }
0x12: {  	s1 =	sld [smem:$0x3F9B];
	s0 =	simm.s32 @p0 $0x1  }
0x13: {  	[smem:$0x3FB6] =	sst s0;
	s0 =	simm.s32 @!p1 $0x0  }
0x14: {  	s2 =	sld [smem:$0x3F9A];
	s0 =	simm.s32 @p1 $0x1  }
0x15: {  	[smem:$0x3FB7] =	sst s0;
	s0 =	simm.s32 @!p2 $0x0  }
0x16: {  	s3 =	sld [smem:$0x3FDB];
	s0 =	simm.s32 @p2 $0x1  }
0x17: {  	s4 =	simm.s32 $0x1BF5;
	[smem:$0x3FB9] =	sst s0  }
0x18: {  	s0 =	sld [smem:$0x3F9C];
	_ =	swait.ge [sflag:s4], $0x0  }
0x19: {  	s7 =	sld [smem:$0x3F9D]  }
0x1a: {  	s8 =	sadd.s32 $0xFFFFE003, lr  }
0x1b: {  	s9 =	sadd.s32 $0xFFFFFEF7, lr;
	s5 =	simm.s32 $0xFFFFFFFF;
	p2 =	slt.u32 s8, $0xFFFFF086  }
0x1c: {  	p1 =	slt.u32 s9, $0xF7A;
	s5 =	simm.s32 @!p2 $0x0  }
0x1d: {  	s5 =	simm.s32 @p1 $0x1;
	p0 =	seq.s32 s7, s2  }
0x1e: {  	s7 =	smul.u32 @!p0 $0xF7A, s2;
	p2 =	seq.s32 @!p0 s5, $0x0  }
0x1f: {  	s9 =	smul.u32 $0xF7A, s1;
	s8 =	simm.s32 @!p0 $0x1BF5;
	p2 =	por !p2, p0  }
0x20: {  	[sflag:s8] =	ssyncset.s32 @!p0 $0xFFFFF086;
	s6 =	sadd.s32 @!p0 s3, s7;
	s7 =	simm.s32 @!p0 $0x108  }
0x21: {  	s3 =	sadd.s32 s3, s9;
	s6 =	sadd.s32 @!p0 $0x88, s6;
	s7 =	simm.s32 @p2 $0x1082  }
0x22: {  	[simem:s7], [sflag:s8] =	dma.local @!p0 [hbm:s6], $0xF7A  }
0x23: {  	s9 =	sor.u32 $0xD0000000, s2;
	s6 =	simm.s32 $0x108;
	_ =	swait.ge @!p0 [sflag:s8], $0x0  }
0x24: {  	s3 =	sadd.s32 $0x88, s3;
	s6 =	simm.s32 @!p1 $0x1082;
	[sflag:s4] =	ssyncset.s32 $0xFFFFF086  }
0x25: {  	[simem:s6], [sflag:s4] =	dma.local [hbm:s3], $0xF7A  }
0x26: {  	[smem:$0x3F9D] =	sst s1;
	(tag) =	ssettag s2;
	_ =	strace s9  }
0x27: {  	s1 =	sld [smem:$0x3FAD]  }
0x28: {  	s2 =	sld [smem:$0x3FAE]  }
0x29: {  	s4 =	sld [smem:$0x3FB0]  }
0x2a: {  	p0 =	seq.s32 s5, $0x0;
	s5 =	sld [smem:$0x3FB1]  }
0x2b: {  	s6 =	sld [smem:$0x3FB2]  }
0x2c: {  	s7 =	sld [smem:$0x3FB3]  }
0x2d: {  	s3 =	simm.s32 $0x108;
	s8 =	sld [smem:$0x3FB4]  }
0x2e: {  	s3 =	simm.s32 @!p0 $0x1082;
	s9 =	sld [smem:$0x3FB5]  }
0x2f: {  	lr =	sadd.s32 s0, s3;
	s0 =	sld [smem:$0x3FAC]  }
0x30: {  	s3 =	sld [smem:$0x3FAF]  }
0x31: {  	[smem:$0x3FB8] =	sst s10  }
0x32: {  	s10 =	sld [smem:$0x3FB6];
	_ =	sdelay $0x3  }
0x33: {  	p0 =	seq.s32 s10, $0x1;
	s10 =	sld [smem:$0x3FB8];
	_ =	sdelay $0x3  }
0x34: {  	[smem:$0x3FB8] =	sst s10  }
0x35: {  	s10 =	sld [smem:$0x3FB7];
	_ =	sdelay $0x3  }
0x36: {  	p1 =	seq.s32 s10, $0x1;
	s10 =	sld [smem:$0x3FB8];
	_ =	sdelay $0x3  }
0x37: {  	[smem:$0x3FB8] =	sst s10  }
0x38: {  	s10 =	sld [smem:$0x3FB9]  }
0x39: {  	_ = 	snop;
	(pc) =	sbr.ind lr, $3  }
0x3a: {  	_ = 	snop  }
0x3b: {  	_ = 	snop  }
0x3c: {  	p2 =	seq.s32 s10, $0x1;
	s10 =	sld [smem:$0x3FB8]  }
0x3d: {  	_ =	shalt  }
0x3e: {  	_ =	shalt  }
0x3f: {  	_ =	shalt  }
0x40: {  	_ =	shalt  }
0x41: {  	_ =	shalt  }
0x42: {  	_ =	shalt  }
0x43: {  	_ =	shalt  }
0x44: {  	_ =	shalt  }
0x45: {  	_ =	shalt  }
0x46: {  	_ =	shalt  }
0x47: {  	_ =	shalt  }
0x48: {  	_ =	shalt  }
0x49: {  	_ =	shalt  }
0x4a: {  	_ =	shalt  }
0x4b: {  	_ =	shalt  }
0x4c: {  	_ =	shalt  }
0x4d: {  	_ =	shalt  }
0x4e: {  	_ =	shalt  }
0x4f: {  	_ =	shalt  }
0x50: {  	_ =	shalt  }
0x51: {  	_ =	shalt  }
0x52: {  	_ =	shalt  }
0x53: {  	_ =	shalt  }
0x54: {  	_ =	shalt  }
0x55: {  	_ =	shalt  }
0x56: {  	_ =	shalt  }
0x57: {  	_ =	shalt  }
0x58: {  	_ =	shalt  }
0x59: {  	_ =	shalt  }
0x5a: {  	_ =	shalt  }
0x5b: {  	_ =	shalt  }
0x5c: {  	_ =	shalt  }
0x5d: {  	_ =	shalt  }
0x5e: {  	_ =	shalt  }
0x5f: {  	_ =	shalt  }
0x60: {  	_ =	shalt  }
0x61: {  	_ =	shalt  }
0x62: {  	_ =	shalt  }
0x63: {  	_ =	shalt  }
0x64: {  	_ =	shalt  }
0x65: {  	_ =	shalt  }
0x66: {  	_ =	shalt  }
0x67: {  	_ =	shalt  }
0x68: {  	_ =	shalt  }
0x69: {  	_ =	shalt  }
0x6a: {  	_ =	shalt  }
0x6b: {  	_ =	shalt  }
0x6c: {  	_ =	shalt  }
0x6d: {  	_ =	shalt  }
0x6e: {  	_ =	shalt  }
0x6f: {  	_ =	shalt  }
0x70: {  	_ =	shalt  }
0x71: {  	_ =	shalt  }
0x72: {  	_ =	shalt  }
0x73: {  	_ =	shalt  }
0x74: {  	_ =	shalt  }
0x75: {  	_ =	shalt  }
0x76: {  	_ =	shalt  }
0x77: {  	_ =	shalt  }
0x78: {  	_ =	shalt  }
0x79: {  	_ =	shalt  }
0x7a: {  	_ =	shalt  }
0x7b: {  	_ =	shalt  }
0x7c: {  	_ =	shalt  }
0x7d: {  	_ =	shalt  }
0x7e: {  	_ =	shalt  }
0x7f: {  	_ =	shalt  }
0x80: {  	_ =	shalt  }
0x81: {  	_ =	shalt  }
0x82: {  	_ =	shalt  }
0x83: {  	_ =	shalt  }
0x84: {  	_ =	shalt  }
0x85: {  	_ =	shalt  }
0x86: {  	_ =	shalt  }
0x87: {  	_ =	shalt  }
.Lfunc_end0:
.L_simem_size_0:
called_computation_lowered:
.L_overlay_start_0:
0x88: {  	s2 =	sld [smem:$0x3FD9]  }
0x89: {  	s3 =	sld [smem:$0x3FFE];
	_ =	sdelay $0x1  }
0x8a: {  	s1 =	srdreg.scid  }
0x8b: {  	s0 =	sand.u32 $0x1, s1  }
0x8c: {  	s14 =	sshll.u32 s0, $0xA;
	s2 =	sadd.s32 s3, s2  }
0x8d: {  	s2 =	sadd.s32 s2, s14  }
0x8e: {  	[smem:$0x3FC4] =	sst s2  }
0x8f: {  	_ = 	snop  }
0x90: {  	s2 =	sld [smem:$0x3FD0];
	_ =	sdelay $0x2  }
0x91: {  	s15 =	simm.s32 $0xA;
	s4 =	simm.s32 $0x10  }
0x92: {  	[smem:s4], [sflag:s15] =	dma.local [hbm:s2], $0x1  }
0x93: {  	_ =	swait.eq [sflag:s15], $0x1  }
0x94: {  	[sflag:s15] =	ssyncset.done $0x0  }
0x95: {  	[sflag:s15] =	ssyncadd.s32 $0xFFFFFFFF  }
0x96: {  	s16 =	sld [smem:$0x10];
	(tm) =	ssettm $0x1  }
0x97: {  	s17 =	sld [smem:$0x3FFB];
	_ =	sdelay $0x3  }
0x98: {  	_ =	strace s17  }
0x99: {  	s3 =	sld [smem:$0x3FFC];
	_ =	sdelay $0x3  }
0x9a: {  	_ =	strace s3  }
0x9b: {  	s3 =	sld [smem:$0x3FFD];
	_ =	sdelay $0x3  }
0x9c: {  	_ =	strace s3  }
0x9d: {  	_ =	strace $0x8FFFFFFF  }
0x9e: {  	s18 =	sld [smem:$0x3FDB];
	_ =	sdelay $0x1  }
0x9f: {  	s19 =	simm.s32 $_scs_section_size  }
0xa0: {  	s5 =	simm.s32 $_size__tile_overlayer_lowered;
	s6 =	simm.s32 $_tile_overlayer_lowered  }
0xa1: {  	s22 =	simm.s32 $0x1BFF;
	s21 =	sshll.u32 s6, $0x1;
	s3 =	sadd.s32 s19, s18  }
0xa2: {  	s7 =	simm.s32 $0x0;
	s20 =	sshll.u32 s5, $0x1;
	s5 =	sadd.s32 s21, s3  }
0xa3: {  	[timem:s7], [sflag:s22] =	dma.local [hbm:s5], s20  }
0xa4: {  	_ =	swait.ge [sflag:s22], s20  }
0xa5: {  	s4 =	ssub.s32 $0x0, s20;
	[sflag:s22] =	ssyncset.done $0x0  }
0xa6: {  	[sflag:s22] =	ssyncadd.s32 s4;
	_ =	sdelay $0x1  }
0xa7: {  	s23 =	simm.s32 $0x1B8B  }
0xa8: {  	_ =	swait.ge [sflag:s23], $0x1  }
0xa9: {  	[sflag:s23] =	ssyncset.done $0x0  }
0xaa: {  	s25 =	simm.s32 $0x1B8E;
	s24 =	sld [smem:$0x3FFE];
	[sflag:s23] =	ssyncadd.s32 $0xFFFFFFFF  }
0xab: {  	s26 =	simm.s32 $execute0_lowered;
	[smem:$0x3FD2] =	sst s25  }
0xac: {  	s5 =	sshll.u32 s26, $0x1;
	_ =	strace $0x80000046;
	[dreg:$0x1] =	wrdreg $0xFFFFFFFF  }
0xad: {  	s28 =	simm.s32 $_size_execute0_lowered;
	s3 =	sadd.s32 s3, s5;
	[dreg:$0x0] =	wrdreg $0x0  }
0xae: {  	s5 =	sshll.u32 s28, $0x1;
	[dreg:$0x2] =	wrdreg s3  }
0xaf: {  	[dreg:$0x3] =	wrdreg s5  }
0xb0: {  	[dreg:$0x4] =	wrdreg $0xC0  }
0xb1: {  	_ =	task [dreg:s7], $0x5FFFF  }
0xb2: {  	[dreg:$0x1] =	wrdreg $0xFFFFFFFF  }
0xb3: {  	[dreg:$0x0] =	wrdreg $0x60  }
0xb4: {  	[dreg:$0x2] =	wrdreg s24  }
0xb5: {  	[dreg:$0x3] =	wrdreg s16  }
0xb6: {  	[dreg:$0x4] =	wrdreg $0x9  }
0xb7: {  	_ =	task.clear_ibuf [dreg:s7], $0x5FFFF;
	_ =	strace $0x90000046  }
0xb8: {  	s29 =	simm.s32 $0x9;
	_ =	strace $0x80000048  }
0xb9: {  	_ =	swait.ge [sflag:s29], $0x1  }
0xba: {  	[sflag:s29] =	ssyncadd.s32 $0xFFFFFFFF  }
0xbb: {  	_ =	strace $0x90000048  }
0xbc: {  	_ =	sfence  }
0xbd: {  	s30 =	sld [smem:$0x0];
	_ =	sdelay $0x2  }
0xbe: {  	s31 =	sshll.u32 s1, $0xD;
	s1 =	sshrl.u32 s1, $0x2  }
0xbf: {  	s3 =	sand.u32 $0x4000, s31;
	s1 =	sadd.s32 s1, s30  }
0xc0: {  	s0 =	sor.u32 s3, s0;
	s1 =	sshll.u32 s1, $0x11  }
0xc1: {  	s0 =	sor.u32 s1, s0  }
0xc2: {  	s0 =	sadd.s32 $0x8F2B, s0  }
0xc3: {  	[sflag:s0] =	ssyncadd.remote.s32 $0x1  }
0xc4: {  	_ =	sfence.sel $0xFFFF  }
0xc5: {  	[dreg:$0x0] =	wrdreg $0xFFFFFFFF;
	(pc) =	sbr.abs _section_cstart, $3  }
0xc6: {  	[dreg:$0x1] =	wrdreg $0xFFFFFFFF  }
0xc7: {  	_ =	task.clear_ibuf [dreg:s7], $0x2FFFF;
	_ =	strace $0x9FFFFFFF  }
0xc8: {  	(tm) =	ssettm $0x7FFFFFFF  }
0xc9: {  	_ =	shalt  }
tec
execute0_lowered:
.L_overlay_start_1:
0x0: {  	(tag) =	ssettag $0x1  }
0x1: {  	s4 =	rddreg [dreg:$0x0]  }
0x2: {  	s7 =	rddreg [dreg:$0x1]  }
0x3: {  	s0 =	rddreg [dreg:$0x2];
	s3 =	srdreg.scid  }
0x4: {  	s1 =	stileid.u32;
	s2 =	simm.s32 $0x0;
	s21 =	simm.s32 $0x1  }
0x5: {  	s22 =	simm.s32 $0x1000;
	s23 =	simm.s32 $0x2080;
	s24 =	simm.s32 $0x0  }
0x6: {  	s19 =	sand.u32 $0x1, s3;
	s29 =	sshll.u32 s1, $0x1;
	[smem:$0x7FF] =	sst s2  }
0x7: {  	s3 =	sadd.s32 $0x8E00, s4;
	s15 =	sadd.s32 $0x9000, s4;
	s16 =	sadd.s32 $0x19400, s4  }
0x8: {  	s30 =	sshll.u32 s1, $0xD;
	s31 =	sshll.u32 s1, $0x9;
	s12 =	sor.u32 s19, s29  }
0x9: {  	_ =	strace $0x80000047;
	s5 =	ssub.s32 $0x2, s19;
	s20 =	sshll.u32 s19, $0xC  }
0xa: {  	s19 =	sshll.u32 s19, $0x8;
	s13 =	sshll.u32 s12, $0x9;
	s6 =	sshrl.u32 s5, $0x1  }
0xb: {  	s18 =	sshll.u32 s12, $0x5;
	s19 =	sor.u32 s19, s31;
	s10 =	sadd.s32 s13, s4  }
0xc: {  	s17 =	ssub.s32 s5, s6;
	s5 =	sadd.s32 s15, s13;
	s9 =	sor.u32 $0x8000, s13  }
0xd: {  	s7 =	sadd.s32 s7, s13;
	s8 =	sadd.s32 s16, s13;
	s14 =	sor.u32 $0xC000, s13  }
0xe: {  	s13 =	sor.u32 $0x4000, s13;
	s18 =	sor.u32 $0x10000, s18;
	s4 =	sadd.s32 $0x4E00, s10  }
0xf: {  	s6 =	sadd.s32 s16, s9;
	s9 =	sadd.s32 s15, s9;
	s10 =	sadd.s32 $0xE00, s10  }
0x10: {  	s11 =	sadd.s32 s15, s14;
	s12 =	sadd.s32 s16, s13;
	s13 =	sadd.s32 s15, s13  }
0x11: {  	s14 =	sadd.s32 s16, s14;
	s15 =	sadd.s32 s15, s18;
	s16 =	sadd.s32 s16, s18  }
0x12: {  	v0 =	vlaneseq.u32;
	s17 =	smax.u32 s17, $0x1;
	s18 =	sor.u32 s20, s30;
	s20 =	simm.s32 $0x2000  }
.LBB2_1:
0x13: {  	[tilespmem:s20], [sflag:$0x1] =	stream.linear.gather [hbm4b:s3+s2], $0x80, $0x38;
	[tilespmem:$0x2180] =	vst v63  }
0x14: {  	_ =	swait.ge [sflag:s21], $0x80  }
0x15: {  	[sflag:s21] =	ssyncset.done $0x0  }
0x16: {  	[sflag:s21] =	ssyncadd.s32 $0xFFFFFF80  }
0x17: {  	v1 =	vld [tilespmem:$0x2000];
	[tilespmem:s2], [sflag:$0x1] =	stream.linear.gather [hbm4b:s4+s2], $0x1000, $0x38  }
0x18: {  	_ =	swait.ge [sflag:s21], $0x1000  }
0x19: {  	[sflag:s21] =	ssyncset.done $0x0  }
0x1a: {  	[sflag:s21] =	ssyncadd.s32 $0xFFFFF000  }
0x1b: {  	[hbm4b:s5+s2] =	stream.linear.scatter [tilespmem:s2], [sflag:$0x1], $0x1000, $0x38;
	[tilespmem:$0x2180] =	vst v63  }
0x1c: {  	_ =	swait.ge [sflag:s21], $0x1000  }
0x1d: {  	[sflag:s21] =	ssyncset.done $0x0  }
0x1e: {  	[sflag:s21] =	ssyncadd.s32 $0xFFFFF000  }
0x1f: {  	[hbm4b:s6+s2] =	stream.linear.scatter [tilespmem:s2], [sflag:$0x1], $0x1000, $0x38;
	[tilespmem:$0x2180] =	vst v63  }
0x20: {  	_ =	swait.ge [sflag:s21], $0x1000  }
0x21: {  	[sflag:s21] =	ssyncset.done $0x0  }
0x22: {  	[sflag:s21] =	ssyncadd.s32 $0xFFFFF000  }
0x23: {  	[tilespmem:s2], [sflag:$0x1] =	stream.linear.gather [hbm4b:s7+s2], $0x1000, $0x38;
	[tilespmem:$0x2180] =	vst v63  }
0x24: {  	_ =	swait.ge [sflag:s21], $0x1000  }
0x25: {  	[sflag:s21] =	ssyncset.done $0x0  }
0x26: {  	[sflag:s21] =	ssyncadd.s32 $0xFFFFF000  }
0x27: {  	[hbm4b:s8+s2] =	stream.linear.scatter [tilespmem:s2], [sflag:$0x1], $0x1000, $0x38;
	[tilespmem:$0x2180] =	vst v63  }
0x28: {  	_ =	swait.ge [sflag:s21], $0x1000  }
0x29: {  	[sflag:s21] =	ssyncset.done $0x0  }
0x2a: {  	[sflag:s21] =	ssyncadd.s32 $0xFFFFF000  }
0x2b: {  	[hbm4b:s9+s2] =	stream.linear.scatter [tilespmem:s2], [sflag:$0x1], $0x1000, $0x38;
	[tilespmem:$0x2180] =	vst v63  }
0x2c: {  	_ =	swait.ge [sflag:s21], $0x1000  }
0x2d: {  	[sflag:s21] =	ssyncset.done $0x0  }
0x2e: {  	[sflag:s21] =	ssyncadd.s32 $0xFFFFF000  }
0x2f: {  	[tilespmem:s2], [sflag:$0x1] =	stream.linear.gather [hbm4b:s10+s2], $0x1000, $0x38;
	[tilespmem:$0x2180] =	vst v63  }
0x30: {  	_ =	swait.ge [sflag:s21], $0x1000  }
0x31: {  	[sflag:s21] =	ssyncset.done $0x0  }
0x32: {  	[sflag:s21] =	ssyncadd.s32 $0xFFFFF000  }
0x33: {  	[hbm4b:s11+s2] =	stream.linear.scatter [tilespmem:s2], [sflag:$0x1], $0x1000, $0x38;
	[tilespmem:$0x2180] =	vst v63  }
0x34: {  	_ =	swait.ge [sflag:s21], $0x1000  }
0x35: {  	[sflag:s21] =	ssyncset.done $0x0  }
0x36: {  	v2 =	vmov s18;
	[sflag:s21] =	ssyncadd.s32 $0xFFFFF000  }
0x37: {  	v2 =	vshra.s32 v2, $0x4;
	[hbm4b:s12+s2] =	stream.linear.scatter [tilespmem:s2], [sflag:$0x1], $0x1000, $0x38;
	[tilespmem:$0x2180] =	vst v63  }
0x38: {  	v2 =	vbroadcast v2, $0x0;
	_ =	swait.ge [sflag:s21], $0x1000  }
0x39: {  	s25 =	simm.s32 $0x40;
	[sflag:s21] =	ssyncset.done $0x0  }
0x3a: {  	s28 =	simm.s32 $0x0;
	s26 =	smov.u32 s18;
	v2 =	vadd.s32 v1, v2;
	[sflag:s21] =	ssyncadd.s32 $0xFFFFF000  }
.LBB2_2:
0x3b: {  	p0 =	sne.s32 s25, $0x3FC0  }
0x3c: {  	[tilespmem:s28+$0x1000] =	vst v2;
	s26 =	sadd.s32 $0x10, s26;
	s28 =	smov.u32 s25;
	s25 =	sadd.s32 $0x40, s25  }
.Ltmp0:
0x3d: {  	v2 =	vmov s26;
	(pc) =	sbr.rel @p0 .LBB2_2-.Ltmp0, $3  }
0x3e: {  	v2 =	vshra.s32 v2, $0x4  }
0x3f: {  	v2 =	vbroadcast v2, $0x0;
	_ =	sdelay $0x1  }
0x40: {  	s28 =	sshra.s32 s28, $0x2;
	v2 =	vadd.s32 v1, v2  }
0x41: {  	[tilespmem:s28+$0x1000] =	vst v2;
	s25 =	simm.s32 $0x0  }
0x42: {  	[hbm4b:s13+s25] =	stream.linear.scatter [tilespmem:s22], [sflag:$0x1], $0x1000, $0x38;
	[tilespmem:$0x2180] =	vst v63  }
0x43: {  	_ =	swait.ge [sflag:s21], $0x1000  }
0x44: {  	[sflag:s21] =	ssyncset.done $0x0  }
0x45: {  	[sflag:s21] =	ssyncadd.s32 $0xFFFFF000  }
0x46: {  	[hbm4b:s14+s25] =	stream.linear.scatter [tilespmem:s22], [sflag:$0x1], $0x1000, $0x38;
	[tilespmem:$0x2180] =	vst v63  }
0x47: {  	_ =	swait.ge [sflag:s21], $0x1000  }
0x48: {  	s28 =	simm.s32 $0x0;
	[sflag:s21] =	ssyncset.done $0x0  }
0x49: {  	v1 =	vor.u32 s19, v0;
	s26 =	smov.u32 s19;
	s25 =	simm.s32 $0x40;
	[sflag:s21] =	ssyncadd.s32 $0xFFFFF000  }
.LBB2_4:
0x4a: {  	p0 =	sne.s32 s25, $0x3C0  }
0x4b: {  	[tilespmem:s28+$0x2080] =	vst v1;
	s26 =	sadd.s32 $0x10, s26;
	s28 =	smov.u32 s25;
	s25 =	sadd.s32 $0x40, s25  }
.Ltmp1:
0x4c: {  	(pc) =	sbr.rel @p0 .LBB2_4-.Ltmp1, $2  }
0x4d: {  	_ =	sdelay $0x2  }
0x4e: {  	v1 =	vor.u32 s26, v0;
	s28 =	sshra.s32 s28, $0x2  }
0x4f: {  	[tilespmem:s28+$0x2080] =	vst v1  }
0x50: {  	[hbm4b:s15+s2] =	stream.linear.scatter [tilespmem:s23], [sflag:$0x1], $0x100, $0x38;
	[tilespmem:$0x2180] =	vst v63  }
0x51: {  	s24 =	sadd.s32 $0x1, s24;
	_ =	swait.ge [sflag:s21], $0x100  }
0x52: {  	p0 =	sne.s32 s24, s17;
	[sflag:s21] =	ssyncset.done $0x0  }
.Ltmp2:
0x53: {  	[sflag:s21] =	ssyncadd.s32 $0xFFFFFF00;
	(pc) =	sbr.rel @p0 .LBB2_1-.Ltmp2, $4  }
0x54: {  	[hbm4b:s16+s2] =	stream.linear.scatter [tilespmem:s23], [sflag:$0x1], $0x100, $0x38;
	[tilespmem:$0x2180] =	vst v63  }
0x55: {  	_ =	swait.ge [sflag:s21], $0x100  }
0x56: {  	[sflag:s21] =	ssyncset.done $0x0  }
0x57: {  	[sflag:s21] =	ssyncadd.s32 $0xFFFFFF00  }
0x58: {  	_ =	sfence.sel $0x180000  }
0x59: {  	[bflag:$0x0] =	sbarrier.arrive $0xFFFF  }
0x5a: {  	p0 =	sne.s32 s1, $0x0;
	_ =	strace $0x90000047  }
0x5b: {  	s0 =	sadd.s32 @!p0 $0x100000, s0;
	[bflag:$0x2] =	sbarrier.arrive $0xFFFF  }
0x5c: {  	[sflag:s0] =	ssyncadd.tile.s32 @!p0 $0x1;
	_ =	shalt  }
.Lfunc_end2:
_tile_overlayer_lowered:
.L_overlay_start_2:
0x5d: {  	(tag) =	ssettag $0x2  }
0x5e: {  	s0 =	rddreg [dreg:$0x0];
	s2 =	stileid.u32  }
0x5f: {  	s1 =	rddreg [dreg:$0x1];
	p0 =	sne.s32 s2, $0x0  }
0x60: {  	s3 =	rddreg [dreg:$0x2];
	[bflag:$0x3] =	sbarrier.arrive $0xFFFF;
	s2 =	simm.s32 @!p0 $0x1C01  }
0x61: {  	[timem:s3], [sflag:s2] =	dma.local @!p0 [hbm:s0], s1  }
0x62: {  	s0 =	simm.s32 @!p0 $0x1  }
0x63: {  	_ =	swait.ge @!p0 [sflag:s0], s1  }
0x64: {  	s1 =	ssub.s32 @!p0 $0x0, s1;
	[sflag:s0] =	ssyncset.done @!p0 $0x0  }
0x65: {  	[sflag:s0] =	ssyncadd.s32 @!p0 s1  }
0x66: {  	[bflag:$0x3] =	sbarrier.arrive $0xFFFF  }
0x67: {  	_ =	shalt  }

</sc_bundles>
